<compile_context>
chip_gen: v7x
topology: tpu7x:2x2x1
jax: 0.10.2.dev20260603
libtpu: 0.0.44.dev20260713+nightly
codegen_flags: <defaults>
</compile_context>

<pallas_src>
import functools

import jax
import jax.numpy as jnp
from jax import lax
from jax.experimental import pallas as pl
from jax.experimental.pallas import tpu as pltpu
from jax.experimental.pallas import tpu_sc as plsc

N_USERS = 6000
N_MOVIES = 4000
N = N_USERS + N_MOVIES
N_PAD = 10240
E = 320000
D = 64
DW = 16
BN_EPS = 1e-5

NC = 2
NS = 16
NW = NC * NS
EPW = E // NW
B = 125
NBLK = EPW // B
K = 8
ITERS = NBLK // K
ROWS_PER_TILE = N_PAD // NS


def _vector_mesh():
    return plsc.VectorSubcoreMesh(core_axis_name="c", subcore_axis_name="s",
                                  num_cores=NC, num_subcores=NS)


_SC_PARAMS = pltpu.CompilerParams(use_tc_tiling_on_sc=False)


def _sc_degree(dst, zeros16, ones_blk):
    @functools.partial(
        pl.kernel,
        out_type=jax.ShapeDtypeStruct((NC, N_PAD, DW), jnp.float32),
        mesh=_vector_mesh(),
        compiler_params=_SC_PARAMS,
        scratch_types=[
            pltpu.VMEM((NBLK, B), jnp.int32),
            pltpu.VMEM((B, DW), jnp.float32),
            pltpu.VMEM_SHARED((N_PAD, DW), jnp.float32),
            pltpu.SemaphoreType.DMA,
        ],
    )
    def deg_kernel(dst_hbm, z_hbm, ones_hbm, out_hbm, didx_v, ones_v, acc_sh,
                   ssem):
        c = lax.axis_index("c")
        s = lax.axis_index("s")
        wid = s * NC + c
        row0 = s * ROWS_PER_TILE
        pltpu.sync_copy(z_hbm.at[pl.ds(row0, ROWS_PER_TILE)],
                        acc_sh.at[pl.ds(row0, ROWS_PER_TILE)])
        pltpu.sync_copy(dst_hbm.at[wid], didx_v)
        pltpu.sync_copy(ones_hbm, ones_v)
        plsc.subcore_barrier()

        @pl.loop(0, ITERS)
        def _(it):
            blk0 = it * K
            copies = [
                pltpu.async_copy(ones_v, acc_sh.at[didx_v.at[blk0 + j]],
                                 ssem, add=True)
                for j in range(K)
            ]
            for d in copies:
                d.wait()

        plsc.subcore_barrier()
        pltpu.sync_copy(acc_sh.at[pl.ds(row0, ROWS_PER_TILE)],
                        out_hbm.at[c, pl.ds(row0, ROWS_PER_TILE)])

    return deg_kernel(dst, zeros16, ones_blk)


def _sc_aggregate(h, src, dst, zeros64):
    @functools.partial(
        pl.kernel,
        out_type=jax.ShapeDtypeStruct((NC, N_PAD, D), jnp.float32),
        mesh=_vector_mesh(),
        compiler_params=_SC_PARAMS,
        scratch_types=[
            pltpu.VMEM((NBLK, B), jnp.int32),
            pltpu.VMEM((NBLK, B), jnp.int32),
            pltpu.VMEM((K, B, D), jnp.float32),
            pltpu.VMEM_SHARED((N_PAD, D), jnp.float32),
            pltpu.SemaphoreType.DMA,
            pltpu.SemaphoreType.DMA,
        ],
    )
    def agg_kernel(h_hbm, src_hbm, dst_hbm, z_hbm, out_hbm,
                   sidx_v, didx_v, rows_v, acc_sh, gsem, ssem):
        c = lax.axis_index("c")
        s = lax.axis_index("s")
        wid = s * NC + c
        row0 = s * ROWS_PER_TILE
        pltpu.sync_copy(z_hbm.at[pl.ds(row0, ROWS_PER_TILE)],
                        acc_sh.at[pl.ds(row0, ROWS_PER_TILE)])
        pltpu.sync_copy(src_hbm.at[wid], sidx_v)
        pltpu.sync_copy(dst_hbm.at[wid], didx_v)
        plsc.subcore_barrier()

        @pl.loop(0, ITERS)
        def _(it):
            blk0 = it * K
            gathers = [
                pltpu.async_copy(h_hbm.at[sidx_v.at[blk0 + j]],
                                 rows_v.at[j], gsem)
                for j in range(K)
            ]
            for d in gathers:
                d.wait()
            scatters = [
                pltpu.async_copy(rows_v.at[j],
                                 acc_sh.at[didx_v.at[blk0 + j]],
                                 ssem, add=True)
                for j in range(K)
            ]
            for d in scatters:
                d.wait()

        plsc.subcore_barrier()
        pltpu.sync_copy(acc_sh.at[pl.ds(row0, ROWS_PER_TILE)],
                        out_hbm.at[c, pl.ds(row0, ROWS_PER_TILE)])

    return agg_kernel(h, src, dst, zeros64)


def _tc_prologue(x, y, f1w, f1b, f2w, f2b, c1w, degp):
    def body(x_ref, y_ref, f1w_ref, f1b_ref, f2w_ref, f2b_ref, c1w_ref,
             degp_ref, h1s_ref, dinv_ref):
        zx = jnp.dot(x_ref[...], f1w_ref[...],
                     preferred_element_type=jnp.float32) + f1b_ref[...]
        zy = jnp.dot(y_ref[...], f2w_ref[...],
                     preferred_element_type=jnp.float32) + f2b_ref[...]
        z = jnp.concatenate([zx, zy], axis=0)
        h1 = jnp.dot(z, c1w_ref[...], preferred_element_type=jnp.float32)
        deg = degp_ref[0, :N, :1] + degp_ref[1, :N, :1] + 1.0
        dinv = lax.rsqrt(deg)
        h1s_ref[...] = h1 * dinv
        dinv_ref[...] = dinv

    return pl.pallas_call(
        body,
        out_shape=(jax.ShapeDtypeStruct((N, D), jnp.float32),
                   jax.ShapeDtypeStruct((N, 1), jnp.float32)),
    )(x, y, f1w, f1b, f2w, f2b, c1w, degp)


def _tc_mid(p1, h1s, dinv, c1b, gamma, beta, c2w):
    def body(p_ref, h1s_ref, dinv_ref, c1b_ref, g_ref, b_ref, c2w_ref,
             h2s_ref):
        dinv = dinv_ref[...]
        t = (p_ref[0, :N] + p_ref[1, :N] + h1s_ref[...]) * dinv + c1b_ref[...]
        mean = jnp.mean(t, axis=0, keepdims=True)
        var = jnp.mean((t - mean) ** 2, axis=0, keepdims=True)
        r = (t - mean) * lax.rsqrt(var + BN_EPS) * g_ref[...] + b_ref[...]
        r = jnp.maximum(r, 0.0)
        h2 = jnp.dot(r, c2w_ref[...], preferred_element_type=jnp.float32)
        h2s_ref[...] = h2 * dinv

    return pl.pallas_call(
        body,
        out_shape=jax.ShapeDtypeStruct((N, D), jnp.float32),
    )(p1, h1s, dinv, c1b, gamma, beta, c2w)


def _tc_epilogue(p2, h2s, dinv, c2b):
    def body(p_ref, h2s_ref, dinv_ref, c2b_ref, out_ref):
        out_ref[...] = ((p_ref[0, :N] + p_ref[1, :N] + h2s_ref[...])
                        * dinv_ref[...] + c2b_ref[...])

    return pl.pallas_call(
        body,
        out_shape=jax.ShapeDtypeStruct((N, D), jnp.float32),
    )(p2, h2s, dinv, c2b)


def kernel(x, y, edge_index, fc1_W, fc1_b, fc2_W, fc2_b,
           conv1_W, conv1_b, conv2_W, conv2_b, bn_gamma, bn_beta):
    src = edge_index[0].reshape(NW, NBLK, B)
    dst = edge_index[1].reshape(NW, NBLK, B)
    zeros16 = jnp.zeros((N_PAD, DW), jnp.float32)
    zeros64 = jnp.zeros((N_PAD, D), jnp.float32)
    ones_blk = jnp.ones((B, DW), jnp.float32)

    degp = _sc_degree(dst, zeros16, ones_blk)
    h1s, dinv = _tc_prologue(x, y, fc1_W, fc1_b.reshape(1, -1),
                             fc2_W, fc2_b.reshape(1, -1), conv1_W, degp)
    p1 = _sc_aggregate(h1s, src, dst, zeros64)
    h2s = _tc_mid(p1, h1s, dinv, conv1_b.reshape(1, -1),
                  bn_gamma.reshape(1, -1), bn_beta.reshape(1, -1), conv2_W)
    p2 = _sc_aggregate(h2s, src, dst, zeros64)
    out = _tc_epilogue(p2, h2s, dinv, conv2_b.reshape(1, -1))
    return out

# --- scband reference (transcript-rebuilt; emitter-appended) ---
"""Pipeline reference for scband-gnn-24137716203574 (READ-ONLY COPY).

The authoritative reference and input builder live on the scoring server;
editing this copy changes nothing except your own understanding.
"""

import jax, jax.numpy as jnp
import numpy as np

N_USERS = 6000
N_MOVIES = 4000
N_NODES = N_USERS + N_MOVIES
N_EDGES = 320000
D_USER = 128
D_MOVIE = 128
IN_CH = 128
HID_CH = 64
OUT_CH = 64
BN_EPS = 1e-5


def setup_inputs(seed: int = 0) -> dict:
    key = jax.random.key(seed)
    ks = jax.random.split(key, 12)
    inp = {}
    inp["x"] = jax.random.normal(ks[0], (N_USERS, D_USER), dtype=jnp.float32)
    inp["y"] = jax.random.normal(ks[1], (N_MOVIES, D_MOVIE), dtype=jnp.float32)
    ei = jax.random.randint(ks[2], (2, N_EDGES), 0, N_NODES, dtype=jnp.int32)
    inp["edge_index"] = ei
    # fc1: Linear(D_USER, IN_CH); fc2: Linear(D_MOVIE, IN_CH)
    inp["fc1_W"] = jax.random.normal(ks[3], (D_USER, IN_CH), dtype=jnp.float32) * (1.0 / np.sqrt(D_USER))
    inp["fc1_b"] = jnp.zeros((IN_CH,), dtype=jnp.float32)
    inp["fc2_W"] = jax.random.normal(ks[4], (D_MOVIE, IN_CH), dtype=jnp.float32) * (1.0 / np.sqrt(D_MOVIE))
    inp["fc2_b"] = jnp.zeros((IN_CH,), dtype=jnp.float32)
    # GCNConv weights
    inp["conv1_W"] = jax.random.normal(ks[5], (IN_CH, HID_CH), dtype=jnp.float32) * (1.0 / np.sqrt(IN_CH))
    inp["conv1_b"] = jnp.zeros((HID_CH,), dtype=jnp.float32)
    inp["conv2_W"] = jax.random.normal(ks[6], (HID_CH, OUT_CH), dtype=jnp.float32) * (1.0 / np.sqrt(HID_CH))
    inp["conv2_b"] = jnp.zeros((OUT_CH,), dtype=jnp.float32)
    # BatchNorm1d(HID_CH) affine params
    inp["bn_gamma"] = jnp.ones((HID_CH,), dtype=jnp.float32)
    inp["bn_beta"] = jnp.zeros((HID_CH,), dtype=jnp.float32)
    return inp


def _gcn_conv(z, edge_index, W, b):
    # PyG GCNConv: add self-loops, symmetric normalization, z @ W then scatter-add
    n = z.shape[0]
    loop = jnp.arange(n, dtype=edge_index.dtype)
    src = jnp.concatenate([edge_index[0], loop])
    dst = jnp.concatenate([edge_index[1], loop])
    h = z @ W
    ones = jnp.ones(src.shape[0], dtype=h.dtype)
    deg = jax.ops.segment_sum(ones, dst, num_segments=n)
    dinv = jnp.where(deg > 0, jax.lax.rsqrt(jnp.maximum(deg, 1e-12)), 0.0)
    norm = dinv[src] * dinv[dst]
    msg = h[src] * norm[:, None]
    out = jax.ops.segment_sum(msg, dst, num_segments=n)
    return out + b


def _batchnorm1d(h, gamma, beta):
    mean = jnp.mean(h, axis=0)
    var = jnp.mean((h - mean) ** 2, axis=0)  # biased, training-mode stats
    return (h - mean) * jax.lax.rsqrt(var + BN_EPS) * gamma + beta


def reference(x, y, edge_index, fc1_W, fc1_b, fc2_W, fc2_b, conv1_W, conv1_b, conv2_W, conv2_b, bn_gamma, bn_beta):
    xu = x @ fc1_W + fc1_b
    ym = y @ fc2_W + fc2_b
    z = jnp.concatenate([xu, ym], axis=0)
    h = _gcn_conv(z, edge_index, conv1_W, conv1_b)
    h = _batchnorm1d(h, bn_gamma, bn_beta)
    h = jax.nn.relu(h)
    out = _gcn_conv(h, edge_index, conv2_W, conv2_b)
    return out

if __name__ == "__main__":
    import jax
    _d = setup_inputs()
    print(jax.jit(kernel)(*tuple(_d.values())))

</pallas_src>

<mosaic_0001>
#map = affine_map<(d0, d1) -> (0, 0, 0)>
#map1 = affine_map<(d0, d1) -> (0, 0)>
module attributes {stable_mosaic.version = 14 : i64} {
  func.func @deg_kernel(%arg0: i32, %arg1: i32, %arg2: memref<32x80x125xi32, #tpu.memory_space<hbm>>, %arg3: memref<10240x16xf32, #tpu.memory_space<hbm>>, %arg4: memref<125x16xf32, #tpu.memory_space<hbm>>, %arg5: memref<2x10240x16xf32, #tpu.memory_space<hbm>>, %arg6: memref<80x125xi32, #tpu.memory_space<vmem>>, %arg7: memref<125x16xf32, #tpu.memory_space<vmem>>, %arg8: memref<10240x16xf32, #tpu.memory_space<vmem_shared>>, %arg9: memref<!tpu.dma_semaphore, #tpu.memory_space<semaphore_mem>>) attributes {dimension_semantics = [#tpu.dimension_semantics<core_parallel>, #tpu.dimension_semantics<subcore_parallel>], iteration_bounds = array<i64: 2, 16>, scalar_prefetch = 0 : i64, scratch_operands = 4 : i64, tpu.core_type = #tpu.core_type<sc_vector_subcore>, window_params = [{transform_indices = #map}, {transform_indices = #map1}, {transform_indices = #map1}, {transform_indices = #map}]} {
    %mul3A = arith.constant 2 : i32
    %mul3A_0 = arith.muli %arg1, %mul3A : i32
    %add3A = arith.addi %mul3A_0, %arg0 : i32
    %mul3A_1 = arith.constant 640 : i32
    %mul3A_2 = arith.muli %arg1, %mul3A_1 : i32
    "tpu.region"() ({
      %run_scoped3A = tpu.sem_alloc : memref<!tpu.dma_semaphore, #tpu.memory_space<semaphore_mem>>
      %dma_start3A = arith.constant 0 : i32
      %dma_start3A_8 = tpu.memref_slice %arg8[%mul3A_2, %dma_start3A] : memref<10240x16xf32, #tpu.memory_space<vmem_shared>> -> memref<640x16xf32, #tpu.memory_space<vmem_shared>>
      %dma_start3A_9 = arith.constant 0 : i32
      %dma_start3A_10 = tpu.memref_slice %arg3[%mul3A_2, %dma_start3A_9] : memref<10240x16xf32, #tpu.memory_space<hbm>> -> memref<640x16xf32, #tpu.memory_space<hbm>>
      tpu.enqueue_dma source(%dma_start3A_10 : memref<640x16xf32, #tpu.memory_space<hbm>>) target(%dma_start3A_8 : memref<640x16xf32, #tpu.memory_space<vmem_shared>>) target_semaphore(%run_scoped3A : memref<!tpu.dma_semaphore, #tpu.memory_space<semaphore_mem>>)
      %dma_wait3A = arith.constant 0 : i32
      %dma_wait3A_11 = tpu.memref_slice %arg8[%mul3A_2, %dma_wait3A] : memref<10240x16xf32, #tpu.memory_space<vmem_shared>> -> memref<640x16xf32, #tpu.memory_space<vmem_shared>>
      %dma_wait3A_12 = arith.constant 0 : i32
      %dma_wait3A_13 = tpu.memref_slice %arg3[%mul3A_2, %dma_wait3A_12] : memref<10240x16xf32, #tpu.memory_space<hbm>> -> memref<640x16xf32, #tpu.memory_space<hbm>>
      tpu.wait_dma2 semaphore(%run_scoped3A : memref<!tpu.dma_semaphore, #tpu.memory_space<semaphore_mem>>) src(%dma_wait3A_13 : memref<640x16xf32, #tpu.memory_space<hbm>>) dst(%dma_wait3A_11 : memref<640x16xf32, #tpu.memory_space<vmem_shared>>)
      tpu.yield
    }) : () -> ()
    "tpu.region"() ({
      %run_scoped3A = tpu.sem_alloc : memref<!tpu.dma_semaphore, #tpu.memory_space<semaphore_mem>>
      %dma_start3A = arith.constant 0 : i32
      %dma_start3A_8 = arith.constant 0 : i32
      %dma_start3A_9 = tpu.memref_slice %arg2[%add3A, %dma_start3A, %dma_start3A_8] : memref<32x80x125xi32, #tpu.memory_space<hbm>> -> memref<1x80x125xi32, #tpu.memory_space<hbm>>
      %dma_start3A_10 = tpu.memref_squeeze %dma_start3A_9 : memref<1x80x125xi32, #tpu.memory_space<hbm>> -> memref<80x125xi32, #tpu.memory_space<hbm>>
      %dma_start3A_11 = arith.constant 0 : i32
      %dma_start3A_12 = arith.constant 0 : i32
      %dma_start3A_13 = tpu.memref_slice %arg2[%add3A, %dma_start3A_11, %dma_start3A_12] : memref<32x80x125xi32, #tpu.memory_space<hbm>> -> memref<1x80x125xi32, #tpu.memory_space<hbm>>
      %dma_start3A_14 = tpu.memref_squeeze %dma_start3A_13 : memref<1x80x125xi32, #tpu.memory_space<hbm>> -> memref<80x125xi32, #tpu.memory_space<hbm>>
      tpu.enqueue_dma source(%dma_start3A_14 : memref<80x125xi32, #tpu.memory_space<hbm>>) target(%arg6 : memref<80x125xi32, #tpu.memory_space<vmem>>) target_semaphore(%run_scoped3A : memref<!tpu.dma_semaphore, #tpu.memory_space<semaphore_mem>>)
      %dma_wait3A = arith.constant 0 : i32
      %dma_wait3A_15 = arith.constant 0 : i32
      %dma_wait3A_16 = tpu.memref_slice %arg2[%add3A, %dma_wait3A, %dma_wait3A_15] : memref<32x80x125xi32, #tpu.memory_space<hbm>> -> memref<1x80x125xi32, #tpu.memory_space<hbm>>
      %dma_wait3A_17 = tpu.memref_squeeze %dma_wait3A_16 : memref<1x80x125xi32, #tpu.memory_space<hbm>> -> memref<80x125xi32, #tpu.memory_space<hbm>>
      %dma_wait3A_18 = arith.constant 0 : i32
      %dma_wait3A_19 = arith.constant 0 : i32
      %dma_wait3A_20 = tpu.memref_slice %arg2[%add3A, %dma_wait3A_18, %dma_wait3A_19] : memref<32x80x125xi32, #tpu.memory_space<hbm>> -> memref<1x80x125xi32, #tpu.memory_space<hbm>>
      %dma_wait3A_21 = tpu.memref_squeeze %dma_wait3A_20 : memref<1x80x125xi32, #tpu.memory_space<hbm>> -> memref<80x125xi32, #tpu.memory_space<hbm>>
      tpu.wait_dma2 semaphore(%run_scoped3A : memref<!tpu.dma_semaphore, #tpu.memory_space<semaphore_mem>>) src(%dma_wait3A_21 : memref<80x125xi32, #tpu.memory_space<hbm>>) dst(%arg6 : memref<80x125xi32, #tpu.memory_space<vmem>>)
      tpu.yield
    }) : () -> ()
    "tpu.region"() ({
      %run_scoped3A = tpu.sem_alloc : memref<!tpu.dma_semaphore, #tpu.memory_space<semaphore_mem>>
      tpu.enqueue_dma source(%arg4 : memref<125x16xf32, #tpu.memory_space<hbm>>) target(%arg7 : memref<125x16xf32, #tpu.memory_space<vmem>>) target_semaphore(%run_scoped3A : memref<!tpu.dma_semaphore, #tpu.memory_space<semaphore_mem>>)
      tpu.wait_dma2 semaphore(%run_scoped3A : memref<!tpu.dma_semaphore, #tpu.memory_space<semaphore_mem>>) src(%arg4 : memref<125x16xf32, #tpu.memory_space<hbm>>) dst(%arg7 : memref<125x16xf32, #tpu.memory_space<vmem>>)
      tpu.yield
    }) : () -> ()
    %barrier3A = arith.constant 0 : index
    tpu.barrier barrier_id(%barrier3A)
    %scan3A = arith.constant 0 : i32
    %scan3A_3 = arith.constant 10 : i32
    %scan3A_4 = arith.addi %scan3A, %scan3A_3 : i32
    %scan3A_5 = arith.constant 1 : i32
    scf.for %scan3A_8 = %scan3A to %scan3A_4 step %scan3A_5  : i32 {
      %mul3A_9 = arith.constant 1 : i32
      %mul3A_10 = arith.muli %scan3A_8, %mul3A_9 : i32
      %add3A_11 = arith.constant 0 : i32
      %add3A_12 = arith.addi %add3A_11, %mul3A_10 : i32
      %mul3A_13 = arith.constant 8 : i32
      %mul3A_14 = arith.muli %add3A_12, %mul3A_13 : i32
      %add3A_15 = arith.constant 0 : i32
      %add3A_16 = arith.addi %mul3A_14, %add3A_15 : i32
      %dma_start3A = arith.constant 0 : i32
      %dma_start3A_17 = tpu.memref_slice %arg6[%add3A_16, %dma_start3A] : memref<80x125xi32, #tpu.memory_space<vmem>> -> memref<1x125xi32, #tpu.memory_space<vmem>>
      %dma_start3A_18 = tpu.memref_squeeze %dma_start3A_17 : memref<1x125xi32, #tpu.memory_space<vmem>> -> memref<125xi32, #tpu.memory_space<vmem>>
      %dma_start3A_19 = arith.constant 0 : i32
      %dma_start3A_20 = arith.constant 0 : i32
      %dma_start3A_21 = tpu.memref_slice %arg8[%dma_start3A_19, %dma_start3A_20] : memref<10240x16xf32, #tpu.memory_space<vmem_shared>> -> memref<10240x16xf32, #tpu.memory_space<vmem_shared>>
      tpu.enqueue_indirect_dma source(%arg7 : memref<125x16xf32, #tpu.memory_space<vmem>>) target(%dma_start3A_21 : memref<10240x16xf32, #tpu.memory_space<vmem_shared>>) offsets(%dma_start3A_18 : memref<125xi32, #tpu.memory_space<vmem>>) semaphore(%arg9 : memref<!tpu.dma_semaphore, #tpu.memory_space<semaphore_mem>>) {add = true}
      %add3A_22 = arith.constant 1 : i32
      %add3A_23 = arith.addi %mul3A_14, %add3A_22 : i32
      %dma_start3A_24 = arith.constant 0 : i32
      %dma_start3A_25 = tpu.memref_slice %arg6[%add3A_23, %dma_start3A_24] : memref<80x125xi32, #tpu.memory_space<vmem>> -> memref<1x125xi32, #tpu.memory_space<vmem>>
      %dma_start3A_26 = tpu.memref_squeeze %dma_start3A_25 : memref<1x125xi32, #tpu.memory_space<vmem>> -> memref<125xi32, #tpu.memory_space<vmem>>
      %dma_start3A_27 = arith.constant 0 : i32
      %dma_start3A_28 = arith.constant 0 : i32
      %dma_start3A_29 = tpu.memref_slice %arg8[%dma_start3A_27, %dma_start3A_28] : memref<10240x16xf32, #tpu.memory_space<vmem_shared>> -> memref<10240x16xf32, #tpu.memory_space<vmem_shared>>
      tpu.enqueue_indirect_dma source(%arg7 : memref<125x16xf32, #tpu.memory_space<vmem>>) target(%dma_start3A_29 : memref<10240x16xf32, #tpu.memory_space<vmem_shared>>) offsets(%dma_start3A_26 : memref<125xi32, #tpu.memory_space<vmem>>) semaphore(%arg9 : memref<!tpu.dma_semaphore, #tpu.memory_space<semaphore_mem>>) {add = true}
      %add3A_30 = arith.constant 2 : i32
      %add3A_31 = arith.addi %mul3A_14, %add3A_30 : i32
      %dma_start3A_32 = arith.constant 0 : i32
      %dma_start3A_33 = tpu.memref_slice %arg6[%add3A_31, %dma_start3A_32] : memref<80x125xi32, #tpu.memory_space<vmem>> -> memref<1x125xi32, #tpu.memory_space<vmem>>
      %dma_start3A_34 = tpu.memref_squeeze %dma_start3A_33 : memref<1x125xi32, #tpu.memory_space<vmem>> -> memref<125xi32, #tpu.memory_space<vmem>>
      %dma_start3A_35 = arith.constant 0 : i32
      %dma_start3A_36 = arith.constant 0 : i32
      %dma_start3A_37 = tpu.memref_slice %arg8[%dma_start3A_35, %dma_start3A_36] : memref<10240x16xf32, #tpu.memory_space<vmem_shared>> -> memref<10240x16xf32, #tpu.memory_space<vmem_shared>>
      tpu.enqueue_indirect_dma source(%arg7 : memref<125x16xf32, #tpu.memory_space<vmem>>) target(%dma_start3A_37 : memref<10240x16xf32, #tpu.memory_space<vmem_shared>>) offsets(%dma_start3A_34 : memref<125xi32, #tpu.memory_space<vmem>>) semaphore(%arg9 : memref<!tpu.dma_semaphore, #tpu.memory_space<semaphore_mem>>) {add = true}
      %add3A_38 = arith.constant 3 : i32
      %add3A_39 = arith.addi %mul3A_14, %add3A_38 : i32
      %dma_start3A_40 = arith.constant 0 : i32
      %dma_start3A_41 = tpu.memref_slice %arg6[%add3A_39, %dma_start3A_40] : memref<80x125xi32, #tpu.memory_space<vmem>> -> memref<1x125xi32, #tpu.memory_space<vmem>>
      %dma_start3A_42 = tpu.memref_squeeze %dma_start3A_41 : memref<1x125xi32, #tpu.memory_space<vmem>> -> memref<125xi32, #tpu.memory_space<vmem>>
      %dma_start3A_43 = arith.constant 0 : i32
      %dma_start3A_44 = arith.constant 0 : i32
      %dma_start3A_45 = tpu.memref_slice %arg8[%dma_start3A_43, %dma_start3A_44] : memref<10240x16xf32, #tpu.memory_space<vmem_shared>> -> memref<10240x16xf32, #tpu.memory_space<vmem_shared>>
      tpu.enqueue_indirect_dma source(%arg7 : memref<125x16xf32, #tpu.memory_space<vmem>>) target(%dma_start3A_45 : memref<10240x16xf32, #tpu.memory_space<vmem_shared>>) offsets(%dma_start3A_42 : memref<125xi32, #tpu.memory_space<vmem>>) semaphore(%arg9 : memref<!tpu.dma_semaphore, #tpu.memory_space<semaphore_mem>>) {add = true}
      %add3A_46 = arith.constant 4 : i32
      %add3A_47 = arith.addi %mul3A_14, %add3A_46 : i32
      %dma_start3A_48 = arith.constant 0 : i32
      %dma_start3A_49 = tpu.memref_slice %arg6[%add3A_47, %dma_start3A_48] : memref<80x125xi32, #tpu.memory_space<vmem>> -> memref<1x125xi32, #tpu.memory_space<vmem>>
      %dma_start3A_50 = tpu.memref_squeeze %dma_start3A_49 : memref<1x125xi32, #tpu.memory_space<vmem>> -> memref<125xi32, #tpu.memory_space<vmem>>
      %dma_start3A_51 = arith.constant 0 : i32
      %dma_start3A_52 = arith.constant 0 : i32
      %dma_start3A_53 = tpu.memref_slice %arg8[%dma_start3A_51, %dma_start3A_52] : memref<10240x16xf32, #tpu.memory_space<vmem_shared>> -> memref<10240x16xf32, #tpu.memory_space<vmem_shared>>
      tpu.enqueue_indirect_dma source(%arg7 : memref<125x16xf32, #tpu.memory_space<vmem>>) target(%dma_start3A_53 : memref<10240x16xf32, #tpu.memory_space<vmem_shared>>) offsets(%dma_start3A_50 : memref<125xi32, #tpu.memory_space<vmem>>) semaphore(%arg9 : memref<!tpu.dma_semaphore, #tpu.memory_space<semaphore_mem>>) {add = true}
      %add3A_54 = arith.constant 5 : i32
      %add3A_55 = arith.addi %mul3A_14, %add3A_54 : i32
      %dma_start3A_56 = arith.constant 0 : i32
      %dma_start3A_57 = tpu.memref_slice %arg6[%add3A_55, %dma_start3A_56] : memref<80x125xi32, #tpu.memory_space<vmem>> -> memref<1x125xi32, #tpu.memory_space<vmem>>
      %dma_start3A_58 = tpu.memref_squeeze %dma_start3A_57 : memref<1x125xi32, #tpu.memory_space<vmem>> -> memref<125xi32, #tpu.memory_space<vmem>>
      %dma_start3A_59 = arith.constant 0 : i32
      %dma_start3A_60 = arith.constant 0 : i32
      %dma_start3A_61 = tpu.memref_slice %arg8[%dma_start3A_59, %dma_start3A_60] : memref<10240x16xf32, #tpu.memory_space<vmem_shared>> -> memref<10240x16xf32, #tpu.memory_space<vmem_shared>>
      tpu.enqueue_indirect_dma source(%arg7 : memref<125x16xf32, #tpu.memory_space<vmem>>) target(%dma_start3A_61 : memref<10240x16xf32, #tpu.memory_space<vmem_shared>>) offsets(%dma_start3A_58 : memref<125xi32, #tpu.memory_space<vmem>>) semaphore(%arg9 : memref<!tpu.dma_semaphore, #tpu.memory_space<semaphore_mem>>) {add = true}
      %add3A_62 = arith.constant 6 : i32
      %add3A_63 = arith.addi %mul3A_14, %add3A_62 : i32
      %dma_start3A_64 = arith.constant 0 : i32
      %dma_start3A_65 = tpu.memref_slice %arg6[%add3A_63, %dma_start3A_64] : memref<80x125xi32, #tpu.memory_space<vmem>> -> memref<1x125xi32, #tpu.memory_space<vmem>>
      %dma_start3A_66 = tpu.memref_squeeze %dma_start3A_65 : memref<1x125xi32, #tpu.memory_space<vmem>> -> memref<125xi32, #tpu.memory_space<vmem>>
      %dma_start3A_67 = arith.constant 0 : i32
      %dma_start3A_68 = arith.constant 0 : i32
      %dma_start3A_69 = tpu.memref_slice %arg8[%dma_start3A_67, %dma_start3A_68] : memref<10240x16xf32, #tpu.memory_space<vmem_shared>> -> memref<10240x16xf32, #tpu.memory_space<vmem_shared>>
      tpu.enqueue_indirect_dma source(%arg7 : memref<125x16xf32, #tpu.memory_space<vmem>>) target(%dma_start3A_69 : memref<10240x16xf32, #tpu.memory_space<vmem_shared>>) offsets(%dma_start3A_66 : memref<125xi32, #tpu.memory_space<vmem>>) semaphore(%arg9 : memref<!tpu.dma_semaphore, #tpu.memory_space<semaphore_mem>>) {add = true}
      %add3A_70 = arith.constant 7 : i32
      %add3A_71 = arith.addi %mul3A_14, %add3A_70 : i32
      %dma_start3A_72 = arith.constant 0 : i32
      %dma_start3A_73 = tpu.memref_slice %arg6[%add3A_71, %dma_start3A_72] : memref<80x125xi32, #tpu.memory_space<vmem>> -> memref<1x125xi32, #tpu.memory_space<vmem>>
      %dma_start3A_74 = tpu.memref_squeeze %dma_start3A_73 : memref<1x125xi32, #tpu.memory_space<vmem>> -> memref<125xi32, #tpu.memory_space<vmem>>
      %dma_start3A_75 = arith.constant 0 : i32
      %dma_start3A_76 = arith.constant 0 : i32
      %dma_start3A_77 = tpu.memref_slice %arg8[%dma_start3A_75, %dma_start3A_76] : memref<10240x16xf32, #tpu.memory_space<vmem_shared>> -> memref<10240x16xf32, #tpu.memory_space<vmem_shared>>
      tpu.enqueue_indirect_dma source(%arg7 : memref<125x16xf32, #tpu.memory_space<vmem>>) target(%dma_start3A_77 : memref<10240x16xf32, #tpu.memory_space<vmem_shared>>) offsets(%dma_start3A_74 : memref<125xi32, #tpu.memory_space<vmem>>) semaphore(%arg9 : memref<!tpu.dma_semaphore, #tpu.memory_space<semaphore_mem>>) {add = true}
      %dma_wait3A = arith.constant 0 : i32
      %dma_wait3A_78 = tpu.memref_slice %arg6[%add3A_16, %dma_wait3A] : memref<80x125xi32, #tpu.memory_space<vmem>> -> memref<1x125xi32, #tpu.memory_space<vmem>>
      %dma_wait3A_79 = tpu.memref_squeeze %dma_wait3A_78 : memref<1x125xi32, #tpu.memory_space<vmem>> -> memref<125xi32, #tpu.memory_space<vmem>>
      %dma_wait3A_80 = arith.constant 0 : i32
      %dma_wait3A_81 = arith.constant 0 : i32
      %dma_wait3A_82 = tpu.memref_slice %arg8[%dma_wait3A_80, %dma_wait3A_81] : memref<10240x16xf32, #tpu.memory_space<vmem_shared>> -> memref<10240x16xf32, #tpu.memory_space<vmem_shared>>
      tpu.wait_indirect_dma semaphore(%arg9 : memref<!tpu.dma_semaphore, #tpu.memory_space<semaphore_mem>>) src(%arg7 : memref<125x16xf32, #tpu.memory_space<vmem>>) dst(%dma_wait3A_82 : memref<10240x16xf32, #tpu.memory_space<vmem_shared>>)
      %dma_wait3A_83 = arith.constant 0 : i32
      %dma_wait3A_84 = tpu.memref_slice %arg6[%add3A_23, %dma_wait3A_83] : memref<80x125xi32, #tpu.memory_space<vmem>> -> memref<1x125xi32, #tpu.memory_space<vmem>>
      %dma_wait3A_85 = tpu.memref_squeeze %dma_wait3A_84 : memref<1x125xi32, #tpu.memory_space<vmem>> -> memref<125xi32, #tpu.memory_space<vmem>>
      %dma_wait3A_86 = arith.constant 0 : i32
      %dma_wait3A_87 = arith.constant 0 : i32
      %dma_wait3A_88 = tpu.memref_slice %arg8[%dma_wait3A_86, %dma_wait3A_87] : memref<10240x16xf32, #tpu.memory_space<vmem_shared>> -> memref<10240x16xf32, #tpu.memory_space<vmem_shared>>
      tpu.wait_indirect_dma semaphore(%arg9 : memref<!tpu.dma_semaphore, #tpu.memory_space<semaphore_mem>>) src(%arg7 : memref<125x16xf32, #tpu.memory_space<vmem>>) dst(%dma_wait3A_88 : memref<10240x16xf32, #tpu.memory_space<vmem_shared>>)
      %dma_wait3A_89 = arith.constant 0 : i32
      %dma_wait3A_90 = tpu.memref_slice %arg6[%add3A_31, %dma_wait3A_89] : memref<80x125xi32, #tpu.memory_space<vmem>> -> memref<1x125xi32, #tpu.memory_space<vmem>>
      %dma_wait3A_91 = tpu.memref_squeeze %dma_wait3A_90 : memref<1x125xi32, #tpu.memory_space<vmem>> -> memref<125xi32, #tpu.memory_space<vmem>>
      %dma_wait3A_92 = arith.constant 0 : i32
      %dma_wait3A_93 = arith.constant 0 : i32
      %dma_wait3A_94 = tpu.memref_slice %arg8[%dma_wait3A_92, %dma_wait3A_93] : memref<10240x16xf32, #tpu.memory_space<vmem_shared>> -> memref<10240x16xf32, #tpu.memory_space<vmem_shared>>
      tpu.wait_indirect_dma semaphore(%arg9 : memref<!tpu.dma_semaphore, #tpu.memory_space<semaphore_mem>>) src(%arg7 : memref<125x16xf32, #tpu.memory_space<vmem>>) dst(%dma_wait3A_94 : memref<10240x16xf32, #tpu.memory_space<vmem_shared>>)
      %dma_wait3A_95 = arith.constant 0 : i32
      %dma_wait3A_96 = tpu.memref_slice %arg6[%add3A_39, %dma_wait3A_95] : memref<80x125xi32, #tpu.memory_space<vmem>> -> memref<1x125xi32, #tpu.memory_space<vmem>>
      %dma_wait3A_97 = tpu.memref_squeeze %dma_wait3A_96 : memref<1x125xi32, #tpu.memory_space<vmem>> -> memref<125xi32, #tpu.memory_space<vmem>>
      %dma_wait3A_98 = arith.constant 0 : i32
      %dma_wait3A_99 = arith.constant 0 : i32
      %dma_wait3A_100 = tpu.memref_slice %arg8[%dma_wait3A_98, %dma_wait3A_99] : memref<10240x16xf32, #tpu.memory_space<vmem_shared>> -> memref<10240x16xf32, #tpu.memory_space<vmem_shared>>
      tpu.wait_indirect_dma semaphore(%arg9 : memref<!tpu.dma_semaphore, #tpu.memory_space<semaphore_mem>>) src(%arg7 : memref<125x16xf32, #tpu.memory_space<vmem>>) dst(%dma_wait3A_100 : memref<10240x16xf32, #tpu.memory_space<vmem_shared>>)
      %dma_wait3A_101 = arith.constant 0 : i32
      %dma_wait3A_102 = tpu.memref_slice %arg6[%add3A_47, %dma_wait3A_101] : memref<80x125xi32, #tpu.memory_space<vmem>> -> memref<1x125xi32, #tpu.memory_space<vmem>>
      %dma_wait3A_103 = tpu.memref_squeeze %dma_wait3A_102 : memref<1x125xi32, #tpu.memory_space<vmem>> -> memref<125xi32, #tpu.memory_space<vmem>>
      %dma_wait3A_104 = arith.constant 0 : i32
      %dma_wait3A_105 = arith.constant 0 : i32
      %dma_wait3A_106 = tpu.memref_slice %arg8[%dma_wait3A_104, %dma_wait3A_105] : memref<10240x16xf32, #tpu.memory_space<vmem_shared>> -> memref<10240x16xf32, #tpu.memory_space<vmem_shared>>
      tpu.wait_indirect_dma semaphore(%arg9 : memref<!tpu.dma_semaphore, #tpu.memory_space<semaphore_mem>>) src(%arg7 : memref<125x16xf32, #tpu.memory_space<vmem>>) dst(%dma_wait3A_106 : memref<10240x16xf32, #tpu.memory_space<vmem_shared>>)
      %dma_wait3A_107 = arith.constant 0 : i32
      %dma_wait3A_108 = tpu.memref_slice %arg6[%add3A_55, %dma_wait3A_107] : memref<80x125xi32, #tpu.memory_space<vmem>> -> memref<1x125xi32, #tpu.memory_space<vmem>>
      %dma_wait3A_109 = tpu.memref_squeeze %dma_wait3A_108 : memref<1x125xi32, #tpu.memory_space<vmem>> -> memref<125xi32, #tpu.memory_space<vmem>>
      %dma_wait3A_110 = arith.constant 0 : i32
      %dma_wait3A_111 = arith.constant 0 : i32
      %dma_wait3A_112 = tpu.memref_slice %arg8[%dma_wait3A_110, %dma_wait3A_111] : memref<10240x16xf32, #tpu.memory_space<vmem_shared>> -> memref<10240x16xf32, #tpu.memory_space<vmem_shared>>
      tpu.wait_indirect_dma semaphore(%arg9 : memref<!tpu.dma_semaphore, #tpu.memory_space<semaphore_mem>>) src(%arg7 : memref<125x16xf32, #tpu.memory_space<vmem>>) dst(%dma_wait3A_112 : memref<10240x16xf32, #tpu.memory_space<vmem_shared>>)
      %dma_wait3A_113 = arith.constant 0 : i32
      %dma_wait3A_114 = tpu.memref_slice %arg6[%add3A_63, %dma_wait3A_113] : memref<80x125xi32, #tpu.memory_space<vmem>> -> memref<1x125xi32, #tpu.memory_space<vmem>>
      %dma_wait3A_115 = tpu.memref_squeeze %dma_wait3A_114 : memref<1x125xi32, #tpu.memory_space<vmem>> -> memref<125xi32, #tpu.memory_space<vmem>>
      %dma_wait3A_116 = arith.constant 0 : i32
      %dma_wait3A_117 = arith.constant 0 : i32
      %dma_wait3A_118 = tpu.memref_slice %arg8[%dma_wait3A_116, %dma_wait3A_117] : memref<10240x16xf32, #tpu.memory_space<vmem_shared>> -> memref<10240x16xf32, #tpu.memory_space<vmem_shared>>
      tpu.wait_indirect_dma semaphore(%arg9 : memref<!tpu.dma_semaphore, #tpu.memory_space<semaphore_mem>>) src(%arg7 : memref<125x16xf32, #tpu.memory_space<vmem>>) dst(%dma_wait3A_118 : memref<10240x16xf32, #tpu.memory_space<vmem_shared>>)
      %dma_wait3A_119 = arith.constant 0 : i32
      %dma_wait3A_120 = tpu.memref_slice %arg6[%add3A_71, %dma_wait3A_119] : memref<80x125xi32, #tpu.memory_space<vmem>> -> memref<1x125xi32, #tpu.memory_space<vmem>>
      %dma_wait3A_121 = tpu.memref_squeeze %dma_wait3A_120 : memref<1x125xi32, #tpu.memory_space<vmem>> -> memref<125xi32, #tpu.memory_space<vmem>>
      %dma_wait3A_122 = arith.constant 0 : i32
      %dma_wait3A_123 = arith.constant 0 : i32
      %dma_wait3A_124 = tpu.memref_slice %arg8[%dma_wait3A_122, %dma_wait3A_123] : memref<10240x16xf32, #tpu.memory_space<vmem_shared>> -> memref<10240x16xf32, #tpu.memory_space<vmem_shared>>
      tpu.wait_indirect_dma semaphore(%arg9 : memref<!tpu.dma_semaphore, #tpu.memory_space<semaphore_mem>>) src(%arg7 : memref<125x16xf32, #tpu.memory_space<vmem>>) dst(%dma_wait3A_124 : memref<10240x16xf32, #tpu.memory_space<vmem_shared>>)
    }
    %scan3A_6 = arith.constant 10 : i32
    %barrier3A_7 = arith.constant 0 : index
    tpu.barrier barrier_id(%barrier3A_7)
    "tpu.region"() ({
      %run_scoped3A = tpu.sem_alloc : memref<!tpu.dma_semaphore, #tpu.memory_space<semaphore_mem>>
      %dma_start3A = arith.constant 0 : i32
      %dma_start3A_8 = tpu.memref_slice %arg5[%arg0, %mul3A_2, %dma_start3A] : memref<2x10240x16xf32, #tpu.memory_space<hbm>> -> memref<1x640x16xf32, #tpu.memory_space<hbm>>
      %dma_start3A_9 = tpu.memref_squeeze %dma_start3A_8 : memref<1x640x16xf32, #tpu.memory_space<hbm>> -> memref<640x16xf32, #tpu.memory_space<hbm>>
      %dma_start3A_10 = arith.constant 0 : i32
      %dma_start3A_11 = tpu.memref_slice %arg8[%mul3A_2, %dma_start3A_10] : memref<10240x16xf32, #tpu.memory_space<vmem_shared>> -> memref<640x16xf32, #tpu.memory_space<vmem_shared>>
      tpu.enqueue_dma source(%dma_start3A_11 : memref<640x16xf32, #tpu.memory_space<vmem_shared>>) target(%dma_start3A_9 : memref<640x16xf32, #tpu.memory_space<hbm>>) target_semaphore(%run_scoped3A : memref<!tpu.dma_semaphore, #tpu.memory_space<semaphore_mem>>)
      %dma_wait3A = arith.constant 0 : i32
      %dma_wait3A_12 = tpu.memref_slice %arg5[%arg0, %mul3A_2, %dma_wait3A] : memref<2x10240x16xf32, #tpu.memory_space<hbm>> -> memref<1x640x16xf32, #tpu.memory_space<hbm>>
      %dma_wait3A_13 = tpu.memref_squeeze %dma_wait3A_12 : memref<1x640x16xf32, #tpu.memory_space<hbm>> -> memref<640x16xf32, #tpu.memory_space<hbm>>
      %dma_wait3A_14 = arith.constant 0 : i32
      %dma_wait3A_15 = tpu.memref_slice %arg8[%mul3A_2, %dma_wait3A_14] : memref<10240x16xf32, #tpu.memory_space<vmem_shared>> -> memref<640x16xf32, #tpu.memory_space<vmem_shared>>
      tpu.wait_dma2 semaphore(%run_scoped3A : memref<!tpu.dma_semaphore, #tpu.memory_space<semaphore_mem>>) src(%dma_wait3A_15 : memref<640x16xf32, #tpu.memory_space<vmem_shared>>) dst(%dma_wait3A_13 : memref<640x16xf32, #tpu.memory_space<hbm>>)
      tpu.yield
    }) : () -> ()
    return
  }
}

#map = affine_map<(d0, d1) -> (0, 0)>
#map1 = affine_map<(d0, d1) -> (0, 0, 0)>
module attributes {stable_mosaic.version = 14 : i64} {
  func.func @agg_kernel(%arg0: i32, %arg1: i32, %arg2: memref<10000x64xf32, #tpu.memory_space<hbm>>, %arg3: memref<32x80x125xi32, #tpu.memory_space<hbm>>, %arg4: memref<32x80x125xi32, #tpu.memory_space<hbm>>, %arg5: memref<10240x64xf32, #tpu.memory_space<hbm>>, %arg6: memref<2x10240x64xf32, #tpu.memory_space<hbm>>, %arg7: memref<80x125xi32, #tpu.memory_space<vmem>>, %arg8: memref<80x125xi32, #tpu.memory_space<vmem>>, %arg9: memref<8x125x64xf32, #tpu.memory_space<vmem>>, %arg10: memref<10240x64xf32, #tpu.memory_space<vmem_shared>>, %arg11: memref<!tpu.dma_semaphore, #tpu.memory_space<semaphore_mem>>, %arg12: memref<!tpu.dma_semaphore, #tpu.memory_space<semaphore_mem>>) attributes {dimension_semantics = [#tpu.dimension_semantics<core_parallel>, #tpu.dimension_semantics<subcore_parallel>], iteration_bounds = array<i64: 2, 16>, scalar_prefetch = 0 : i64, scratch_operands = 6 : i64, tpu.core_type = #tpu.core_type<sc_vector_subcore>, window_params = [{transform_indices = #map}, {transform_indices = #map1}, {transform_indices = #map1}, {transform_indices = #map}, {transform_indices = #map1}]} {
    %mul3A = arith.constant 2 : i32
    %mul3A_0 = arith.muli %arg1, %mul3A : i32
    %add3A = arith.addi %mul3A_0, %arg0 : i32
    %mul3A_1 = arith.constant 640 : i32
    %mul3A_2 = arith.muli %arg1, %mul3A_1 : i32
    "tpu.region"() ({
      %run_scoped3A = tpu.sem_alloc : memref<!tpu.dma_semaphore, #tpu.memory_space<semaphore_mem>>
      %dma_start3A = arith.constant 0 : i32
      %dma_start3A_8 = tpu.memref_slice %arg10[%mul3A_2, %dma_start3A] : memref<10240x64xf32, #tpu.memory_space<vmem_shared>> -> memref<640x64xf32, #tpu.memory_space<vmem_shared>>
      %dma_start3A_9 = arith.constant 0 : i32
      %dma_start3A_10 = tpu.memref_slice %arg5[%mul3A_2, %dma_start3A_9] : memref<10240x64xf32, #tpu.memory_space<hbm>> -> memref<640x64xf32, #tpu.memory_space<hbm>>
      tpu.enqueue_dma source(%dma_start3A_10 : memref<640x64xf32, #tpu.memory_space<hbm>>) target(%dma_start3A_8 : memref<640x64xf32, #tpu.memory_space<vmem_shared>>) target_semaphore(%run_scoped3A : memref<!tpu.dma_semaphore, #tpu.memory_space<semaphore_mem>>)
      %dma_wait3A = arith.constant 0 : i32
      %dma_wait3A_11 = tpu.memref_slice %arg10[%mul3A_2, %dma_wait3A] : memref<10240x64xf32, #tpu.memory_space<vmem_shared>> -> memref<640x64xf32, #tpu.memory_space<vmem_shared>>
      %dma_wait3A_12 = arith.constant 0 : i32
      %dma_wait3A_13 = tpu.memref_slice %arg5[%mul3A_2, %dma_wait3A_12] : memref<10240x64xf32, #tpu.memory_space<hbm>> -> memref<640x64xf32, #tpu.memory_space<hbm>>
      tpu.wait_dma2 semaphore(%run_scoped3A : memref<!tpu.dma_semaphore, #tpu.memory_space<semaphore_mem>>) src(%dma_wait3A_13 : memref<640x64xf32, #tpu.memory_space<hbm>>) dst(%dma_wait3A_11 : memref<640x64xf32, #tpu.memory_space<vmem_shared>>)
      tpu.yield
    }) : () -> ()
    "tpu.region"() ({
      %run_scoped3A = tpu.sem_alloc : memref<!tpu.dma_semaphore, #tpu.memory_space<semaphore_mem>>
      %dma_start3A = arith.constant 0 : i32
      %dma_start3A_8 = arith.constant 0 : i32
      %dma_start3A_9 = tpu.memref_slice %arg3[%add3A, %dma_start3A, %dma_start3A_8] : memref<32x80x125xi32, #tpu.memory_space<hbm>> -> memref<1x80x125xi32, #tpu.memory_space<hbm>>
      %dma_start3A_10 = tpu.memref_squeeze %dma_start3A_9 : memref<1x80x125xi32, #tpu.memory_space<hbm>> -> memref<80x125xi32, #tpu.memory_space<hbm>>
      %dma_start3A_11 = arith.constant 0 : i32
      %dma_start3A_12 = arith.constant 0 : i32
      %dma_start3A_13 = tpu.memref_slice %arg3[%add3A, %dma_start3A_11, %dma_start3A_12] : memref<32x80x125xi32, #tpu.memory_space<hbm>> -> memref<1x80x125xi32, #tpu.memory_space<hbm>>
      %dma_start3A_14 = tpu.memref_squeeze %dma_start3A_13 : memref<1x80x125xi32, #tpu.memory_space<hbm>> -> memref<80x125xi32, #tpu.memory_space<hbm>>
      tpu.enqueue_dma source(%dma_start3A_14 : memref<80x125xi32, #tpu.memory_space<hbm>>) target(%arg7 : memref<80x125xi32, #tpu.memory_space<vmem>>) target_semaphore(%run_scoped3A : memref<!tpu.dma_semaphore, #tpu.memory_space<semaphore_mem>>)
      %dma_wait3A = arith.constant 0 : i32
      %dma_wait3A_15 = arith.constant 0 : i32
      %dma_wait3A_16 = tpu.memref_slice %arg3[%add3A, %dma_wait3A, %dma_wait3A_15] : memref<32x80x125xi32, #tpu.memory_space<hbm>> -> memref<1x80x125xi32, #tpu.memory_space<hbm>>
      %dma_wait3A_17 = tpu.memref_squeeze %dma_wait3A_16 : memref<1x80x125xi32, #tpu.memory_space<hbm>> -> memref<80x125xi32, #tpu.memory_space<hbm>>
      %dma_wait3A_18 = arith.constant 0 : i32
      %dma_wait3A_19 = arith.constant 0 : i32
      %dma_wait3A_20 = tpu.memref_slice %arg3[%add3A, %dma_wait3A_18, %dma_wait3A_19] : memref<32x80x125xi32, #tpu.memory_space<hbm>> -> memref<1x80x125xi32, #tpu.memory_space<hbm>>
      %dma_wait3A_21 = tpu.memref_squeeze %dma_wait3A_20 : memref<1x80x125xi32, #tpu.memory_space<hbm>> -> memref<80x125xi32, #tpu.memory_space<hbm>>
      tpu.wait_dma2 semaphore(%run_scoped3A : memref<!tpu.dma_semaphore, #tpu.memory_space<semaphore_mem>>) src(%dma_wait3A_21 : memref<80x125xi32, #tpu.memory_space<hbm>>) dst(%arg7 : memref<80x125xi32, #tpu.memory_space<vmem>>)
      tpu.yield
    }) : () -> ()
    "tpu.region"() ({
      %run_scoped3A = tpu.sem_alloc : memref<!tpu.dma_semaphore, #tpu.memory_space<semaphore_mem>>
      %dma_start3A = arith.constant 0 : i32
      %dma_start3A_8 = arith.constant 0 : i32
      %dma_start3A_9 = tpu.memref_slice %arg4[%add3A, %dma_start3A, %dma_start3A_8] : memref<32x80x125xi32, #tpu.memory_space<hbm>> -> memref<1x80x125xi32, #tpu.memory_space<hbm>>
      %dma_start3A_10 = tpu.memref_squeeze %dma_start3A_9 : memref<1x80x125xi32, #tpu.memory_space<hbm>> -> memref<80x125xi32, #tpu.memory_space<hbm>>
      %dma_start3A_11 = arith.constant 0 : i32
      %dma_start3A_12 = arith.constant 0 : i32
      %dma_start3A_13 = tpu.memref_slice %arg4[%add3A, %dma_start3A_11, %dma_start3A_12] : memref<32x80x125xi32, #tpu.memory_space<hbm>> -> memref<1x80x125xi32, #tpu.memory_space<hbm>>
      %dma_start3A_14 = tpu.memref_squeeze %dma_start3A_13 : memref<1x80x125xi32, #tpu.memory_space<hbm>> -> memref<80x125xi32, #tpu.memory_space<hbm>>
      tpu.enqueue_dma source(%dma_start3A_14 : memref<80x125xi32, #tpu.memory_space<hbm>>) target(%arg8 : memref<80x125xi32, #tpu.memory_space<vmem>>) target_semaphore(%run_scoped3A : memref<!tpu.dma_semaphore, #tpu.memory_space<semaphore_mem>>)
      %dma_wait3A = arith.constant 0 : i32
      %dma_wait3A_15 = arith.constant 0 : i32
      %dma_wait3A_16 = tpu.memref_slice %arg4[%add3A, %dma_wait3A, %dma_wait3A_15] : memref<32x80x125xi32, #tpu.memory_space<hbm>> -> memref<1x80x125xi32, #tpu.memory_space<hbm>>
      %dma_wait3A_17 = tpu.memref_squeeze %dma_wait3A_16 : memref<1x80x125xi32, #tpu.memory_space<hbm>> -> memref<80x125xi32, #tpu.memory_space<hbm>>
      %dma_wait3A_18 = arith.constant 0 : i32
      %dma_wait3A_19 = arith.constant 0 : i32
      %dma_wait3A_20 = tpu.memref_slice %arg4[%add3A, %dma_wait3A_18, %dma_wait3A_19] : memref<32x80x125xi32, #tpu.memory_space<hbm>> -> memref<1x80x125xi32, #tpu.memory_space<hbm>>
      %dma_wait3A_21 = tpu.memref_squeeze %dma_wait3A_20 : memref<1x80x125xi32, #tpu.memory_space<hbm>> -> memref<80x125xi32, #tpu.memory_space<hbm>>
      tpu.wait_dma2 semaphore(%run_scoped3A : memref<!tpu.dma_semaphore, #tpu.memory_space<semaphore_mem>>) src(%dma_wait3A_21 : memref<80x125xi32, #tpu.memory_space<hbm>>) dst(%arg8 : memref<80x125xi32, #tpu.memory_space<vmem>>)
      tpu.yield
    }) : () -> ()
    %barrier3A = arith.constant 0 : index
    tpu.barrier barrier_id(%barrier3A)
    %scan3A = arith.constant 0 : i32
    %scan3A_3 = arith.constant 10 : i32
    %scan3A_4 = arith.addi %scan3A, %scan3A_3 : i32
    %scan3A_5 = arith.constant 1 : i32
    scf.for %scan3A_8 = %scan3A to %scan3A_4 step %scan3A_5  : i32 {
      %mul3A_9 = arith.constant 1 : i32
      %mul3A_10 = arith.muli %scan3A_8, %mul3A_9 : i32
      %add3A_11 = arith.constant 0 : i32
      %add3A_12 = arith.addi %add3A_11, %mul3A_10 : i32
      %mul3A_13 = arith.constant 8 : i32
      %mul3A_14 = arith.muli %add3A_12, %mul3A_13 : i32
      %add3A_15 = arith.constant 0 : i32
      %add3A_16 = arith.addi %mul3A_14, %add3A_15 : i32
      %dma_start3A = arith.constant 0 : i32
      %dma_start3A_17 = arith.constant 0 : i32
      %dma_start3A_18 = arith.constant 0 : i32
      %dma_start3A_19 = tpu.memref_slice %arg9[%dma_start3A, %dma_start3A_17, %dma_start3A_18] : memref<8x125x64xf32, #tpu.memory_space<vmem>> -> memref<1x125x64xf32, #tpu.memory_space<vmem>>
      %dma_start3A_20 = tpu.memref_squeeze %dma_start3A_19 : memref<1x125x64xf32, #tpu.memory_space<vmem>> -> memref<125x64xf32, #tpu.memory_space<vmem>>
      %dma_start3A_21 = arith.constant 0 : i32
      %dma_start3A_22 = tpu.memref_slice %arg7[%add3A_16, %dma_start3A_21] : memref<80x125xi32, #tpu.memory_space<vmem>> -> memref<1x125xi32, #tpu.memory_space<vmem>>
      %dma_start3A_23 = tpu.memref_squeeze %dma_start3A_22 : memref<1x125xi32, #tpu.memory_space<vmem>> -> memref<125xi32, #tpu.memory_space<vmem>>
      %dma_start3A_24 = arith.constant 0 : i32
      %dma_start3A_25 = arith.constant 0 : i32
      %dma_start3A_26 = tpu.memref_slice %arg2[%dma_start3A_24, %dma_start3A_25] : memref<10000x64xf32, #tpu.memory_space<hbm>> -> memref<10000x64xf32, #tpu.memory_space<hbm>>
      tpu.enqueue_indirect_dma source(%dma_start3A_26 : memref<10000x64xf32, #tpu.memory_space<hbm>>) target(%dma_start3A_20 : memref<125x64xf32, #tpu.memory_space<vmem>>) offsets(%dma_start3A_23 : memref<125xi32, #tpu.memory_space<vmem>>) semaphore(%arg11 : memref<!tpu.dma_semaphore, #tpu.memory_space<semaphore_mem>>)
      %add3A_27 = arith.constant 1 : i32
      %add3A_28 = arith.addi %mul3A_14, %add3A_27 : i32
      %dma_start3A_29 = arith.constant 1 : i32
      %dma_start3A_30 = arith.constant 0 : i32
      %dma_start3A_31 = arith.constant 0 : i32
      %dma_start3A_32 = tpu.memref_slice %arg9[%dma_start3A_29, %dma_start3A_30, %dma_start3A_31] : memref<8x125x64xf32, #tpu.memory_space<vmem>> -> memref<1x125x64xf32, #tpu.memory_space<vmem>>
      %dma_start3A_33 = tpu.memref_squeeze %dma_start3A_32 : memref<1x125x64xf32, #tpu.memory_space<vmem>> -> memref<125x64xf32, #tpu.memory_space<vmem>>
      %dma_start3A_34 = arith.constant 0 : i32
      %dma_start3A_35 = tpu.memref_slice %arg7[%add3A_28, %dma_start3A_34] : memref<80x125xi32, #tpu.memory_space<vmem>> -> memref<1x125xi32, #tpu.memory_space<vmem>>
      %dma_start3A_36 = tpu.memref_squeeze %dma_start3A_35 : memref<1x125xi32, #tpu.memory_space<vmem>> -> memref<125xi32, #tpu.memory_space<vmem>>
      %dma_start3A_37 = arith.constant 0 : i32
      %dma_start3A_38 = arith.constant 0 : i32
      %dma_start3A_39 = tpu.memref_slice %arg2[%dma_start3A_37, %dma_start3A_38] : memref<10000x64xf32, #tpu.memory_space<hbm>> -> memref<10000x64xf32, #tpu.memory_space<hbm>>
      tpu.enqueue_indirect_dma source(%dma_start3A_39 : memref<10000x64xf32, #tpu.memory_space<hbm>>) target(%dma_start3A_33 : memref<125x64xf32, #tpu.memory_space<vmem>>) offsets(%dma_start3A_36 : memref<125xi32, #tpu.memory_space<vmem>>) semaphore(%arg11 : memref<!tpu.dma_semaphore, #tpu.memory_space<semaphore_mem>>)
      %add3A_40 = arith.constant 2 : i32
      %add3A_41 = arith.addi %mul3A_14, %add3A_40 : i32
      %dma_start3A_42 = arith.constant 2 : i32
      %dma_start3A_43 = arith.constant 0 : i32
      %dma_start3A_44 = arith.constant 0 : i32
      %dma_start3A_45 = tpu.memref_slice %arg9[%dma_start3A_42, %dma_start3A_43, %dma_start3A_44] : memref<8x125x64xf32, #tpu.memory_space<vmem>> -> memref<1x125x64xf32, #tpu.memory_space<vmem>>
      %dma_start3A_46 = tpu.memref_squeeze %dma_start3A_45 : memref<1x125x64xf32, #tpu.memory_space<vmem>> -> memref<125x64xf32, #tpu.memory_space<vmem>>
      %dma_start3A_47 = arith.constant 0 : i32
      %dma_start3A_48 = tpu.memref_slice %arg7[%add3A_41, %dma_start3A_47] : memref<80x125xi32, #tpu.memory_space<vmem>> -> memref<1x125xi32, #tpu.memory_space<vmem>>
      %dma_start3A_49 = tpu.memref_squeeze %dma_start3A_48 : memref<1x125xi32, #tpu.memory_space<vmem>> -> memref<125xi32, #tpu.memory_space<vmem>>
      %dma_start3A_50 = arith.constant 0 : i32
      %dma_start3A_51 = arith.constant 0 : i32
      %dma_start3A_52 = tpu.memref_slice %arg2[%dma_start3A_50, %dma_start3A_51] : memref<10000x64xf32, #tpu.memory_space<hbm>> -> memref<10000x64xf32, #tpu.memory_space<hbm>>
      tpu.enqueue_indirect_dma source(%dma_start3A_52 : memref<10000x64xf32, #tpu.memory_space<hbm>>) target(%dma_start3A_46 : memref<125x64xf32, #tpu.memory_space<vmem>>) offsets(%dma_start3A_49 : memref<125xi32, #tpu.memory_space<vmem>>) semaphore(%arg11 : memref<!tpu.dma_semaphore, #tpu.memory_space<semaphore_mem>>)
      %add3A_53 = arith.constant 3 : i32
      %add3A_54 = arith.addi %mul3A_14, %add3A_53 : i32
      %dma_start3A_55 = arith.constant 3 : i32
      %dma_start3A_56 = arith.constant 0 : i32
      %dma_start3A_57 = arith.constant 0 : i32
      %dma_start3A_58 = tpu.memref_slice %arg9[%dma_start3A_55, %dma_start3A_56, %dma_start3A_57] : memref<8x125x64xf32, #tpu.memory_space<vmem>> -> memref<1x125x64xf32, #tpu.memory_space<vmem>>
      %dma_start3A_59 = tpu.memref_squeeze %dma_start3A_58 : memref<1x125x64xf32, #tpu.memory_space<vmem>> -> memref<125x64xf32, #tpu.memory_space<vmem>>
      %dma_start3A_60 = arith.constant 0 : i32
      %dma_start3A_61 = tpu.memref_slice %arg7[%add3A_54, %dma_start3A_60] : memref<80x125xi32, #tpu.memory_space<vmem>> -> memref<1x125xi32, #tpu.memory_space<vmem>>
      %dma_start3A_62 = tpu.memref_squeeze %dma_start3A_61 : memref<1x125xi32, #tpu.memory_space<vmem>> -> memref<125xi32, #tpu.memory_space<vmem>>
      %dma_start3A_63 = arith.constant 0 : i32
      %dma_start3A_64 = arith.constant 0 : i32
      %dma_start3A_65 = tpu.memref_slice %arg2[%dma_start3A_63, %dma_start3A_64] : memref<10000x64xf32, #tpu.memory_space<hbm>> -> memref<10000x64xf32, #tpu.memory_space<hbm>>
      tpu.enqueue_indirect_dma source(%dma_start3A_65 : memref<10000x64xf32, #tpu.memory_space<hbm>>) target(%dma_start3A_59 : memref<125x64xf32, #tpu.memory_space<vmem>>) offsets(%dma_start3A_62 : memref<125xi32, #tpu.memory_space<vmem>>) semaphore(%arg11 : memref<!tpu.dma_semaphore, #tpu.memory_space<semaphore_mem>>)
      %add3A_66 = arith.constant 4 : i32
      %add3A_67 = arith.addi %mul3A_14, %add3A_66 : i32
      %dma_start3A_68 = arith.constant 4 : i32
      %dma_start3A_69 = arith.constant 0 : i32
      %dma_start3A_70 = arith.constant 0 : i32
      %dma_start3A_71 = tpu.memref_slice %arg9[%dma_start3A_68, %dma_start3A_69, %dma_start3A_70] : memref<8x125x64xf32, #tpu.memory_space<vmem>> -> memref<1x125x64xf32, #tpu.memory_space<vmem>>
      %dma_start3A_72 = tpu.memref_squeeze %dma_start3A_71 : memref<1x125x64xf32, #tpu.memory_space<vmem>> -> memref<125x64xf32, #tpu.memory_space<vmem>>
      %dma_start3A_73 = arith.constant 0 : i32
      %dma_start3A_74 = tpu.memref_slice %arg7[%add3A_67, %dma_start3A_73] : memref<80x125xi32, #tpu.memory_space<vmem>> -> memref<1x125xi32, #tpu.memory_space<vmem>>
      %dma_start3A_75 = tpu.memref_squeeze %dma_start3A_74 : memref<1x125xi32, #tpu.memory_space<vmem>> -> memref<125xi32, #tpu.memory_space<vmem>>
      %dma_start3A_76 = arith.constant 0 : i32
      %dma_start3A_77 = arith.constant 0 : i32
      %dma_start3A_78 = tpu.memref_slice %arg2[%dma_start3A_76, %dma_start3A_77] : memref<10000x64xf32, #tpu.memory_space<hbm>> -> memref<10000x64xf32, #tpu.memory_space<hbm>>
      tpu.enqueue_indirect_dma source(%dma_start3A_78 : memref<10000x64xf32, #tpu.memory_space<hbm>>) target(%dma_start3A_72 : memref<125x64xf32, #tpu.memory_space<vmem>>) offsets(%dma_start3A_75 : memref<125xi32, #tpu.memory_space<vmem>>) semaphore(%arg11 : memref<!tpu.dma_semaphore, #tpu.memory_space<semaphore_mem>>)
      %add3A_79 = arith.constant 5 : i32
      %add3A_80 = arith.addi %mul3A_14, %add3A_79 : i32
      %dma_start3A_81 = arith.constant 5 : i32
      %dma_start3A_82 = arith.constant 0 : i32
      %dma_start3A_83 = arith.constant 0 : i32
      %dma_start3A_84 = tpu.memref_slice %arg9[%dma_start3A_81, %dma_start3A_82, %dma_start3A_83] : memref<8x125x64xf32, #tpu.memory_space<vmem>> -> memref<1x125x64xf32, #tpu.memory_space<vmem>>
      %dma_start3A_85 = tpu.memref_squeeze %dma_start3A_84 : memref<1x125x64xf32, #tpu.memory_space<vmem>> -> memref<125x64xf32, #tpu.memory_space<vmem>>
      %dma_start3A_86 = arith.constant 0 : i32
      %dma_start3A_87 = tpu.memref_slice %arg7[%add3A_80, %dma_start3A_86] : memref<80x125xi32, #tpu.memory_space<vmem>> -> memref<1x125xi32, #tpu.memory_space<vmem>>
      %dma_start3A_88 = tpu.memref_squeeze %dma_start3A_87 : memref<1x125xi32, #tpu.memory_space<vmem>> -> memref<125xi32, #tpu.memory_space<vmem>>
      %dma_start3A_89 = arith.constant 0 : i32
      %dma_start3A_90 = arith.constant 0 : i32
      %dma_start3A_91 = tpu.memref_slice %arg2[%dma_start3A_89, %dma_start3A_90] : memref<10000x64xf32, #tpu.memory_space<hbm>> -> memref<10000x64xf32, #tpu.memory_space<hbm>>
      tpu.enqueue_indirect_dma source(%dma_start3A_91 : memref<10000x64xf32, #tpu.memory_space<hbm>>) target(%dma_start3A_85 : memref<125x64xf32, #tpu.memory_space<vmem>>) offsets(%dma_start3A_88 : memref<125xi32, #tpu.memory_space<vmem>>) semaphore(%arg11 : memref<!tpu.dma_semaphore, #tpu.memory_space<semaphore_mem>>)
      %add3A_92 = arith.constant 6 : i32
      %add3A_93 = arith.addi %mul3A_14, %add3A_92 : i32
      %dma_start3A_94 = arith.constant 6 : i32
      %dma_start3A_95 = arith.constant 0 : i32
      %dma_start3A_96 = arith.constant 0 : i32
      %dma_start3A_97 = tpu.memref_slice %arg9[%dma_start3A_94, %dma_start3A_95, %dma_start3A_96] : memref<8x125x64xf32, #tpu.memory_space<vmem>> -> memref<1x125x64xf32, #tpu.memory_space<vmem>>
      %dma_start3A_98 = tpu.memref_squeeze %dma_start3A_97 : memref<1x125x64xf32, #tpu.memory_space<vmem>> -> memref<125x64xf32, #tpu.memory_space<vmem>>
      %dma_start3A_99 = arith.constant 0 : i32
      %dma_start3A_100 = tpu.memref_slice %arg7[%add3A_93, %dma_start3A_99] : memref<80x125xi32, #tpu.memory_space<vmem>> -> memref<1x125xi32, #tpu.memory_space<vmem>>
      %dma_start3A_101 = tpu.memref_squeeze %dma_start3A_100 : memref<1x125xi32, #tpu.memory_space<vmem>> -> memref<125xi32, #tpu.memory_space<vmem>>
      %dma_start3A_102 = arith.constant 0 : i32
      %dma_start3A_103 = arith.constant 0 : i32
      %dma_start3A_104 = tpu.memref_slice %arg2[%dma_start3A_102, %dma_start3A_103] : memref<10000x64xf32, #tpu.memory_space<hbm>> -> memref<10000x64xf32, #tpu.memory_space<hbm>>
      tpu.enqueue_indirect_dma source(%dma_start3A_104 : memref<10000x64xf32, #tpu.memory_space<hbm>>) target(%dma_start3A_98 : memref<125x64xf32, #tpu.memory_space<vmem>>) offsets(%dma_start3A_101 : memref<125xi32, #tpu.memory_space<vmem>>) semaphore(%arg11 : memref<!tpu.dma_semaphore, #tpu.memory_space<semaphore_mem>>)
      %add3A_105 = arith.constant 7 : i32
      %add3A_106 = arith.addi %mul3A_14, %add3A_105 : i32
      %dma_start3A_107 = arith.constant 7 : i32
      %dma_start3A_108 = arith.constant 0 : i32
      %dma_start3A_109 = arith.constant 0 : i32
      %dma_start3A_110 = tpu.memref_slice %arg9[%dma_start3A_107, %dma_start3A_108, %dma_start3A_109] : memref<8x125x64xf32, #tpu.memory_space<vmem>> -> memref<1x125x64xf32, #tpu.memory_space<vmem>>
      %dma_start3A_111 = tpu.memref_squeeze %dma_start3A_110 : memref<1x125x64xf32, #tpu.memory_space<vmem>> -> memref<125x64xf32, #tpu.memory_space<vmem>>
      %dma_start3A_112 = arith.constant 0 : i32
      %dma_start3A_113 = tpu.memref_slice %arg7[%add3A_106, %dma_start3A_112] : memref<80x125xi32, #tpu.memory_space<vmem>> -> memref<1x125xi32, #tpu.memory_space<vmem>>
      %dma_start3A_114 = tpu.memref_squeeze %dma_start3A_113 : memref<1x125xi32, #tpu.memory_space<vmem>> -> memref<125xi32, #tpu.memory_space<vmem>>
      %dma_start3A_115 = arith.constant 0 : i32
      %dma_start3A_116 = arith.constant 0 : i32
      %dma_start3A_117 = tpu.memref_slice %arg2[%dma_start3A_115, %dma_start3A_116] : memref<10000x64xf32, #tpu.memory_space<hbm>> -> memref<10000x64xf32, #tpu.memory_space<hbm>>
      tpu.enqueue_indirect_dma source(%dma_start3A_117 : memref<10000x64xf32, #tpu.memory_space<hbm>>) target(%dma_start3A_111 : memref<125x64xf32, #tpu.memory_space<vmem>>) offsets(%dma_start3A_114 : memref<125xi32, #tpu.memory_space<vmem>>) semaphore(%arg11 : memref<!tpu.dma_semaphore, #tpu.memory_space<semaphore_mem>>)
      %dma_wait3A = arith.constant 0 : i32
      %dma_wait3A_118 = arith.constant 0 : i32
      %dma_wait3A_119 = arith.constant 0 : i32
      %dma_wait3A_120 = tpu.memref_slice %arg9[%dma_wait3A, %dma_wait3A_118, %dma_wait3A_119] : memref<8x125x64xf32, #tpu.memory_space<vmem>> -> memref<1x125x64xf32, #tpu.memory_space<vmem>>
      %dma_wait3A_121 = tpu.memref_squeeze %dma_wait3A_120 : memref<1x125x64xf32, #tpu.memory_space<vmem>> -> memref<125x64xf32, #tpu.memory_space<vmem>>
      %dma_wait3A_122 = arith.constant 0 : i32
      %dma_wait3A_123 = tpu.memref_slice %arg7[%add3A_16, %dma_wait3A_122] : memref<80x125xi32, #tpu.memory_space<vmem>> -> memref<1x125xi32, #tpu.memory_space<vmem>>
      %dma_wait3A_124 = tpu.memref_squeeze %dma_wait3A_123 : memref<1x125xi32, #tpu.memory_space<vmem>> -> memref<125xi32, #tpu.memory_space<vmem>>
      %dma_wait3A_125 = arith.constant 0 : i32
      %dma_wait3A_126 = arith.constant 0 : i32
      %dma_wait3A_127 = tpu.memref_slice %arg2[%dma_wait3A_125, %dma_wait3A_126] : memref<10000x64xf32, #tpu.memory_space<hbm>> -> memref<10000x64xf32, #tpu.memory_space<hbm>>
      tpu.wait_indirect_dma semaphore(%arg11 : memref<!tpu.dma_semaphore, #tpu.memory_space<semaphore_mem>>) src(%dma_wait3A_127 : memref<10000x64xf32, #tpu.memory_space<hbm>>) dst(%dma_wait3A_121 : memref<125x64xf32, #tpu.memory_space<vmem>>)
      %dma_wait3A_128 = arith.constant 1 : i32
      %dma_wait3A_129 = arith.constant 0 : i32
      %dma_wait3A_130 = arith.constant 0 : i32
      %dma_wait3A_131 = tpu.memref_slice %arg9[%dma_wait3A_128, %dma_wait3A_129, %dma_wait3A_130] : memref<8x125x64xf32, #tpu.memory_space<vmem>> -> memref<1x125x64xf32, #tpu.memory_space<vmem>>
      %dma_wait3A_132 = tpu.memref_squeeze %dma_wait3A_131 : memref<1x125x64xf32, #tpu.memory_space<vmem>> -> memref<125x64xf32, #tpu.memory_space<vmem>>
      %dma_wait3A_133 = arith.constant 0 : i32
      %dma_wait3A_134 = tpu.memref_slice %arg7[%add3A_28, %dma_wait3A_133] : memref<80x125xi32, #tpu.memory_space<vmem>> -> memref<1x125xi32, #tpu.memory_space<vmem>>
      %dma_wait3A_135 = tpu.memref_squeeze %dma_wait3A_134 : memref<1x125xi32, #tpu.memory_space<vmem>> -> memref<125xi32, #tpu.memory_space<vmem>>
      %dma_wait3A_136 = arith.constant 0 : i32
      %dma_wait3A_137 = arith.constant 0 : i32
      %dma_wait3A_138 = tpu.memref_slice %arg2[%dma_wait3A_136, %dma_wait3A_137] : memref<10000x64xf32, #tpu.memory_space<hbm>> -> memref<10000x64xf32, #tpu.memory_space<hbm>>
      tpu.wait_indirect_dma semaphore(%arg11 : memref<!tpu.dma_semaphore, #tpu.memory_space<semaphore_mem>>) src(%dma_wait3A_138 : memref<10000x64xf32, #tpu.memory_space<hbm>>) dst(%dma_wait3A_132 : memref<125x64xf32, #tpu.memory_space<vmem>>)
      %dma_wait3A_139 = arith.constant 2 : i32
      %dma_wait3A_140 = arith.constant 0 : i32
      %dma_wait3A_141 = arith.constant 0 : i32
      %dma_wait3A_142 = tpu.memref_slice %arg9[%dma_wait3A_139, %dma_wait3A_140, %dma_wait3A_141] : memref<8x125x64xf32, #tpu.memory_space<vmem>> -> memref<1x125x64xf32, #tpu.memory_space<vmem>>
      %dma_wait3A_143 = tpu.memref_squeeze %dma_wait3A_142 : memref<1x125x64xf32, #tpu.memory_space<vmem>> -> memref<125x64xf32, #tpu.memory_space<vmem>>
      %dma_wait3A_144 = arith.constant 0 : i32
      %dma_wait3A_145 = tpu.memref_slice %arg7[%add3A_41, %dma_wait3A_144] : memref<80x125xi32, #tpu.memory_space<vmem>> -> memref<1x125xi32, #tpu.memory_space<vmem>>
      %dma_wait3A_146 = tpu.memref_squeeze %dma_wait3A_145 : memref<1x125xi32, #tpu.memory_space<vmem>> -> memref<125xi32, #tpu.memory_space<vmem>>
      %dma_wait3A_147 = arith.constant 0 : i32
      %dma_wait3A_148 = arith.constant 0 : i32
      %dma_wait3A_149 = tpu.memref_slice %arg2[%dma_wait3A_147, %dma_wait3A_148] : memref<10000x64xf32, #tpu.memory_space<hbm>> -> memref<10000x64xf32, #tpu.memory_space<hbm>>
      tpu.wait_indirect_dma semaphore(%arg11 : memref<!tpu.dma_semaphore, #tpu.memory_space<semaphore_mem>>) src(%dma_wait3A_149 : memref<10000x64xf32, #tpu.memory_space<hbm>>) dst(%dma_wait3A_143 : memref<125x64xf32, #tpu.memory_space<vmem>>)
      %dma_wait3A_150 = arith.constant 3 : i32
      %dma_wait3A_151 = arith.constant 0 : i32
      %dma_wait3A_152 = arith.constant 0 : i32
      %dma_wait3A_153 = tpu.memref_slice %arg9[%dma_wait3A_150, %dma_wait3A_151, %dma_wait3A_152] : memref<8x125x64xf32, #tpu.memory_space<vmem>> -> memref<1x125x64xf32, #tpu.memory_space<vmem>>
      %dma_wait3A_154 = tpu.memref_squeeze %dma_wait3A_153 : memref<1x125x64xf32, #tpu.memory_space<vmem>> -> memref<125x64xf32, #tpu.memory_space<vmem>>
      %dma_wait3A_155 = arith.constant 0 : i32
      %dma_wait3A_156 = tpu.memref_slice %arg7[%add3A_54, %dma_wait3A_155] : memref<80x125xi32, #tpu.memory_space<vmem>> -> memref<1x125xi32, #tpu.memory_space<vmem>>
      %dma_wait3A_157 = tpu.memref_squeeze %dma_wait3A_156 : memref<1x125xi32, #tpu.memory_space<vmem>> -> memref<125xi32, #tpu.memory_space<vmem>>
      %dma_wait3A_158 = arith.constant 0 : i32
      %dma_wait3A_159 = arith.constant 0 : i32
      %dma_wait3A_160 = tpu.memref_slice %arg2[%dma_wait3A_158, %dma_wait3A_159] : memref<10000x64xf32, #tpu.memory_space<hbm>> -> memref<10000x64xf32, #tpu.memory_space<hbm>>
      tpu.wait_indirect_dma semaphore(%arg11 : memref<!tpu.dma_semaphore, #tpu.memory_space<semaphore_mem>>) src(%dma_wait3A_160 : memref<10000x64xf32, #tpu.memory_space<hbm>>) dst(%dma_wait3A_154 : memref<125x64xf32, #tpu.memory_space<vmem>>)
      %dma_wait3A_161 = arith.constant 4 : i32
      %dma_wait3A_162 = arith.constant 0 : i32
      %dma_wait3A_163 = arith.constant 0 : i32
      %dma_wait3A_164 = tpu.memref_slice %arg9[%dma_wait3A_161, %dma_wait3A_162, %dma_wait3A_163] : memref<8x125x64xf32, #tpu.memory_space<vmem>> -> memref<1x125x64xf32, #tpu.memory_space<vmem>>
      %dma_wait3A_165 = tpu.memref_squeeze %dma_wait3A_164 : memref<1x125x64xf32, #tpu.memory_space<vmem>> -> memref<125x64xf32, #tpu.memory_space<vmem>>
      %dma_wait3A_166 = arith.constant 0 : i32
      %dma_wait3A_167 = tpu.memref_slice %arg7[%add3A_67, %dma_wait3A_166] : memref<80x125xi32, #tpu.memory_space<vmem>> -> memref<1x125xi32, #tpu.memory_space<vmem>>
      %dma_wait3A_168 = tpu.memref_squeeze %dma_wait3A_167 : memref<1x125xi32, #tpu.memory_space<vmem>> -> memref<125xi32, #tpu.memory_space<vmem>>
      %dma_wait3A_169 = arith.constant 0 : i32
      %dma_wait3A_170 = arith.constant 0 : i32
      %dma_wait3A_171 = tpu.memref_slice %arg2[%dma_wait3A_169, %dma_wait3A_170] : memref<10000x64xf32, #tpu.memory_space<hbm>> -> memref<10000x64xf32, #tpu.memory_space<hbm>>
      tpu.wait_indirect_dma semaphore(%arg11 : memref<!tpu.dma_semaphore, #tpu.memory_space<semaphore_mem>>) src(%dma_wait3A_171 : memref<10000x64xf32, #tpu.memory_space<hbm>>) dst(%dma_wait3A_165 : memref<125x64xf32, #tpu.memory_space<vmem>>)
      %dma_wait3A_172 = arith.constant 5 : i32
      %dma_wait3A_173 = arith.constant 0 : i32
      %dma_wait3A_174 = arith.constant 0 : i32
      %dma_wait3A_175 = tpu.memref_slice %arg9[%dma_wait3A_172, %dma_wait3A_173, %dma_wait3A_174] : memref<8x125x64xf32, #tpu.memory_space<vmem>> -> memref<1x125x64xf32, #tpu.memory_space<vmem>>
      %dma_wait3A_176 = tpu.memref_squeeze %dma_wait3A_175 : memref<1x125x64xf32, #tpu.memory_space<vmem>> -> memref<125x64xf32, #tpu.memory_space<vmem>>
      %dma_wait3A_177 = arith.constant 0 : i32
      %dma_wait3A_178 = tpu.memref_slice %arg7[%add3A_80, %dma_wait3A_177] : memref<80x125xi32, #tpu.memory_space<vmem>> -> memref<1x125xi32, #tpu.memory_space<vmem>>
      %dma_wait3A_179 = tpu.memref_squeeze %dma_wait3A_178 : memref<1x125xi32, #tpu.memory_space<vmem>> -> memref<125xi32, #tpu.memory_space<vmem>>
      %dma_wait3A_180 = arith.constant 0 : i32
      %dma_wait3A_181 = arith.constant 0 : i32
      %dma_wait3A_182 = tpu.memref_slice %arg2[%dma_wait3A_180, %dma_wait3A_181] : memref<10000x64xf32, #tpu.memory_space<hbm>> -> memref<10000x64xf32, #tpu.memory_space<hbm>>
      tpu.wait_indirect_dma semaphore(%arg11 : memref<!tpu.dma_semaphore, #tpu.memory_space<semaphore_mem>>) src(%dma_wait3A_182 : memref<10000x64xf32, #tpu.memory_space<hbm>>) dst(%dma_wait3A_176 : memref<125x64xf32, #tpu.memory_space<vmem>>)
      %dma_wait3A_183 = arith.constant 6 : i32
      %dma_wait3A_184 = arith.constant 0 : i32
      %dma_wait3A_185 = arith.constant 0 : i32
      %dma_wait3A_186 = tpu.memref_slice %arg9[%dma_wait3A_183, %dma_wait3A_184, %dma_wait3A_185] : memref<8x125x64xf32, #tpu.memory_space<vmem>> -> memref<1x125x64xf32, #tpu.memory_space<vmem>>
      %dma_wait3A_187 = tpu.memref_squeeze %dma_wait3A_186 : memref<1x125x64xf32, #tpu.memory_space<vmem>> -> memref<125x64xf32, #tpu.memory_space<vmem>>
      %dma_wait3A_188 = arith.constant 0 : i32
      %dma_wait3A_189 = tpu.memref_slice %arg7[%add3A_93, %dma_wait3A_188] : memref<80x125xi32, #tpu.memory_space<vmem>> -> memref<1x125xi32, #tpu.memory_space<vmem>>
      %dma_wait3A_190 = tpu.memref_squeeze %dma_wait3A_189 : memref<1x125xi32, #tpu.memory_space<vmem>> -> memref<125xi32, #tpu.memory_space<vmem>>
      %dma_wait3A_191 = arith.constant 0 : i32
      %dma_wait3A_192 = arith.constant 0 : i32
      %dma_wait3A_193 = tpu.memref_slice %arg2[%dma_wait3A_191, %dma_wait3A_192] : memref<10000x64xf32, #tpu.memory_space<hbm>> -> memref<10000x64xf32, #tpu.memory_space<hbm>>
      tpu.wait_indirect_dma semaphore(%arg11 : memref<!tpu.dma_semaphore, #tpu.memory_space<semaphore_mem>>) src(%dma_wait3A_193 : memref<10000x64xf32, #tpu.memory_space<hbm>>) dst(%dma_wait3A_187 : memref<125x64xf32, #tpu.memory_space<vmem>>)
      %dma_wait3A_194 = arith.constant 7 : i32
      %dma_wait3A_195 = arith.constant 0 : i32
      %dma_wait3A_196 = arith.constant 0 : i32
      %dma_wait3A_197 = tpu.memref_slice %arg9[%dma_wait3A_194, %dma_wait3A_195, %dma_wait3A_196] : memref<8x125x64xf32, #tpu.memory_space<vmem>> -> memref<1x125x64xf32, #tpu.memory_space<vmem>>
      %dma_wait3A_198 = tpu.memref_squeeze %dma_wait3A_197 : memref<1x125x64xf32, #tpu.memory_space<vmem>> -> memref<125x64xf32, #tpu.memory_space<vmem>>
      %dma_wait3A_199 = arith.constant 0 : i32
      %dma_wait3A_200 = tpu.memref_slice %arg7[%add3A_106, %dma_wait3A_199] : memref<80x125xi32, #tpu.memory_space<vmem>> -> memref<1x125xi32, #tpu.memory_space<vmem>>
      %dma_wait3A_201 = tpu.memref_squeeze %dma_wait3A_200 : memref<1x125xi32, #tpu.memory_space<vmem>> -> memref<125xi32, #tpu.memory_space<vmem>>
      %dma_wait3A_202 = arith.constant 0 : i32
      %dma_wait3A_203 = arith.constant 0 : i32
      %dma_wait3A_204 = tpu.memref_slice %arg2[%dma_wait3A_202, %dma_wait3A_203] : memref<10000x64xf32, #tpu.memory_space<hbm>> -> memref<10000x64xf32, #tpu.memory_space<hbm>>
      tpu.wait_indirect_dma semaphore(%arg11 : memref<!tpu.dma_semaphore, #tpu.memory_space<semaphore_mem>>) src(%dma_wait3A_204 : memref<10000x64xf32, #tpu.memory_space<hbm>>) dst(%dma_wait3A_198 : memref<125x64xf32, #tpu.memory_space<vmem>>)
      %add3A_205 = arith.constant 0 : i32
      %add3A_206 = arith.addi %mul3A_14, %add3A_205 : i32
      %dma_start3A_207 = arith.constant 0 : i32
      %dma_start3A_208 = arith.constant 0 : i32
      %dma_start3A_209 = arith.constant 0 : i32
      %dma_start3A_210 = tpu.memref_slice %arg9[%dma_start3A_207, %dma_start3A_208, %dma_start3A_209] : memref<8x125x64xf32, #tpu.memory_space<vmem>> -> memref<1x125x64xf32, #tpu.memory_space<vmem>>
      %dma_start3A_211 = tpu.memref_squeeze %dma_start3A_210 : memref<1x125x64xf32, #tpu.memory_space<vmem>> -> memref<125x64xf32, #tpu.memory_space<vmem>>
      %dma_start3A_212 = arith.constant 0 : i32
      %dma_start3A_213 = tpu.memref_slice %arg8[%add3A_206, %dma_start3A_212] : memref<80x125xi32, #tpu.memory_space<vmem>> -> memref<1x125xi32, #tpu.memory_space<vmem>>
      %dma_start3A_214 = tpu.memref_squeeze %dma_start3A_213 : memref<1x125xi32, #tpu.memory_space<vmem>> -> memref<125xi32, #tpu.memory_space<vmem>>
      %dma_start3A_215 = arith.constant 0 : i32
      %dma_start3A_216 = arith.constant 0 : i32
      %dma_start3A_217 = tpu.memref_slice %arg10[%dma_start3A_215, %dma_start3A_216] : memref<10240x64xf32, #tpu.memory_space<vmem_shared>> -> memref<10240x64xf32, #tpu.memory_space<vmem_shared>>
      tpu.enqueue_indirect_dma source(%dma_start3A_211 : memref<125x64xf32, #tpu.memory_space<vmem>>) target(%dma_start3A_217 : memref<10240x64xf32, #tpu.memory_space<vmem_shared>>) offsets(%dma_start3A_214 : memref<125xi32, #tpu.memory_space<vmem>>) semaphore(%arg12 : memref<!tpu.dma_semaphore, #tpu.memory_space<semaphore_mem>>) {add = true}
      %add3A_218 = arith.constant 1 : i32
      %add3A_219 = arith.addi %mul3A_14, %add3A_218 : i32
      %dma_start3A_220 = arith.constant 1 : i32
      %dma_start3A_221 = arith.constant 0 : i32
      %dma_start3A_222 = arith.constant 0 : i32
      %dma_start3A_223 = tpu.memref_slice %arg9[%dma_start3A_220, %dma_start3A_221, %dma_start3A_222] : memref<8x125x64xf32, #tpu.memory_space<vmem>> -> memref<1x125x64xf32, #tpu.memory_space<vmem>>
      %dma_start3A_224 = tpu.memref_squeeze %dma_start3A_223 : memref<1x125x64xf32, #tpu.memory_space<vmem>> -> memref<125x64xf32, #tpu.memory_space<vmem>>
      %dma_start3A_225 = arith.constant 0 : i32
      %dma_start3A_226 = tpu.memref_slice %arg8[%add3A_219, %dma_start3A_225] : memref<80x125xi32, #tpu.memory_space<vmem>> -> memref<1x125xi32, #tpu.memory_space<vmem>>
      %dma_start3A_227 = tpu.memref_squeeze %dma_start3A_226 : memref<1x125xi32, #tpu.memory_space<vmem>> -> memref<125xi32, #tpu.memory_space<vmem>>
      %dma_start3A_228 = arith.constant 0 : i32
      %dma_start3A_229 = arith.constant 0 : i32
      %dma_start3A_230 = tpu.memref_slice %arg10[%dma_start3A_228, %dma_start3A_229] : memref<10240x64xf32, #tpu.memory_space<vmem_shared>> -> memref<10240x64xf32, #tpu.memory_space<vmem_shared>>
      tpu.enqueue_indirect_dma source(%dma_start3A_224 : memref<125x64xf32, #tpu.memory_space<vmem>>) target(%dma_start3A_230 : memref<10240x64xf32, #tpu.memory_space<vmem_shared>>) offsets(%dma_start3A_227 : memref<125xi32, #tpu.memory_space<vmem>>) semaphore(%arg12 : memref<!tpu.dma_semaphore, #tpu.memory_space<semaphore_mem>>) {add = true}
      %add3A_231 = arith.constant 2 : i32
      %add3A_232 = arith.addi %mul3A_14, %add3A_231 : i32
      %dma_start3A_233 = arith.constant 2 : i32
      %dma_start3A_234 = arith.constant 0 : i32
      %dma_start3A_235 = arith.constant 0 : i32
      %dma_start3A_236 = tpu.memref_slice %arg9[%dma_start3A_233, %dma_start3A_234, %dma_start3A_235] : memref<8x125x64xf32, #tpu.memory_space<vmem>> -> memref<1x125x64xf32, #tpu.memory_space<vmem>>
      %dma_start3A_237 = tpu.memref_squeeze %dma_start3A_236 : memref<1x125x64xf32, #tpu.memory_space<vmem>> -> memref<125x64xf32, #tpu.memory_space<vmem>>
      %dma_start3A_238 = arith.constant 0 : i32
      %dma_start3A_239 = tpu.memref_slice %arg8[%add3A_232, %dma_start3A_238] : memref<80x125xi32, #tpu.memory_space<vmem>> -> memref<1x125xi32, #tpu.memory_space<vmem>>
      %dma_start3A_240 = tpu.memref_squeeze %dma_start3A_239 : memref<1x125xi32, #tpu.memory_space<vmem>> -> memref<125xi32, #tpu.memory_space<vmem>>
      %dma_start3A_241 = arith.constant 0 : i32
      %dma_start3A_242 = arith.constant 0 : i32
      %dma_start3A_243 = tpu.memref_slice %arg10[%dma_start3A_241, %dma_start3A_242] : memref<10240x64xf32, #tpu.memory_space<vmem_shared>> -> memref<10240x64xf32, #tpu.memory_space<vmem_shared>>
      tpu.enqueue_indirect_dma source(%dma_start3A_237 : memref<125x64xf32, #tpu.memory_space<vmem>>) target(%dma_start3A_243 : memref<10240x64xf32, #tpu.memory_space<vmem_shared>>) offsets(%dma_start3A_240 : memref<125xi32, #tpu.memory_space<vmem>>) semaphore(%arg12 : memref<!tpu.dma_semaphore, #tpu.memory_space<semaphore_mem>>) {add = true}
      %add3A_244 = arith.constant 3 : i32
      %add3A_245 = arith.addi %mul3A_14, %add3A_244 : i32
      %dma_start3A_246 = arith.constant 3 : i32
      %dma_start3A_247 = arith.constant 0 : i32
      %dma_start3A_248 = arith.constant 0 : i32
      %dma_start3A_249 = tpu.memref_slice %arg9[%dma_start3A_246, %dma_start3A_247, %dma_start3A_248] : memref<8x125x64xf32, #tpu.memory_space<vmem>> -> memref<1x125x64xf32, #tpu.memory_space<vmem>>
      %dma_start3A_250 = tpu.memref_squeeze %dma_start3A_249 : memref<1x125x64xf32, #tpu.memory_space<vmem>> -> memref<125x64xf32, #tpu.memory_space<vmem>>
      %dma_start3A_251 = arith.constant 0 : i32
      %dma_start3A_252 = tpu.memref_slice %arg8[%add3A_245, %dma_start3A_251] : memref<80x125xi32, #tpu.memory_space<vmem>> -> memref<1x125xi32, #tpu.memory_space<vmem>>
      %dma_start3A_253 = tpu.memref_squeeze %dma_start3A_252 : memref<1x125xi32, #tpu.memory_space<vmem>> -> memref<125xi32, #tpu.memory_space<vmem>>
      %dma_start3A_254 = arith.constant 0 : i32
      %dma_start3A_255 = arith.constant 0 : i32
      %dma_start3A_256 = tpu.memref_slice %arg10[%dma_start3A_254, %dma_start3A_255] : memref<10240x64xf32, #tpu.memory_space<vmem_shared>> -> memref<10240x64xf32, #tpu.memory_space<vmem_shared>>
      tpu.enqueue_indirect_dma source(%dma_start3A_250 : memref<125x64xf32, #tpu.memory_space<vmem>>) target(%dma_start3A_256 : memref<10240x64xf32, #tpu.memory_space<vmem_shared>>) offsets(%dma_start3A_253 : memref<125xi32, #tpu.memory_space<vmem>>) semaphore(%arg12 : memref<!tpu.dma_semaphore, #tpu.memory_space<semaphore_mem>>) {add = true}
      %add3A_257 = arith.constant 4 : i32
      %add3A_258 = arith.addi %mul3A_14, %add3A_257 : i32
      %dma_start3A_259 = arith.constant 4 : i32
      %dma_start3A_260 = arith.constant 0 : i32
      %dma_start3A_261 = arith.constant 0 : i32
      %dma_start3A_262 = tpu.memref_slice %arg9[%dma_start3A_259, %dma_start3A_260, %dma_start3A_261] : memref<8x125x64xf32, #tpu.memory_space<vmem>> -> memref<1x125x64xf32, #tpu.memory_space<vmem>>
      %dma_start3A_263 = tpu.memref_squeeze %dma_start3A_262 : memref<1x125x64xf32, #tpu.memory_space<vmem>> -> memref<125x64xf32, #tpu.memory_space<vmem>>
      %dma_start3A_264 = arith.constant 0 : i32
      %dma_start3A_265 = tpu.memref_slice %arg8[%add3A_258, %dma_start3A_264] : memref<80x125xi32, #tpu.memory_space<vmem>> -> memref<1x125xi32, #tpu.memory_space<vmem>>
      %dma_start3A_266 = tpu.memref_squeeze %dma_start3A_265 : memref<1x125xi32, #tpu.memory_space<vmem>> -> memref<125xi32, #tpu.memory_space<vmem>>
      %dma_start3A_267 = arith.constant 0 : i32
      %dma_start3A_268 = arith.constant 0 : i32
      %dma_start3A_269 = tpu.memref_slice %arg10[%dma_start3A_267, %dma_start3A_268] : memref<10240x64xf32, #tpu.memory_space<vmem_shared>> -> memref<10240x64xf32, #tpu.memory_space<vmem_shared>>
      tpu.enqueue_indirect_dma source(%dma_start3A_263 : memref<125x64xf32, #tpu.memory_space<vmem>>) target(%dma_start3A_269 : memref<10240x64xf32, #tpu.memory_space<vmem_shared>>) offsets(%dma_start3A_266 : memref<125xi32, #tpu.memory_space<vmem>>) semaphore(%arg12 : memref<!tpu.dma_semaphore, #tpu.memory_space<semaphore_mem>>) {add = true}
      %add3A_270 = arith.constant 5 : i32
      %add3A_271 = arith.addi %mul3A_14, %add3A_270 : i32
      %dma_start3A_272 = arith.constant 5 : i32
      %dma_start3A_273 = arith.constant 0 : i32
      %dma_start3A_274 = arith.constant 0 : i32
      %dma_start3A_275 = tpu.memref_slice %arg9[%dma_start3A_272, %dma_start3A_273, %dma_start3A_274] : memref<8x125x64xf32, #tpu.memory_space<vmem>> -> memref<1x125x64xf32, #tpu.memory_space<vmem>>
      %dma_start3A_276 = tpu.memref_squeeze %dma_start3A_275 : memref<1x125x64xf32, #tpu.memory_space<vmem>> -> memref<125x64xf32, #tpu.memory_space<vmem>>
      %dma_start3A_277 = arith.constant 0 : i32
      %dma_start3A_278 = tpu.memref_slice %arg8[%add3A_271, %dma_start3A_277] : memref<80x125xi32, #tpu.memory_space<vmem>> -> memref<1x125xi32, #tpu.memory_space<vmem>>
      %dma_start3A_279 = tpu.memref_squeeze %dma_start3A_278 : memref<1x125xi32, #tpu.memory_space<vmem>> -> memref<125xi32, #tpu.memory_space<vmem>>
      %dma_start3A_280 = arith.constant 0 : i32
      %dma_start3A_281 = arith.constant 0 : i32
      %dma_start3A_282 = tpu.memref_slice %arg10[%dma_start3A_280, %dma_start3A_281] : memref<10240x64xf32, #tpu.memory_space<vmem_shared>> -> memref<10240x64xf32, #tpu.memory_space<vmem_shared>>
      tpu.enqueue_indirect_dma source(%dma_start3A_276 : memref<125x64xf32, #tpu.memory_space<vmem>>) target(%dma_start3A_282 : memref<10240x64xf32, #tpu.memory_space<vmem_shared>>) offsets(%dma_start3A_279 : memref<125xi32, #tpu.memory_space<vmem>>) semaphore(%arg12 : memref<!tpu.dma_semaphore, #tpu.memory_space<semaphore_mem>>) {add = true}
      %add3A_283 = arith.constant 6 : i32
      %add3A_284 = arith.addi %mul3A_14, %add3A_283 : i32
      %dma_start3A_285 = arith.constant 6 : i32
      %dma_start3A_286 = arith.constant 0 : i32
      %dma_start3A_287 = arith.constant 0 : i32
      %dma_start3A_288 = tpu.memref_slice %arg9[%dma_start3A_285, %dma_start3A_286, %dma_start3A_287] : memref<8x125x64xf32, #tpu.memory_space<vmem>> -> memref<1x125x64xf32, #tpu.memory_space<vmem>>
      %dma_start3A_289 = tpu.memref_squeeze %dma_start3A_288 : memref<1x125x64xf32, #tpu.memory_space<vmem>> -> memref<125x64xf32, #tpu.memory_space<vmem>>
      %dma_start3A_290 = arith.constant 0 : i32
      %dma_start3A_291 = tpu.memref_slice %arg8[%add3A_284, %dma_start3A_290] : memref<80x125xi32, #tpu.memory_space<vmem>> -> memref<1x125xi32, #tpu.memory_space<vmem>>
      %dma_start3A_292 = tpu.memref_squeeze %dma_start3A_291 : memref<1x125xi32, #tpu.memory_space<vmem>> -> memref<125xi32, #tpu.memory_space<vmem>>
      %dma_start3A_293 = arith.constant 0 : i32
      %dma_start3A_294 = arith.constant 0 : i32
      %dma_start3A_295 = tpu.memref_slice %arg10[%dma_start3A_293, %dma_start3A_294] : memref<10240x64xf32, #tpu.memory_space<vmem_shared>> -> memref<10240x64xf32, #tpu.memory_space<vmem_shared>>
      tpu.enqueue_indirect_dma source(%dma_start3A_289 : memref<125x64xf32, #tpu.memory_space<vmem>>) target(%dma_start3A_295 : memref<10240x64xf32, #tpu.memory_space<vmem_shared>>) offsets(%dma_start3A_292 : memref<125xi32, #tpu.memory_space<vmem>>) semaphore(%arg12 : memref<!tpu.dma_semaphore, #tpu.memory_space<semaphore_mem>>) {add = true}
      %add3A_296 = arith.constant 7 : i32
      %add3A_297 = arith.addi %mul3A_14, %add3A_296 : i32
      %dma_start3A_298 = arith.constant 7 : i32
      %dma_start3A_299 = arith.constant 0 : i32
      %dma_start3A_300 = arith.constant 0 : i32
      %dma_start3A_301 = tpu.memref_slice %arg9[%dma_start3A_298, %dma_start3A_299, %dma_start3A_300] : memref<8x125x64xf32, #tpu.memory_space<vmem>> -> memref<1x125x64xf32, #tpu.memory_space<vmem>>
      %dma_start3A_302 = tpu.memref_squeeze %dma_start3A_301 : memref<1x125x64xf32, #tpu.memory_space<vmem>> -> memref<125x64xf32, #tpu.memory_space<vmem>>
      %dma_start3A_303 = arith.constant 0 : i32
      %dma_start3A_304 = tpu.memref_slice %arg8[%add3A_297, %dma_start3A_303] : memref<80x125xi32, #tpu.memory_space<vmem>> -> memref<1x125xi32, #tpu.memory_space<vmem>>
      %dma_start3A_305 = tpu.memref_squeeze %dma_start3A_304 : memref<1x125xi32, #tpu.memory_space<vmem>> -> memref<125xi32, #tpu.memory_space<vmem>>
      %dma_start3A_306 = arith.constant 0 : i32
      %dma_start3A_307 = arith.constant 0 : i32
      %dma_start3A_308 = tpu.memref_slice %arg10[%dma_start3A_306, %dma_start3A_307] : memref<10240x64xf32, #tpu.memory_space<vmem_shared>> -> memref<10240x64xf32, #tpu.memory_space<vmem_shared>>
      tpu.enqueue_indirect_dma source(%dma_start3A_302 : memref<125x64xf32, #tpu.memory_space<vmem>>) target(%dma_start3A_308 : memref<10240x64xf32, #tpu.memory_space<vmem_shared>>) offsets(%dma_start3A_305 : memref<125xi32, #tpu.memory_space<vmem>>) semaphore(%arg12 : memref<!tpu.dma_semaphore, #tpu.memory_space<semaphore_mem>>) {add = true}
      %dma_wait3A_309 = arith.constant 0 : i32
      %dma_wait3A_310 = arith.constant 0 : i32
      %dma_wait3A_311 = arith.constant 0 : i32
      %dma_wait3A_312 = tpu.memref_slice %arg9[%dma_wait3A_309, %dma_wait3A_310, %dma_wait3A_311] : memref<8x125x64xf32, #tpu.memory_space<vmem>> -> memref<1x125x64xf32, #tpu.memory_space<vmem>>
      %dma_wait3A_313 = tpu.memref_squeeze %dma_wait3A_312 : memref<1x125x64xf32, #tpu.memory_space<vmem>> -> memref<125x64xf32, #tpu.memory_space<vmem>>
      %dma_wait3A_314 = arith.constant 0 : i32
      %dma_wait3A_315 = tpu.memref_slice %arg8[%add3A_206, %dma_wait3A_314] : memref<80x125xi32, #tpu.memory_space<vmem>> -> memref<1x125xi32, #tpu.memory_space<vmem>>
      %dma_wait3A_316 = tpu.memref_squeeze %dma_wait3A_315 : memref<1x125xi32, #tpu.memory_space<vmem>> -> memref<125xi32, #tpu.memory_space<vmem>>
      %dma_wait3A_317 = arith.constant 0 : i32
      %dma_wait3A_318 = arith.constant 0 : i32
      %dma_wait3A_319 = tpu.memref_slice %arg10[%dma_wait3A_317, %dma_wait3A_318] : memref<10240x64xf32, #tpu.memory_space<vmem_shared>> -> memref<10240x64xf32, #tpu.memory_space<vmem_shared>>
      tpu.wait_indirect_dma semaphore(%arg12 : memref<!tpu.dma_semaphore, #tpu.memory_space<semaphore_mem>>) src(%dma_wait3A_313 : memref<125x64xf32, #tpu.memory_space<vmem>>) dst(%dma_wait3A_319 : memref<10240x64xf32, #tpu.memory_space<vmem_shared>>)
      %dma_wait3A_320 = arith.constant 1 : i32
      %dma_wait3A_321 = arith.constant 0 : i32
      %dma_wait3A_322 = arith.constant 0 : i32
      %dma_wait3A_323 = tpu.memref_slice %arg9[%dma_wait3A_320, %dma_wait3A_321, %dma_wait3A_322] : memref<8x125x64xf32, #tpu.memory_space<vmem>> -> memref<1x125x64xf32, #tpu.memory_space<vmem>>
      %dma_wait3A_324 = tpu.memref_squeeze %dma_wait3A_323 : memref<1x125x64xf32, #tpu.memory_space<vmem>> -> memref<125x64xf32, #tpu.memory_space<vmem>>
      %dma_wait3A_325 = arith.constant 0 : i32
      %dma_wait3A_326 = tpu.memref_slice %arg8[%add3A_219, %dma_wait3A_325] : memref<80x125xi32, #tpu.memory_space<vmem>> -> memref<1x125xi32, #tpu.memory_space<vmem>>
      %dma_wait3A_327 = tpu.memref_squeeze %dma_wait3A_326 : memref<1x125xi32, #tpu.memory_space<vmem>> -> memref<125xi32, #tpu.memory_space<vmem>>
      %dma_wait3A_328 = arith.constant 0 : i32
      %dma_wait3A_329 = arith.constant 0 : i32
      %dma_wait3A_330 = tpu.memref_slice %arg10[%dma_wait3A_328, %dma_wait3A_329] : memref<10240x64xf32, #tpu.memory_space<vmem_shared>> -> memref<10240x64xf32, #tpu.memory_space<vmem_shared>>
      tpu.wait_indirect_dma semaphore(%arg12 : memref<!tpu.dma_semaphore, #tpu.memory_space<semaphore_mem>>) src(%dma_wait3A_324 : memref<125x64xf32, #tpu.memory_space<vmem>>) dst(%dma_wait3A_330 : memref<10240x64xf32, #tpu.memory_space<vmem_shared>>)
      %dma_wait3A_331 = arith.constant 2 : i32
      %dma_wait3A_332 = arith.constant 0 : i32
      %dma_wait3A_333 = arith.constant 0 : i32
      %dma_wait3A_334 = tpu.memref_slice %arg9[%dma_wait3A_331, %dma_wait3A_332, %dma_wait3A_333] : memref<8x125x64xf32, #tpu.memory_space<vmem>> -> memref<1x125x64xf32, #tpu.memory_space<vmem>>
      %dma_wait3A_335 = tpu.memref_squeeze %dma_wait3A_334 : memref<1x125x64xf32, #tpu.memory_space<vmem>> -> memref<125x64xf32, #tpu.memory_space<vmem>>
      %dma_wait3A_336 = arith.constant 0 : i32
      %dma_wait3A_337 = tpu.memref_slice %arg8[%add3A_232, %dma_wait3A_336] : memref<80x125xi32, #tpu.memory_space<vmem>> -> memref<1x125xi32, #tpu.memory_space<vmem>>
      %dma_wait3A_338 = tpu.memref_squeeze %dma_wait3A_337 : memref<1x125xi32, #tpu.memory_space<vmem>> -> memref<125xi32, #tpu.memory_space<vmem>>
      %dma_wait3A_339 = arith.constant 0 : i32
      %dma_wait3A_340 = arith.constant 0 : i32
      %dma_wait3A_341 = tpu.memref_slice %arg10[%dma_wait3A_339, %dma_wait3A_340] : memref<10240x64xf32, #tpu.memory_space<vmem_shared>> -> memref<10240x64xf32, #tpu.memory_space<vmem_shared>>
      tpu.wait_indirect_dma semaphore(%arg12 : memref<!tpu.dma_semaphore, #tpu.memory_space<semaphore_mem>>) src(%dma_wait3A_335 : memref<125x64xf32, #tpu.memory_space<vmem>>) dst(%dma_wait3A_341 : memref<10240x64xf32, #tpu.memory_space<vmem_shared>>)
      %dma_wait3A_342 = arith.constant 3 : i32
      %dma_wait3A_343 = arith.constant 0 : i32
      %dma_wait3A_344 = arith.constant 0 : i32
      %dma_wait3A_345 = tpu.memref_slice %arg9[%dma_wait3A_342, %dma_wait3A_343, %dma_wait3A_344] : memref<8x125x64xf32, #tpu.memory_space<vmem>> -> memref<1x125x64xf32, #tpu.memory_space<vmem>>
      %dma_wait3A_346 = tpu.memref_squeeze %dma_wait3A_345 : memref<1x125x64xf32, #tpu.memory_space<vmem>> -> memref<125x64xf32, #tpu.memory_space<vmem>>
      %dma_wait3A_347 = arith.constant 0 : i32
      %dma_wait3A_348 = tpu.memref_slice %arg8[%add3A_245, %dma_wait3A_347] : memref<80x125xi32, #tpu.memory_space<vmem>> -> memref<1x125xi32, #tpu.memory_space<vmem>>
      %dma_wait3A_349 = tpu.memref_squeeze %dma_wait3A_348 : memref<1x125xi32, #tpu.memory_space<vmem>> -> memref<125xi32, #tpu.memory_space<vmem>>
      %dma_wait3A_350 = arith.constant 0 : i32
      %dma_wait3A_351 = arith.constant 0 : i32
      %dma_wait3A_352 = tpu.memref_slice %arg10[%dma_wait3A_350, %dma_wait3A_351] : memref<10240x64xf32, #tpu.memory_space<vmem_shared>> -> memref<10240x64xf32, #tpu.memory_space<vmem_shared>>
      tpu.wait_indirect_dma semaphore(%arg12 : memref<!tpu.dma_semaphore, #tpu.memory_space<semaphore_mem>>) src(%dma_wait3A_346 : memref<125x64xf32, #tpu.memory_space<vmem>>) dst(%dma_wait3A_352 : memref<10240x64xf32, #tpu.memory_space<vmem_shared>>)
      %dma_wait3A_353 = arith.constant 4 : i32
      %dma_wait3A_354 = arith.constant 0 : i32
      %dma_wait3A_355 = arith.constant 0 : i32
      %dma_wait3A_356 = tpu.memref_slice %arg9[%dma_wait3A_353, %dma_wait3A_354, %dma_wait3A_355] : memref<8x125x64xf32, #tpu.memory_space<vmem>> -> memref<1x125x64xf32, #tpu.memory_space<vmem>>
      %dma_wait3A_357 = tpu.memref_squeeze %dma_wait3A_356 : memref<1x125x64xf32, #tpu.memory_space<vmem>> -> memref<125x64xf32, #tpu.memory_space<vmem>>
      %dma_wait3A_358 = arith.constant 0 : i32
      %dma_wait3A_359 = tpu.memref_slice %arg8[%add3A_258, %dma_wait3A_358] : memref<80x125xi32, #tpu.memory_space<vmem>> -> memref<1x125xi32, #tpu.memory_space<vmem>>
      %dma_wait3A_360 = tpu.memref_squeeze %dma_wait3A_359 : memref<1x125xi32, #tpu.memory_space<vmem>> -> memref<125xi32, #tpu.memory_space<vmem>>
      %dma_wait3A_361 = arith.constant 0 : i32
      %dma_wait3A_362 = arith.constant 0 : i32
      %dma_wait3A_363 = tpu.memref_slice %arg10[%dma_wait3A_361, %dma_wait3A_362] : memref<10240x64xf32, #tpu.memory_space<vmem_shared>> -> memref<10240x64xf32, #tpu.memory_space<vmem_shared>>
      tpu.wait_indirect_dma semaphore(%arg12 : memref<!tpu.dma_semaphore, #tpu.memory_space<semaphore_mem>>) src(%dma_wait3A_357 : memref<125x64xf32, #tpu.memory_space<vmem>>) dst(%dma_wait3A_363 : memref<10240x64xf32, #tpu.memory_space<vmem_shared>>)
      %dma_wait3A_364 = arith.constant 5 : i32
      %dma_wait3A_365 = arith.constant 0 : i32
      %dma_wait3A_366 = arith.constant 0 : i32
      %dma_wait3A_367 = tpu.memref_slice %arg9[%dma_wait3A_364, %dma_wait3A_365, %dma_wait3A_366] : memref<8x125x64xf32, #tpu.memory_space<vmem>> -> memref<1x125x64xf32, #tpu.memory_space<vmem>>
      %dma_wait3A_368 = tpu.memref_squeeze %dma_wait3A_367 : memref<1x125x64xf32, #tpu.memory_space<vmem>> -> memref<125x64xf32, #tpu.memory_space<vmem>>
      %dma_wait3A_369 = arith.constant 0 : i32
      %dma_wait3A_370 = tpu.memref_slice %arg8[%add3A_271, %dma_wait3A_369] : memref<80x125xi32, #tpu.memory_space<vmem>> -> memref<1x125xi32, #tpu.memory_space<vmem>>
      %dma_wait3A_371 = tpu.memref_squeeze %dma_wait3A_370 : memref<1x125xi32, #tpu.memory_space<vmem>> -> memref<125xi32, #tpu.memory_space<vmem>>
      %dma_wait3A_372 = arith.constant 0 : i32
      %dma_wait3A_373 = arith.constant 0 : i32
      %dma_wait3A_374 = tpu.memref_slice %arg10[%dma_wait3A_372, %dma_wait3A_373] : memref<10240x64xf32, #tpu.memory_space<vmem_shared>> -> memref<10240x64xf32, #tpu.memory_space<vmem_shared>>
      tpu.wait_indirect_dma semaphore(%arg12 : memref<!tpu.dma_semaphore, #tpu.memory_space<semaphore_mem>>) src(%dma_wait3A_368 : memref<125x64xf32, #tpu.memory_space<vmem>>) dst(%dma_wait3A_374 : memref<10240x64xf32, #tpu.memory_space<vmem_shared>>)
      %dma_wait3A_375 = arith.constant 6 : i32
      %dma_wait3A_376 = arith.constant 0 : i32
      %dma_wait3A_377 = arith.constant 0 : i32
      %dma_wait3A_378 = tpu.memref_slice %arg9[%dma_wait3A_375, %dma_wait3A_376, %dma_wait3A_377] : memref<8x125x64xf32, #tpu.memory_space<vmem>> -> memref<1x125x64xf32, #tpu.memory_space<vmem>>
      %dma_wait3A_379 = tpu.memref_squeeze %dma_wait3A_378 : memref<1x125x64xf32, #tpu.memory_space<vmem>> -> memref<125x64xf32, #tpu.memory_space<vmem>>
      %dma_wait3A_380 = arith.constant 0 : i32
      %dma_wait3A_381 = tpu.memref_slice %arg8[%add3A_284, %dma_wait3A_380] : memref<80x125xi32, #tpu.memory_space<vmem>> -> memref<1x125xi32, #tpu.memory_space<vmem>>
      %dma_wait3A_382 = tpu.memref_squeeze %dma_wait3A_381 : memref<1x125xi32, #tpu.memory_space<vmem>> -> memref<125xi32, #tpu.memory_space<vmem>>
      %dma_wait3A_383 = arith.constant 0 : i32
      %dma_wait3A_384 = arith.constant 0 : i32
      %dma_wait3A_385 = tpu.memref_slice %arg10[%dma_wait3A_383, %dma_wait3A_384] : memref<10240x64xf32, #tpu.memory_space<vmem_shared>> -> memref<10240x64xf32, #tpu.memory_space<vmem_shared>>
      tpu.wait_indirect_dma semaphore(%arg12 : memref<!tpu.dma_semaphore, #tpu.memory_space<semaphore_mem>>) src(%dma_wait3A_379 : memref<125x64xf32, #tpu.memory_space<vmem>>) dst(%dma_wait3A_385 : memref<10240x64xf32, #tpu.memory_space<vmem_shared>>)
      %dma_wait3A_386 = arith.constant 7 : i32
      %dma_wait3A_387 = arith.constant 0 : i32
      %dma_wait3A_388 = arith.constant 0 : i32
      %dma_wait3A_389 = tpu.memref_slice %arg9[%dma_wait3A_386, %dma_wait3A_387, %dma_wait3A_388] : memref<8x125x64xf32, #tpu.memory_space<vmem>> -> memref<1x125x64xf32, #tpu.memory_space<vmem>>
      %dma_wait3A_390 = tpu.memref_squeeze %dma_wait3A_389 : memref<1x125x64xf32, #tpu.memory_space<vmem>> -> memref<125x64xf32, #tpu.memory_space<vmem>>
      %dma_wait3A_391 = arith.constant 0 : i32
      %dma_wait3A_392 = tpu.memref_slice %arg8[%add3A_297, %dma_wait3A_391] : memref<80x125xi32, #tpu.memory_space<vmem>> -> memref<1x125xi32, #tpu.memory_space<vmem>>
      %dma_wait3A_393 = tpu.memref_squeeze %dma_wait3A_392 : memref<1x125xi32, #tpu.memory_space<vmem>> -> memref<125xi32, #tpu.memory_space<vmem>>
      %dma_wait3A_394 = arith.constant 0 : i32
      %dma_wait3A_395 = arith.constant 0 : i32
      %dma_wait3A_396 = tpu.memref_slice %arg10[%dma_wait3A_394, %dma_wait3A_395] : memref<10240x64xf32, #tpu.memory_space<vmem_shared>> -> memref<10240x64xf32, #tpu.memory_space<vmem_shared>>
      tpu.wait_indirect_dma semaphore(%arg12 : memref<!tpu.dma_semaphore, #tpu.memory_space<semaphore_mem>>) src(%dma_wait3A_390 : memref<125x64xf32, #tpu.memory_space<vmem>>) dst(%dma_wait3A_396 : memref<10240x64xf32, #tpu.memory_space<vmem_shared>>)
    }
    %scan3A_6 = arith.constant 10 : i32
    %barrier3A_7 = arith.constant 0 : index
    tpu.barrier barrier_id(%barrier3A_7)
    "tpu.region"() ({
      %run_scoped3A = tpu.sem_alloc : memref<!tpu.dma_semaphore, #tpu.memory_space<semaphore_mem>>
      %dma_start3A = arith.constant 0 : i32
      %dma_start3A_8 = tpu.memref_slice %arg6[%arg0, %mul3A_2, %dma_start3A] : memref<2x10240x64xf32, #tpu.memory_space<hbm>> -> memref<1x640x64xf32, #tpu.memory_space<hbm>>
      %dma_start3A_9 = tpu.memref_squeeze %dma_start3A_8 : memref<1x640x64xf32, #tpu.memory_space<hbm>> -> memref<640x64xf32, #tpu.memory_space<hbm>>
      %dma_start3A_10 = arith.constant 0 : i32
      %dma_start3A_11 = tpu.memref_slice %arg10[%mul3A_2, %dma_start3A_10] : memref<10240x64xf32, #tpu.memory_space<vmem_shared>> -> memref<640x64xf32, #tpu.memory_space<vmem_shared>>
      tpu.enqueue_dma source(%dma_start3A_11 : memref<640x64xf32, #tpu.memory_space<vmem_shared>>) target(%dma_start3A_9 : memref<640x64xf32, #tpu.memory_space<hbm>>) target_semaphore(%run_scoped3A : memref<!tpu.dma_semaphore, #tpu.memory_space<semaphore_mem>>)
      %dma_wait3A = arith.constant 0 : i32
      %dma_wait3A_12 = tpu.memref_slice %arg6[%arg0, %mul3A_2, %dma_wait3A] : memref<2x10240x64xf32, #tpu.memory_space<hbm>> -> memref<1x640x64xf32, #tpu.memory_space<hbm>>
      %dma_wait3A_13 = tpu.memref_squeeze %dma_wait3A_12 : memref<1x640x64xf32, #tpu.memory_space<hbm>> -> memref<640x64xf32, #tpu.memory_space<hbm>>
      %dma_wait3A_14 = arith.constant 0 : i32
      %dma_wait3A_15 = tpu.memref_slice %arg10[%mul3A_2, %dma_wait3A_14] : memref<10240x64xf32, #tpu.memory_space<vmem_shared>> -> memref<640x64xf32, #tpu.memory_space<vmem_shared>>
      tpu.wait_dma2 semaphore(%run_scoped3A : memref<!tpu.dma_semaphore, #tpu.memory_space<semaphore_mem>>) src(%dma_wait3A_15 : memref<640x64xf32, #tpu.memory_space<vmem_shared>>) dst(%dma_wait3A_13 : memref<640x64xf32, #tpu.memory_space<hbm>>)
      tpu.yield
    }) : () -> ()
    return
  }
}

#map = affine_map<(d0, d1) -> (0, 0)>
#map1 = affine_map<(d0, d1) -> (0, 0, 0)>
module attributes {stable_mosaic.version = 14 : i64} {
  func.func @agg_kernel(%arg0: i32, %arg1: i32, %arg2: memref<10000x64xf32, #tpu.memory_space<hbm>>, %arg3: memref<32x80x125xi32, #tpu.memory_space<hbm>>, %arg4: memref<32x80x125xi32, #tpu.memory_space<hbm>>, %arg5: memref<10240x64xf32, #tpu.memory_space<hbm>>, %arg6: memref<2x10240x64xf32, #tpu.memory_space<hbm>>, %arg7: memref<80x125xi32, #tpu.memory_space<vmem>>, %arg8: memref<80x125xi32, #tpu.memory_space<vmem>>, %arg9: memref<8x125x64xf32, #tpu.memory_space<vmem>>, %arg10: memref<10240x64xf32, #tpu.memory_space<vmem_shared>>, %arg11: memref<!tpu.dma_semaphore, #tpu.memory_space<semaphore_mem>>, %arg12: memref<!tpu.dma_semaphore, #tpu.memory_space<semaphore_mem>>) attributes {dimension_semantics = [#tpu.dimension_semantics<core_parallel>, #tpu.dimension_semantics<subcore_parallel>], iteration_bounds = array<i64: 2, 16>, scalar_prefetch = 0 : i64, scratch_operands = 6 : i64, tpu.core_type = #tpu.core_type<sc_vector_subcore>, window_params = [{transform_indices = #map}, {transform_indices = #map1}, {transform_indices = #map1}, {transform_indices = #map}, {transform_indices = #map1}]} {
    %mul3A = arith.constant 2 : i32
    %mul3A_0 = arith.muli %arg1, %mul3A : i32
    %add3A = arith.addi %mul3A_0, %arg0 : i32
    %mul3A_1 = arith.constant 640 : i32
    %mul3A_2 = arith.muli %arg1, %mul3A_1 : i32
    "tpu.region"() ({
      %run_scoped3A = tpu.sem_alloc : memref<!tpu.dma_semaphore, #tpu.memory_space<semaphore_mem>>
      %dma_start3A = arith.constant 0 : i32
      %dma_start3A_8 = tpu.memref_slice %arg10[%mul3A_2, %dma_start3A] : memref<10240x64xf32, #tpu.memory_space<vmem_shared>> -> memref<640x64xf32, #tpu.memory_space<vmem_shared>>
      %dma_start3A_9 = arith.constant 0 : i32
      %dma_start3A_10 = tpu.memref_slice %arg5[%mul3A_2, %dma_start3A_9] : memref<10240x64xf32, #tpu.memory_space<hbm>> -> memref<640x64xf32, #tpu.memory_space<hbm>>
      tpu.enqueue_dma source(%dma_start3A_10 : memref<640x64xf32, #tpu.memory_space<hbm>>) target(%dma_start3A_8 : memref<640x64xf32, #tpu.memory_space<vmem_shared>>) target_semaphore(%run_scoped3A : memref<!tpu.dma_semaphore, #tpu.memory_space<semaphore_mem>>)
      %dma_wait3A = arith.constant 0 : i32
      %dma_wait3A_11 = tpu.memref_slice %arg10[%mul3A_2, %dma_wait3A] : memref<10240x64xf32, #tpu.memory_space<vmem_shared>> -> memref<640x64xf32, #tpu.memory_space<vmem_shared>>
      %dma_wait3A_12 = arith.constant 0 : i32
      %dma_wait3A_13 = tpu.memref_slice %arg5[%mul3A_2, %dma_wait3A_12] : memref<10240x64xf32, #tpu.memory_space<hbm>> -> memref<640x64xf32, #tpu.memory_space<hbm>>
      tpu.wait_dma2 semaphore(%run_scoped3A : memref<!tpu.dma_semaphore, #tpu.memory_space<semaphore_mem>>) src(%dma_wait3A_13 : memref<640x64xf32, #tpu.memory_space<hbm>>) dst(%dma_wait3A_11 : memref<640x64xf32, #tpu.memory_space<vmem_shared>>)
      tpu.yield
    }) : () -> ()
    "tpu.region"() ({
      %run_scoped3A = tpu.sem_alloc : memref<!tpu.dma_semaphore, #tpu.memory_space<semaphore_mem>>
      %dma_start3A = arith.constant 0 : i32
      %dma_start3A_8 = arith.constant 0 : i32
      %dma_start3A_9 = tpu.memref_slice %arg3[%add3A, %dma_start3A, %dma_start3A_8] : memref<32x80x125xi32, #tpu.memory_space<hbm>> -> memref<1x80x125xi32, #tpu.memory_space<hbm>>
      %dma_start3A_10 = tpu.memref_squeeze %dma_start3A_9 : memref<1x80x125xi32, #tpu.memory_space<hbm>> -> memref<80x125xi32, #tpu.memory_space<hbm>>
      %dma_start3A_11 = arith.constant 0 : i32
      %dma_start3A_12 = arith.constant 0 : i32
      %dma_start3A_13 = tpu.memref_slice %arg3[%add3A, %dma_start3A_11, %dma_start3A_12] : memref<32x80x125xi32, #tpu.memory_space<hbm>> -> memref<1x80x125xi32, #tpu.memory_space<hbm>>
      %dma_start3A_14 = tpu.memref_squeeze %dma_start3A_13 : memref<1x80x125xi32, #tpu.memory_space<hbm>> -> memref<80x125xi32, #tpu.memory_space<hbm>>
      tpu.enqueue_dma source(%dma_start3A_14 : memref<80x125xi32, #tpu.memory_space<hbm>>) target(%arg7 : memref<80x125xi32, #tpu.memory_space<vmem>>) target_semaphore(%run_scoped3A : memref<!tpu.dma_semaphore, #tpu.memory_space<semaphore_mem>>)
      %dma_wait3A = arith.constant 0 : i32
      %dma_wait3A_15 = arith.constant 0 : i32
      %dma_wait3A_16 = tpu.memref_slice %arg3[%add3A, %dma_wait3A, %dma_wait3A_15] : memref<32x80x125xi32, #tpu.memory_space<hbm>> -> memref<1x80x125xi32, #tpu.memory_space<hbm>>
      %dma_wait3A_17 = tpu.memref_squeeze %dma_wait3A_16 : memref<1x80x125xi32, #tpu.memory_space<hbm>> -> memref<80x125xi32, #tpu.memory_space<hbm>>
      %dma_wait3A_18 = arith.constant 0 : i32
      %dma_wait3A_19 = arith.constant 0 : i32
      %dma_wait3A_20 = tpu.memref_slice %arg3[%add3A, %dma_wait3A_18, %dma_wait3A_19] : memref<32x80x125xi32, #tpu.memory_space<hbm>> -> memref<1x80x125xi32, #tpu.memory_space<hbm>>
      %dma_wait3A_21 = tpu.memref_squeeze %dma_wait3A_20 : memref<1x80x125xi32, #tpu.memory_space<hbm>> -> memref<80x125xi32, #tpu.memory_space<hbm>>
      tpu.wait_dma2 semaphore(%run_scoped3A : memref<!tpu.dma_semaphore, #tpu.memory_space<semaphore_mem>>) src(%dma_wait3A_21 : memref<80x125xi32, #tpu.memory_space<hbm>>) dst(%arg7 : memref<80x125xi32, #tpu.memory_space<vmem>>)
      tpu.yield
    }) : () -> ()
    "tpu.region"() ({
      %run_scoped3A = tpu.sem_alloc : memref<!tpu.dma_semaphore, #tpu.memory_space<semaphore_mem>>
      %dma_start3A = arith.constant 0 : i32
      %dma_start3A_8 = arith.constant 0 : i32
      %dma_start3A_9 = tpu.memref_slice %arg4[%add3A, %dma_start3A, %dma_start3A_8] : memref<32x80x125xi32, #tpu.memory_space<hbm>> -> memref<1x80x125xi32, #tpu.memory_space<hbm>>
      %dma_start3A_10 = tpu.memref_squeeze %dma_start3A_9 : memref<1x80x125xi32, #tpu.memory_space<hbm>> -> memref<80x125xi32, #tpu.memory_space<hbm>>
      %dma_start3A_11 = arith.constant 0 : i32
      %dma_start3A_12 = arith.constant 0 : i32
      %dma_start3A_13 = tpu.memref_slice %arg4[%add3A, %dma_start3A_11, %dma_start3A_12] : memref<32x80x125xi32, #tpu.memory_space<hbm>> -> memref<1x80x125xi32, #tpu.memory_space<hbm>>
      %dma_start3A_14 = tpu.memref_squeeze %dma_start3A_13 : memref<1x80x125xi32, #tpu.memory_space<hbm>> -> memref<80x125xi32, #tpu.memory_space<hbm>>
      tpu.enqueue_dma source(%dma_start3A_14 : memref<80x125xi32, #tpu.memory_space<hbm>>) target(%arg8 : memref<80x125xi32, #tpu.memory_space<vmem>>) target_semaphore(%run_scoped3A : memref<!tpu.dma_semaphore, #tpu.memory_space<semaphore_mem>>)
      %dma_wait3A = arith.constant 0 : i32
      %dma_wait3A_15 = arith.constant 0 : i32
      %dma_wait3A_16 = tpu.memref_slice %arg4[%add3A, %dma_wait3A, %dma_wait3A_15] : memref<32x80x125xi32, #tpu.memory_space<hbm>> -> memref<1x80x125xi32, #tpu.memory_space<hbm>>
      %dma_wait3A_17 = tpu.memref_squeeze %dma_wait3A_16 : memref<1x80x125xi32, #tpu.memory_space<hbm>> -> memref<80x125xi32, #tpu.memory_space<hbm>>
      %dma_wait3A_18 = arith.constant 0 : i32
      %dma_wait3A_19 = arith.constant 0 : i32
      %dma_wait3A_20 = tpu.memref_slice %arg4[%add3A, %dma_wait3A_18, %dma_wait3A_19] : memref<32x80x125xi32, #tpu.memory_space<hbm>> -> memref<1x80x125xi32, #tpu.memory_space<hbm>>
      %dma_wait3A_21 = tpu.memref_squeeze %dma_wait3A_20 : memref<1x80x125xi32, #tpu.memory_space<hbm>> -> memref<80x125xi32, #tpu.memory_space<hbm>>
      tpu.wait_dma2 semaphore(%run_scoped3A : memref<!tpu.dma_semaphore, #tpu.memory_space<semaphore_mem>>) src(%dma_wait3A_21 : memref<80x125xi32, #tpu.memory_space<hbm>>) dst(%arg8 : memref<80x125xi32, #tpu.memory_space<vmem>>)
      tpu.yield
    }) : () -> ()
    %barrier3A = arith.constant 0 : index
    tpu.barrier barrier_id(%barrier3A)
    %scan3A = arith.constant 0 : i32
    %scan3A_3 = arith.constant 10 : i32
    %scan3A_4 = arith.addi %scan3A, %scan3A_3 : i32
    %scan3A_5 = arith.constant 1 : i32
    scf.for %scan3A_8 = %scan3A to %scan3A_4 step %scan3A_5  : i32 {
      %mul3A_9 = arith.constant 1 : i32
      %mul3A_10 = arith.muli %scan3A_8, %mul3A_9 : i32
      %add3A_11 = arith.constant 0 : i32
      %add3A_12 = arith.addi %add3A_11, %mul3A_10 : i32
      %mul3A_13 = arith.constant 8 : i32
      %mul3A_14 = arith.muli %add3A_12, %mul3A_13 : i32
      %add3A_15 = arith.constant 0 : i32
      %add3A_16 = arith.addi %mul3A_14, %add3A_15 : i32
      %dma_start3A = arith.constant 0 : i32
      %dma_start3A_17 = arith.constant 0 : i32
      %dma_start3A_18 = arith.constant 0 : i32
      %dma_start3A_19 = tpu.memref_slice %arg9[%dma_start3A, %dma_start3A_17, %dma_start3A_18] : memref<8x125x64xf32, #tpu.memory_space<vmem>> -> memref<1x125x64xf32, #tpu.memory_space<vmem>>
      %dma_start3A_20 = tpu.memref_squeeze %dma_start3A_19 : memref<1x125x64xf32, #tpu.memory_space<vmem>> -> memref<125x64xf32, #tpu.memory_space<vmem>>
      %dma_start3A_21 = arith.constant 0 : i32
      %dma_start3A_22 = tpu.memref_slice %arg7[%add3A_16, %dma_start3A_21] : memref<80x125xi32, #tpu.memory_space<vmem>> -> memref<1x125xi32, #tpu.memory_space<vmem>>
      %dma_start3A_23 = tpu.memref_squeeze %dma_start3A_22 : memref<1x125xi32, #tpu.memory_space<vmem>> -> memref<125xi32, #tpu.memory_space<vmem>>
      %dma_start3A_24 = arith.constant 0 : i32
      %dma_start3A_25 = arith.constant 0 : i32
      %dma_start3A_26 = tpu.memref_slice %arg2[%dma_start3A_24, %dma_start3A_25] : memref<10000x64xf32, #tpu.memory_space<hbm>> -> memref<10000x64xf32, #tpu.memory_space<hbm>>
      tpu.enqueue_indirect_dma source(%dma_start3A_26 : memref<10000x64xf32, #tpu.memory_space<hbm>>) target(%dma_start3A_20 : memref<125x64xf32, #tpu.memory_space<vmem>>) offsets(%dma_start3A_23 : memref<125xi32, #tpu.memory_space<vmem>>) semaphore(%arg11 : memref<!tpu.dma_semaphore, #tpu.memory_space<semaphore_mem>>)
      %add3A_27 = arith.constant 1 : i32
      %add3A_28 = arith.addi %mul3A_14, %add3A_27 : i32
      %dma_start3A_29 = arith.constant 1 : i32
      %dma_start3A_30 = arith.constant 0 : i32
      %dma_start3A_31 = arith.constant 0 : i32
      %dma_start3A_32 = tpu.memref_slice %arg9[%dma_start3A_29, %dma_start3A_30, %dma_start3A_31] : memref<8x125x64xf32, #tpu.memory_space<vmem>> -> memref<1x125x64xf32, #tpu.memory_space<vmem>>
      %dma_start3A_33 = tpu.memref_squeeze %dma_start3A_32 : memref<1x125x64xf32, #tpu.memory_space<vmem>> -> memref<125x64xf32, #tpu.memory_space<vmem>>
      %dma_start3A_34 = arith.constant 0 : i32
      %dma_start3A_35 = tpu.memref_slice %arg7[%add3A_28, %dma_start3A_34] : memref<80x125xi32, #tpu.memory_space<vmem>> -> memref<1x125xi32, #tpu.memory_space<vmem>>
      %dma_start3A_36 = tpu.memref_squeeze %dma_start3A_35 : memref<1x125xi32, #tpu.memory_space<vmem>> -> memref<125xi32, #tpu.memory_space<vmem>>
      %dma_start3A_37 = arith.constant 0 : i32
      %dma_start3A_38 = arith.constant 0 : i32
      %dma_start3A_39 = tpu.memref_slice %arg2[%dma_start3A_37, %dma_start3A_38] : memref<10000x64xf32, #tpu.memory_space<hbm>> -> memref<10000x64xf32, #tpu.memory_space<hbm>>
      tpu.enqueue_indirect_dma source(%dma_start3A_39 : memref<10000x64xf32, #tpu.memory_space<hbm>>) target(%dma_start3A_33 : memref<125x64xf32, #tpu.memory_space<vmem>>) offsets(%dma_start3A_36 : memref<125xi32, #tpu.memory_space<vmem>>) semaphore(%arg11 : memref<!tpu.dma_semaphore, #tpu.memory_space<semaphore_mem>>)
      %add3A_40 = arith.constant 2 : i32
      %add3A_41 = arith.addi %mul3A_14, %add3A_40 : i32
      %dma_start3A_42 = arith.constant 2 : i32
      %dma_start3A_43 = arith.constant 0 : i32
      %dma_start3A_44 = arith.constant 0 : i32
      %dma_start3A_45 = tpu.memref_slice %arg9[%dma_start3A_42, %dma_start3A_43, %dma_start3A_44] : memref<8x125x64xf32, #tpu.memory_space<vmem>> -> memref<1x125x64xf32, #tpu.memory_space<vmem>>
      %dma_start3A_46 = tpu.memref_squeeze %dma_start3A_45 : memref<1x125x64xf32, #tpu.memory_space<vmem>> -> memref<125x64xf32, #tpu.memory_space<vmem>>
      %dma_start3A_47 = arith.constant 0 : i32
      %dma_start3A_48 = tpu.memref_slice %arg7[%add3A_41, %dma_start3A_47] : memref<80x125xi32, #tpu.memory_space<vmem>> -> memref<1x125xi32, #tpu.memory_space<vmem>>
      %dma_start3A_49 = tpu.memref_squeeze %dma_start3A_48 : memref<1x125xi32, #tpu.memory_space<vmem>> -> memref<125xi32, #tpu.memory_space<vmem>>
      %dma_start3A_50 = arith.constant 0 : i32
      %dma_start3A_51 = arith.constant 0 : i32
      %dma_start3A_52 = tpu.memref_slice %arg2[%dma_start3A_50, %dma_start3A_51] : memref<10000x64xf32, #tpu.memory_space<hbm>> -> memref<10000x64xf32, #tpu.memory_space<hbm>>
      tpu.enqueue_indirect_dma source(%dma_start3A_52 : memref<10000x64xf32, #tpu.memory_space<hbm>>) target(%dma_start3A_46 : memref<125x64xf32, #tpu.memory_space<vmem>>) offsets(%dma_start3A_49 : memref<125xi32, #tpu.memory_space<vmem>>) semaphore(%arg11 : memref<!tpu.dma_semaphore, #tpu.memory_space<semaphore_mem>>)
      %add3A_53 = arith.constant 3 : i32
      %add3A_54 = arith.addi %mul3A_14, %add3A_53 : i32
      %dma_start3A_55 = arith.constant 3 : i32
      %dma_start3A_56 = arith.constant 0 : i32
      %dma_start3A_57 = arith.constant 0 : i32
      %dma_start3A_58 = tpu.memref_slice %arg9[%dma_start3A_55, %dma_start3A_56, %dma_start3A_57] : memref<8x125x64xf32, #tpu.memory_space<vmem>> -> memref<1x125x64xf32, #tpu.memory_space<vmem>>
      %dma_start3A_59 = tpu.memref_squeeze %dma_start3A_58 : memref<1x125x64xf32, #tpu.memory_space<vmem>> -> memref<125x64xf32, #tpu.memory_space<vmem>>
      %dma_start3A_60 = arith.constant 0 : i32
      %dma_start3A_61 = tpu.memref_slice %arg7[%add3A_54, %dma_start3A_60] : memref<80x125xi32, #tpu.memory_space<vmem>> -> memref<1x125xi32, #tpu.memory_space<vmem>>
      %dma_start3A_62 = tpu.memref_squeeze %dma_start3A_61 : memref<1x125xi32, #tpu.memory_space<vmem>> -> memref<125xi32, #tpu.memory_space<vmem>>
      %dma_start3A_63 = arith.constant 0 : i32
      %dma_start3A_64 = arith.constant 0 : i32
      %dma_start3A_65 = tpu.memref_slice %arg2[%dma_start3A_63, %dma_start3A_64] : memref<10000x64xf32, #tpu.memory_space<hbm>> -> memref<10000x64xf32, #tpu.memory_space<hbm>>
      tpu.enqueue_indirect_dma source(%dma_start3A_65 : memref<10000x64xf32, #tpu.memory_space<hbm>>) target(%dma_start3A_59 : memref<125x64xf32, #tpu.memory_space<vmem>>) offsets(%dma_start3A_62 : memref<125xi32, #tpu.memory_space<vmem>>) semaphore(%arg11 : memref<!tpu.dma_semaphore, #tpu.memory_space<semaphore_mem>>)
      %add3A_66 = arith.constant 4 : i32
      %add3A_67 = arith.addi %mul3A_14, %add3A_66 : i32
      %dma_start3A_68 = arith.constant 4 : i32
      %dma_start3A_69 = arith.constant 0 : i32
      %dma_start3A_70 = arith.constant 0 : i32
      %dma_start3A_71 = tpu.memref_slice %arg9[%dma_start3A_68, %dma_start3A_69, %dma_start3A_70] : memref<8x125x64xf32, #tpu.memory_space<vmem>> -> memref<1x125x64xf32, #tpu.memory_space<vmem>>
      %dma_start3A_72 = tpu.memref_squeeze %dma_start3A_71 : memref<1x125x64xf32, #tpu.memory_space<vmem>> -> memref<125x64xf32, #tpu.memory_space<vmem>>
      %dma_start3A_73 = arith.constant 0 : i32
      %dma_start3A_74 = tpu.memref_slice %arg7[%add3A_67, %dma_start3A_73] : memref<80x125xi32, #tpu.memory_space<vmem>> -> memref<1x125xi32, #tpu.memory_space<vmem>>
      %dma_start3A_75 = tpu.memref_squeeze %dma_start3A_74 : memref<1x125xi32, #tpu.memory_space<vmem>> -> memref<125xi32, #tpu.memory_space<vmem>>
      %dma_start3A_76 = arith.constant 0 : i32
      %dma_start3A_77 = arith.constant 0 : i32
      %dma_start3A_78 = tpu.memref_slice %arg2[%dma_start3A_76, %dma_start3A_77] : memref<10000x64xf32, #tpu.memory_space<hbm>> -> memref<10000x64xf32, #tpu.memory_space<hbm>>
      tpu.enqueue_indirect_dma source(%dma_start3A_78 : memref<10000x64xf32, #tpu.memory_space<hbm>>) target(%dma_start3A_72 : memref<125x64xf32, #tpu.memory_space<vmem>>) offsets(%dma_start3A_75 : memref<125xi32, #tpu.memory_space<vmem>>) semaphore(%arg11 : memref<!tpu.dma_semaphore, #tpu.memory_space<semaphore_mem>>)
      %add3A_79 = arith.constant 5 : i32
      %add3A_80 = arith.addi %mul3A_14, %add3A_79 : i32
      %dma_start3A_81 = arith.constant 5 : i32
      %dma_start3A_82 = arith.constant 0 : i32
      %dma_start3A_83 = arith.constant 0 : i32
      %dma_start3A_84 = tpu.memref_slice %arg9[%dma_start3A_81, %dma_start3A_82, %dma_start3A_83] : memref<8x125x64xf32, #tpu.memory_space<vmem>> -> memref<1x125x64xf32, #tpu.memory_space<vmem>>
      %dma_start3A_85 = tpu.memref_squeeze %dma_start3A_84 : memref<1x125x64xf32, #tpu.memory_space<vmem>> -> memref<125x64xf32, #tpu.memory_space<vmem>>
      %dma_start3A_86 = arith.constant 0 : i32
      %dma_start3A_87 = tpu.memref_slice %arg7[%add3A_80, %dma_start3A_86] : memref<80x125xi32, #tpu.memory_space<vmem>> -> memref<1x125xi32, #tpu.memory_space<vmem>>
      %dma_start3A_88 = tpu.memref_squeeze %dma_start3A_87 : memref<1x125xi32, #tpu.memory_space<vmem>> -> memref<125xi32, #tpu.memory_space<vmem>>
      %dma_start3A_89 = arith.constant 0 : i32
      %dma_start3A_90 = arith.constant 0 : i32
      %dma_start3A_91 = tpu.memref_slice %arg2[%dma_start3A_89, %dma_start3A_90] : memref<10000x64xf32, #tpu.memory_space<hbm>> -> memref<10000x64xf32, #tpu.memory_space<hbm>>
      tpu.enqueue_indirect_dma source(%dma_start3A_91 : memref<10000x64xf32, #tpu.memory_space<hbm>>) target(%dma_start3A_85 : memref<125x64xf32, #tpu.memory_space<vmem>>) offsets(%dma_start3A_88 : memref<125xi32, #tpu.memory_space<vmem>>) semaphore(%arg11 : memref<!tpu.dma_semaphore, #tpu.memory_space<semaphore_mem>>)
      %add3A_92 = arith.constant 6 : i32
      %add3A_93 = arith.addi %mul3A_14, %add3A_92 : i32
      %dma_start3A_94 = arith.constant 6 : i32
      %dma_start3A_95 = arith.constant 0 : i32
      %dma_start3A_96 = arith.constant 0 : i32
      %dma_start3A_97 = tpu.memref_slice %arg9[%dma_start3A_94, %dma_start3A_95, %dma_start3A_96] : memref<8x125x64xf32, #tpu.memory_space<vmem>> -> memref<1x125x64xf32, #tpu.memory_space<vmem>>
      %dma_start3A_98 = tpu.memref_squeeze %dma_start3A_97 : memref<1x125x64xf32, #tpu.memory_space<vmem>> -> memref<125x64xf32, #tpu.memory_space<vmem>>
      %dma_start3A_99 = arith.constant 0 : i32
      %dma_start3A_100 = tpu.memref_slice %arg7[%add3A_93, %dma_start3A_99] : memref<80x125xi32, #tpu.memory_space<vmem>> -> memref<1x125xi32, #tpu.memory_space<vmem>>
      %dma_start3A_101 = tpu.memref_squeeze %dma_start3A_100 : memref<1x125xi32, #tpu.memory_space<vmem>> -> memref<125xi32, #tpu.memory_space<vmem>>
      %dma_start3A_102 = arith.constant 0 : i32
      %dma_start3A_103 = arith.constant 0 : i32
      %dma_start3A_104 = tpu.memref_slice %arg2[%dma_start3A_102, %dma_start3A_103] : memref<10000x64xf32, #tpu.memory_space<hbm>> -> memref<10000x64xf32, #tpu.memory_space<hbm>>
      tpu.enqueue_indirect_dma source(%dma_start3A_104 : memref<10000x64xf32, #tpu.memory_space<hbm>>) target(%dma_start3A_98 : memref<125x64xf32, #tpu.memory_space<vmem>>) offsets(%dma_start3A_101 : memref<125xi32, #tpu.memory_space<vmem>>) semaphore(%arg11 : memref<!tpu.dma_semaphore, #tpu.memory_space<semaphore_mem>>)
      %add3A_105 = arith.constant 7 : i32
      %add3A_106 = arith.addi %mul3A_14, %add3A_105 : i32
      %dma_start3A_107 = arith.constant 7 : i32
      %dma_start3A_108 = arith.constant 0 : i32
      %dma_start3A_109 = arith.constant 0 : i32
      %dma_start3A_110 = tpu.memref_slice %arg9[%dma_start3A_107, %dma_start3A_108, %dma_start3A_109] : memref<8x125x64xf32, #tpu.memory_space<vmem>> -> memref<1x125x64xf32, #tpu.memory_space<vmem>>
      %dma_start3A_111 = tpu.memref_squeeze %dma_start3A_110 : memref<1x125x64xf32, #tpu.memory_space<vmem>> -> memref<125x64xf32, #tpu.memory_space<vmem>>
      %dma_start3A_112 = arith.constant 0 : i32
      %dma_start3A_113 = tpu.memref_slice %arg7[%add3A_106, %dma_start3A_112] : memref<80x125xi32, #tpu.memory_space<vmem>> -> memref<1x125xi32, #tpu.memory_space<vmem>>
      %dma_start3A_114 = tpu.memref_squeeze %dma_start3A_113 : memref<1x125xi32, #tpu.memory_space<vmem>> -> memref<125xi32, #tpu.memory_space<vmem>>
      %dma_start3A_115 = arith.constant 0 : i32
      %dma_start3A_116 = arith.constant 0 : i32
      %dma_start3A_117 = tpu.memref_slice %arg2[%dma_start3A_115, %dma_start3A_116] : memref<10000x64xf32, #tpu.memory_space<hbm>> -> memref<10000x64xf32, #tpu.memory_space<hbm>>
      tpu.enqueue_indirect_dma source(%dma_start3A_117 : memref<10000x64xf32, #tpu.memory_space<hbm>>) target(%dma_start3A_111 : memref<125x64xf32, #tpu.memory_space<vmem>>) offsets(%dma_start3A_114 : memref<125xi32, #tpu.memory_space<vmem>>) semaphore(%arg11 : memref<!tpu.dma_semaphore, #tpu.memory_space<semaphore_mem>>)
      %dma_wait3A = arith.constant 0 : i32
      %dma_wait3A_118 = arith.constant 0 : i32
      %dma_wait3A_119 = arith.constant 0 : i32
      %dma_wait3A_120 = tpu.memref_slice %arg9[%dma_wait3A, %dma_wait3A_118, %dma_wait3A_119] : memref<8x125x64xf32, #tpu.memory_space<vmem>> -> memref<1x125x64xf32, #tpu.memory_space<vmem>>
      %dma_wait3A_121 = tpu.memref_squeeze %dma_wait3A_120 : memref<1x125x64xf32, #tpu.memory_space<vmem>> -> memref<125x64xf32, #tpu.memory_space<vmem>>
      %dma_wait3A_122 = arith.constant 0 : i32
      %dma_wait3A_123 = tpu.memref_slice %arg7[%add3A_16, %dma_wait3A_122] : memref<80x125xi32, #tpu.memory_space<vmem>> -> memref<1x125xi32, #tpu.memory_space<vmem>>
      %dma_wait3A_124 = tpu.memref_squeeze %dma_wait3A_123 : memref<1x125xi32, #tpu.memory_space<vmem>> -> memref<125xi32, #tpu.memory_space<vmem>>
      %dma_wait3A_125 = arith.constant 0 : i32
      %dma_wait3A_126 = arith.constant 0 : i32
      %dma_wait3A_127 = tpu.memref_slice %arg2[%dma_wait3A_125, %dma_wait3A_126] : memref<10000x64xf32, #tpu.memory_space<hbm>> -> memref<10000x64xf32, #tpu.memory_space<hbm>>
      tpu.wait_indirect_dma semaphore(%arg11 : memref<!tpu.dma_semaphore, #tpu.memory_space<semaphore_mem>>) src(%dma_wait3A_127 : memref<10000x64xf32, #tpu.memory_space<hbm>>) dst(%dma_wait3A_121 : memref<125x64xf32, #tpu.memory_space<vmem>>)
      %dma_wait3A_128 = arith.constant 1 : i32
      %dma_wait3A_129 = arith.constant 0 : i32
      %dma_wait3A_130 = arith.constant 0 : i32
      %dma_wait3A_131 = tpu.memref_slice %arg9[%dma_wait3A_128, %dma_wait3A_129, %dma_wait3A_130] : memref<8x125x64xf32, #tpu.memory_space<vmem>> -> memref<1x125x64xf32, #tpu.memory_space<vmem>>
      %dma_wait3A_132 = tpu.memref_squeeze %dma_wait3A_131 : memref<1x125x64xf32, #tpu.memory_space<vmem>> -> memref<125x64xf32, #tpu.memory_space<vmem>>
      %dma_wait3A_133 = arith.constant 0 : i32
      %dma_wait3A_134 = tpu.memref_slice %arg7[%add3A_28, %dma_wait3A_133] : memref<80x125xi32, #tpu.memory_space<vmem>> -> memref<1x125xi32, #tpu.memory_space<vmem>>
      %dma_wait3A_135 = tpu.memref_squeeze %dma_wait3A_134 : memref<1x125xi32, #tpu.memory_space<vmem>> -> memref<125xi32, #tpu.memory_space<vmem>>
      %dma_wait3A_136 = arith.constant 0 : i32
      %dma_wait3A_137 = arith.constant 0 : i32
      %dma_wait3A_138 = tpu.memref_slice %arg2[%dma_wait3A_136, %dma_wait3A_137] : memref<10000x64xf32, #tpu.memory_space<hbm>> -> memref<10000x64xf32, #tpu.memory_space<hbm>>
      tpu.wait_indirect_dma semaphore(%arg11 : memref<!tpu.dma_semaphore, #tpu.memory_space<semaphore_mem>>) src(%dma_wait3A_138 : memref<10000x64xf32, #tpu.memory_space<hbm>>) dst(%dma_wait3A_132 : memref<125x64xf32, #tpu.memory_space<vmem>>)
      %dma_wait3A_139 = arith.constant 2 : i32
      %dma_wait3A_140 = arith.constant 0 : i32
      %dma_wait3A_141 = arith.constant 0 : i32
      %dma_wait3A_142 = tpu.memref_slice %arg9[%dma_wait3A_139, %dma_wait3A_140, %dma_wait3A_141] : memref<8x125x64xf32, #tpu.memory_space<vmem>> -> memref<1x125x64xf32, #tpu.memory_space<vmem>>
      %dma_wait3A_143 = tpu.memref_squeeze %dma_wait3A_142 : memref<1x125x64xf32, #tpu.memory_space<vmem>> -> memref<125x64xf32, #tpu.memory_space<vmem>>
      %dma_wait3A_144 = arith.constant 0 : i32
      %dma_wait3A_145 = tpu.memref_slice %arg7[%add3A_41, %dma_wait3A_144] : memref<80x125xi32, #tpu.memory_space<vmem>> -> memref<1x125xi32, #tpu.memory_space<vmem>>
      %dma_wait3A_146 = tpu.memref_squeeze %dma_wait3A_145 : memref<1x125xi32, #tpu.memory_space<vmem>> -> memref<125xi32, #tpu.memory_space<vmem>>
      %dma_wait3A_147 = arith.constant 0 : i32
      %dma_wait3A_148 = arith.constant 0 : i32
      %dma_wait3A_149 = tpu.memref_slice %arg2[%dma_wait3A_147, %dma_wait3A_148] : memref<10000x64xf32, #tpu.memory_space<hbm>> -> memref<10000x64xf32, #tpu.memory_space<hbm>>
      tpu.wait_indirect_dma semaphore(%arg11 : memref<!tpu.dma_semaphore, #tpu.memory_space<semaphore_mem>>) src(%dma_wait3A_149 : memref<10000x64xf32, #tpu.memory_space<hbm>>) dst(%dma_wait3A_143 : memref<125x64xf32, #tpu.memory_space<vmem>>)
      %dma_wait3A_150 = arith.constant 3 : i32
      %dma_wait3A_151 = arith.constant 0 : i32
      %dma_wait3A_152 = arith.constant 0 : i32
      %dma_wait3A_153 = tpu.memref_slice %arg9[%dma_wait3A_150, %dma_wait3A_151, %dma_wait3A_152] : memref<8x125x64xf32, #tpu.memory_space<vmem>> -> memref<1x125x64xf32, #tpu.memory_space<vmem>>
      %dma_wait3A_154 = tpu.memref_squeeze %dma_wait3A_153 : memref<1x125x64xf32, #tpu.memory_space<vmem>> -> memref<125x64xf32, #tpu.memory_space<vmem>>
      %dma_wait3A_155 = arith.constant 0 : i32
      %dma_wait3A_156 = tpu.memref_slice %arg7[%add3A_54, %dma_wait3A_155] : memref<80x125xi32, #tpu.memory_space<vmem>> -> memref<1x125xi32, #tpu.memory_space<vmem>>
      %dma_wait3A_157 = tpu.memref_squeeze %dma_wait3A_156 : memref<1x125xi32, #tpu.memory_space<vmem>> -> memref<125xi32, #tpu.memory_space<vmem>>
      %dma_wait3A_158 = arith.constant 0 : i32
      %dma_wait3A_159 = arith.constant 0 : i32
      %dma_wait3A_160 = tpu.memref_slice %arg2[%dma_wait3A_158, %dma_wait3A_159] : memref<10000x64xf32, #tpu.memory_space<hbm>> -> memref<10000x64xf32, #tpu.memory_space<hbm>>
      tpu.wait_indirect_dma semaphore(%arg11 : memref<!tpu.dma_semaphore, #tpu.memory_space<semaphore_mem>>) src(%dma_wait3A_160 : memref<10000x64xf32, #tpu.memory_space<hbm>>) dst(%dma_wait3A_154 : memref<125x64xf32, #tpu.memory_space<vmem>>)
      %dma_wait3A_161 = arith.constant 4 : i32
      %dma_wait3A_162 = arith.constant 0 : i32
      %dma_wait3A_163 = arith.constant 0 : i32
      %dma_wait3A_164 = tpu.memref_slice %arg9[%dma_wait3A_161, %dma_wait3A_162, %dma_wait3A_163] : memref<8x125x64xf32, #tpu.memory_space<vmem>> -> memref<1x125x64xf32, #tpu.memory_space<vmem>>
      %dma_wait3A_165 = tpu.memref_squeeze %dma_wait3A_164 : memref<1x125x64xf32, #tpu.memory_space<vmem>> -> memref<125x64xf32, #tpu.memory_space<vmem>>
      %dma_wait3A_166 = arith.constant 0 : i32
      %dma_wait3A_167 = tpu.memref_slice %arg7[%add3A_67, %dma_wait3A_166] : memref<80x125xi32, #tpu.memory_space<vmem>> -> memref<1x125xi32, #tpu.memory_space<vmem>>
      %dma_wait3A_168 = tpu.memref_squeeze %dma_wait3A_167 : memref<1x125xi32, #tpu.memory_space<vmem>> -> memref<125xi32, #tpu.memory_space<vmem>>
      %dma_wait3A_169 = arith.constant 0 : i32
      %dma_wait3A_170 = arith.constant 0 : i32
      %dma_wait3A_171 = tpu.memref_slice %arg2[%dma_wait3A_169, %dma_wait3A_170] : memref<10000x64xf32, #tpu.memory_space<hbm>> -> memref<10000x64xf32, #tpu.memory_space<hbm>>
      tpu.wait_indirect_dma semaphore(%arg11 : memref<!tpu.dma_semaphore, #tpu.memory_space<semaphore_mem>>) src(%dma_wait3A_171 : memref<10000x64xf32, #tpu.memory_space<hbm>>) dst(%dma_wait3A_165 : memref<125x64xf32, #tpu.memory_space<vmem>>)
      %dma_wait3A_172 = arith.constant 5 : i32
      %dma_wait3A_173 = arith.constant 0 : i32
      %dma_wait3A_174 = arith.constant 0 : i32
      %dma_wait3A_175 = tpu.memref_slice %arg9[%dma_wait3A_172, %dma_wait3A_173, %dma_wait3A_174] : memref<8x125x64xf32, #tpu.memory_space<vmem>> -> memref<1x125x64xf32, #tpu.memory_space<vmem>>
      %dma_wait3A_176 = tpu.memref_squeeze %dma_wait3A_175 : memref<1x125x64xf32, #tpu.memory_space<vmem>> -> memref<125x64xf32, #tpu.memory_space<vmem>>
      %dma_wait3A_177 = arith.constant 0 : i32
      %dma_wait3A_178 = tpu.memref_slice %arg7[%add3A_80, %dma_wait3A_177] : memref<80x125xi32, #tpu.memory_space<vmem>> -> memref<1x125xi32, #tpu.memory_space<vmem>>
      %dma_wait3A_179 = tpu.memref_squeeze %dma_wait3A_178 : memref<1x125xi32, #tpu.memory_space<vmem>> -> memref<125xi32, #tpu.memory_space<vmem>>
      %dma_wait3A_180 = arith.constant 0 : i32
      %dma_wait3A_181 = arith.constant 0 : i32
      %dma_wait3A_182 = tpu.memref_slice %arg2[%dma_wait3A_180, %dma_wait3A_181] : memref<10000x64xf32, #tpu.memory_space<hbm>> -> memref<10000x64xf32, #tpu.memory_space<hbm>>
      tpu.wait_indirect_dma semaphore(%arg11 : memref<!tpu.dma_semaphore, #tpu.memory_space<semaphore_mem>>) src(%dma_wait3A_182 : memref<10000x64xf32, #tpu.memory_space<hbm>>) dst(%dma_wait3A_176 : memref<125x64xf32, #tpu.memory_space<vmem>>)
      %dma_wait3A_183 = arith.constant 6 : i32
      %dma_wait3A_184 = arith.constant 0 : i32
      %dma_wait3A_185 = arith.constant 0 : i32
      %dma_wait3A_186 = tpu.memref_slice %arg9[%dma_wait3A_183, %dma_wait3A_184, %dma_wait3A_185] : memref<8x125x64xf32, #tpu.memory_space<vmem>> -> memref<1x125x64xf32, #tpu.memory_space<vmem>>
      %dma_wait3A_187 = tpu.memref_squeeze %dma_wait3A_186 : memref<1x125x64xf32, #tpu.memory_space<vmem>> -> memref<125x64xf32, #tpu.memory_space<vmem>>
      %dma_wait3A_188 = arith.constant 0 : i32
      %dma_wait3A_189 = tpu.memref_slice %arg7[%add3A_93, %dma_wait3A_188] : memref<80x125xi32, #tpu.memory_space<vmem>> -> memref<1x125xi32, #tpu.memory_space<vmem>>
      %dma_wait3A_190 = tpu.memref_squeeze %dma_wait3A_189 : memref<1x125xi32, #tpu.memory_space<vmem>> -> memref<125xi32, #tpu.memory_space<vmem>>
      %dma_wait3A_191 = arith.constant 0 : i32
      %dma_wait3A_192 = arith.constant 0 : i32
      %dma_wait3A_193 = tpu.memref_slice %arg2[%dma_wait3A_191, %dma_wait3A_192] : memref<10000x64xf32, #tpu.memory_space<hbm>> -> memref<10000x64xf32, #tpu.memory_space<hbm>>
      tpu.wait_indirect_dma semaphore(%arg11 : memref<!tpu.dma_semaphore, #tpu.memory_space<semaphore_mem>>) src(%dma_wait3A_193 : memref<10000x64xf32, #tpu.memory_space<hbm>>) dst(%dma_wait3A_187 : memref<125x64xf32, #tpu.memory_space<vmem>>)
      %dma_wait3A_194 = arith.constant 7 : i32
      %dma_wait3A_195 = arith.constant 0 : i32
      %dma_wait3A_196 = arith.constant 0 : i32
      %dma_wait3A_197 = tpu.memref_slice %arg9[%dma_wait3A_194, %dma_wait3A_195, %dma_wait3A_196] : memref<8x125x64xf32, #tpu.memory_space<vmem>> -> memref<1x125x64xf32, #tpu.memory_space<vmem>>
      %dma_wait3A_198 = tpu.memref_squeeze %dma_wait3A_197 : memref<1x125x64xf32, #tpu.memory_space<vmem>> -> memref<125x64xf32, #tpu.memory_space<vmem>>
      %dma_wait3A_199 = arith.constant 0 : i32
      %dma_wait3A_200 = tpu.memref_slice %arg7[%add3A_106, %dma_wait3A_199] : memref<80x125xi32, #tpu.memory_space<vmem>> -> memref<1x125xi32, #tpu.memory_space<vmem>>
      %dma_wait3A_201 = tpu.memref_squeeze %dma_wait3A_200 : memref<1x125xi32, #tpu.memory_space<vmem>> -> memref<125xi32, #tpu.memory_space<vmem>>
      %dma_wait3A_202 = arith.constant 0 : i32
      %dma_wait3A_203 = arith.constant 0 : i32
      %dma_wait3A_204 = tpu.memref_slice %arg2[%dma_wait3A_202, %dma_wait3A_203] : memref<10000x64xf32, #tpu.memory_space<hbm>> -> memref<10000x64xf32, #tpu.memory_space<hbm>>
      tpu.wait_indirect_dma semaphore(%arg11 : memref<!tpu.dma_semaphore, #tpu.memory_space<semaphore_mem>>) src(%dma_wait3A_204 : memref<10000x64xf32, #tpu.memory_space<hbm>>) dst(%dma_wait3A_198 : memref<125x64xf32, #tpu.memory_space<vmem>>)
      %add3A_205 = arith.constant 0 : i32
      %add3A_206 = arith.addi %mul3A_14, %add3A_205 : i32
      %dma_start3A_207 = arith.constant 0 : i32
      %dma_start3A_208 = arith.constant 0 : i32
      %dma_start3A_209 = arith.constant 0 : i32
      %dma_start3A_210 = tpu.memref_slice %arg9[%dma_start3A_207, %dma_start3A_208, %dma_start3A_209] : memref<8x125x64xf32, #tpu.memory_space<vmem>> -> memref<1x125x64xf32, #tpu.memory_space<vmem>>
      %dma_start3A_211 = tpu.memref_squeeze %dma_start3A_210 : memref<1x125x64xf32, #tpu.memory_space<vmem>> -> memref<125x64xf32, #tpu.memory_space<vmem>>
      %dma_start3A_212 = arith.constant 0 : i32
      %dma_start3A_213 = tpu.memref_slice %arg8[%add3A_206, %dma_start3A_212] : memref<80x125xi32, #tpu.memory_space<vmem>> -> memref<1x125xi32, #tpu.memory_space<vmem>>
      %dma_start3A_214 = tpu.memref_squeeze %dma_start3A_213 : memref<1x125xi32, #tpu.memory_space<vmem>> -> memref<125xi32, #tpu.memory_space<vmem>>
      %dma_start3A_215 = arith.constant 0 : i32
      %dma_start3A_216 = arith.constant 0 : i32
      %dma_start3A_217 = tpu.memref_slice %arg10[%dma_start3A_215, %dma_start3A_216] : memref<10240x64xf32, #tpu.memory_space<vmem_shared>> -> memref<10240x64xf32, #tpu.memory_space<vmem_shared>>
      tpu.enqueue_indirect_dma source(%dma_start3A_211 : memref<125x64xf32, #tpu.memory_space<vmem>>) target(%dma_start3A_217 : memref<10240x64xf32, #tpu.memory_space<vmem_shared>>) offsets(%dma_start3A_214 : memref<125xi32, #tpu.memory_space<vmem>>) semaphore(%arg12 : memref<!tpu.dma_semaphore, #tpu.memory_space<semaphore_mem>>) {add = true}
      %add3A_218 = arith.constant 1 : i32
      %add3A_219 = arith.addi %mul3A_14, %add3A_218 : i32
      %dma_start3A_220 = arith.constant 1 : i32
      %dma_start3A_221 = arith.constant 0 : i32
      %dma_start3A_222 = arith.constant 0 : i32
      %dma_start3A_223 = tpu.memref_slice %arg9[%dma_start3A_220, %dma_start3A_221, %dma_start3A_222] : memref<8x125x64xf32, #tpu.memory_space<vmem>> -> memref<1x125x64xf32, #tpu.memory_space<vmem>>
      %dma_start3A_224 = tpu.memref_squeeze %dma_start3A_223 : memref<1x125x64xf32, #tpu.memory_space<vmem>> -> memref<125x64xf32, #tpu.memory_space<vmem>>
      %dma_start3A_225 = arith.constant 0 : i32
      %dma_start3A_226 = tpu.memref_slice %arg8[%add3A_219, %dma_start3A_225] : memref<80x125xi32, #tpu.memory_space<vmem>> -> memref<1x125xi32, #tpu.memory_space<vmem>>
      %dma_start3A_227 = tpu.memref_squeeze %dma_start3A_226 : memref<1x125xi32, #tpu.memory_space<vmem>> -> memref<125xi32, #tpu.memory_space<vmem>>
      %dma_start3A_228 = arith.constant 0 : i32
      %dma_start3A_229 = arith.constant 0 : i32
      %dma_start3A_230 = tpu.memref_slice %arg10[%dma_start3A_228, %dma_start3A_229] : memref<10240x64xf32, #tpu.memory_space<vmem_shared>> -> memref<10240x64xf32, #tpu.memory_space<vmem_shared>>
      tpu.enqueue_indirect_dma source(%dma_start3A_224 : memref<125x64xf32, #tpu.memory_space<vmem>>) target(%dma_start3A_230 : memref<10240x64xf32, #tpu.memory_space<vmem_shared>>) offsets(%dma_start3A_227 : memref<125xi32, #tpu.memory_space<vmem>>) semaphore(%arg12 : memref<!tpu.dma_semaphore, #tpu.memory_space<semaphore_mem>>) {add = true}
      %add3A_231 = arith.constant 2 : i32
      %add3A_232 = arith.addi %mul3A_14, %add3A_231 : i32
      %dma_start3A_233 = arith.constant 2 : i32
      %dma_start3A_234 = arith.constant 0 : i32
      %dma_start3A_235 = arith.constant 0 : i32
      %dma_start3A_236 = tpu.memref_slice %arg9[%dma_start3A_233, %dma_start3A_234, %dma_start3A_235] : memref<8x125x64xf32, #tpu.memory_space<vmem>> -> memref<1x125x64xf32, #tpu.memory_space<vmem>>
      %dma_start3A_237 = tpu.memref_squeeze %dma_start3A_236 : memref<1x125x64xf32, #tpu.memory_space<vmem>> -> memref<125x64xf32, #tpu.memory_space<vmem>>
      %dma_start3A_238 = arith.constant 0 : i32
      %dma_start3A_239 = tpu.memref_slice %arg8[%add3A_232, %dma_start3A_238] : memref<80x125xi32, #tpu.memory_space<vmem>> -> memref<1x125xi32, #tpu.memory_space<vmem>>
      %dma_start3A_240 = tpu.memref_squeeze %dma_start3A_239 : memref<1x125xi32, #tpu.memory_space<vmem>> -> memref<125xi32, #tpu.memory_space<vmem>>
      %dma_start3A_241 = arith.constant 0 : i32
      %dma_start3A_242 = arith.constant 0 : i32
      %dma_start3A_243 = tpu.memref_slice %arg10[%dma_start3A_241, %dma_start3A_242] : memref<10240x64xf32, #tpu.memory_space<vmem_shared>> -> memref<10240x64xf32, #tpu.memory_space<vmem_shared>>
      tpu.enqueue_indirect_dma source(%dma_start3A_237 : memref<125x64xf32, #tpu.memory_space<vmem>>) target(%dma_start3A_243 : memref<10240x64xf32, #tpu.memory_space<vmem_shared>>) offsets(%dma_start3A_240 : memref<125xi32, #tpu.memory_space<vmem>>) semaphore(%arg12 : memref<!tpu.dma_semaphore, #tpu.memory_space<semaphore_mem>>) {add = true}
      %add3A_244 = arith.constant 3 : i32
      %add3A_245 = arith.addi %mul3A_14, %add3A_244 : i32
      %dma_start3A_246 = arith.constant 3 : i32
      %dma_start3A_247 = arith.constant 0 : i32
      %dma_start3A_248 = arith.constant 0 : i32
      %dma_start3A_249 = tpu.memref_slice %arg9[%dma_start3A_246, %dma_start3A_247, %dma_start3A_248] : memref<8x125x64xf32, #tpu.memory_space<vmem>> -> memref<1x125x64xf32, #tpu.memory_space<vmem>>
      %dma_start3A_250 = tpu.memref_squeeze %dma_start3A_249 : memref<1x125x64xf32, #tpu.memory_space<vmem>> -> memref<125x64xf32, #tpu.memory_space<vmem>>
      %dma_start3A_251 = arith.constant 0 : i32
      %dma_start3A_252 = tpu.memref_slice %arg8[%add3A_245, %dma_start3A_251] : memref<80x125xi32, #tpu.memory_space<vmem>> -> memref<1x125xi32, #tpu.memory_space<vmem>>
      %dma_start3A_253 = tpu.memref_squeeze %dma_start3A_252 : memref<1x125xi32, #tpu.memory_space<vmem>> -> memref<125xi32, #tpu.memory_space<vmem>>
      %dma_start3A_254 = arith.constant 0 : i32
      %dma_start3A_255 = arith.constant 0 : i32
      %dma_start3A_256 = tpu.memref_slice %arg10[%dma_start3A_254, %dma_start3A_255] : memref<10240x64xf32, #tpu.memory_space<vmem_shared>> -> memref<10240x64xf32, #tpu.memory_space<vmem_shared>>
      tpu.enqueue_indirect_dma source(%dma_start3A_250 : memref<125x64xf32, #tpu.memory_space<vmem>>) target(%dma_start3A_256 : memref<10240x64xf32, #tpu.memory_space<vmem_shared>>) offsets(%dma_start3A_253 : memref<125xi32, #tpu.memory_space<vmem>>) semaphore(%arg12 : memref<!tpu.dma_semaphore, #tpu.memory_space<semaphore_mem>>) {add = true}
      %add3A_257 = arith.constant 4 : i32
      %add3A_258 = arith.addi %mul3A_14, %add3A_257 : i32
      %dma_start3A_259 = arith.constant 4 : i32
      %dma_start3A_260 = arith.constant 0 : i32
      %dma_start3A_261 = arith.constant 0 : i32
      %dma_start3A_262 = tpu.memref_slice %arg9[%dma_start3A_259, %dma_start3A_260, %dma_start3A_261] : memref<8x125x64xf32, #tpu.memory_space<vmem>> -> memref<1x125x64xf32, #tpu.memory_space<vmem>>
      %dma_start3A_263 = tpu.memref_squeeze %dma_start3A_262 : memref<1x125x64xf32, #tpu.memory_space<vmem>> -> memref<125x64xf32, #tpu.memory_space<vmem>>
      %dma_start3A_264 = arith.constant 0 : i32
      %dma_start3A_265 = tpu.memref_slice %arg8[%add3A_258, %dma_start3A_264] : memref<80x125xi32, #tpu.memory_space<vmem>> -> memref<1x125xi32, #tpu.memory_space<vmem>>
      %dma_start3A_266 = tpu.memref_squeeze %dma_start3A_265 : memref<1x125xi32, #tpu.memory_space<vmem>> -> memref<125xi32, #tpu.memory_space<vmem>>
      %dma_start3A_267 = arith.constant 0 : i32
      %dma_start3A_268 = arith.constant 0 : i32
      %dma_start3A_269 = tpu.memref_slice %arg10[%dma_start3A_267, %dma_start3A_268] : memref<10240x64xf32, #tpu.memory_space<vmem_shared>> -> memref<10240x64xf32, #tpu.memory_space<vmem_shared>>
      tpu.enqueue_indirect_dma source(%dma_start3A_263 : memref<125x64xf32, #tpu.memory_space<vmem>>) target(%dma_start3A_269 : memref<10240x64xf32, #tpu.memory_space<vmem_shared>>) offsets(%dma_start3A_266 : memref<125xi32, #tpu.memory_space<vmem>>) semaphore(%arg12 : memref<!tpu.dma_semaphore, #tpu.memory_space<semaphore_mem>>) {add = true}
      %add3A_270 = arith.constant 5 : i32
      %add3A_271 = arith.addi %mul3A_14, %add3A_270 : i32
      %dma_start3A_272 = arith.constant 5 : i32
      %dma_start3A_273 = arith.constant 0 : i32
      %dma_start3A_274 = arith.constant 0 : i32
      %dma_start3A_275 = tpu.memref_slice %arg9[%dma_start3A_272, %dma_start3A_273, %dma_start3A_274] : memref<8x125x64xf32, #tpu.memory_space<vmem>> -> memref<1x125x64xf32, #tpu.memory_space<vmem>>
      %dma_start3A_276 = tpu.memref_squeeze %dma_start3A_275 : memref<1x125x64xf32, #tpu.memory_space<vmem>> -> memref<125x64xf32, #tpu.memory_space<vmem>>
      %dma_start3A_277 = arith.constant 0 : i32
      %dma_start3A_278 = tpu.memref_slice %arg8[%add3A_271, %dma_start3A_277] : memref<80x125xi32, #tpu.memory_space<vmem>> -> memref<1x125xi32, #tpu.memory_space<vmem>>
      %dma_start3A_279 = tpu.memref_squeeze %dma_start3A_278 : memref<1x125xi32, #tpu.memory_space<vmem>> -> memref<125xi32, #tpu.memory_space<vmem>>
      %dma_start3A_280 = arith.constant 0 : i32
      %dma_start3A_281 = arith.constant 0 : i32
      %dma_start3A_282 = tpu.memref_slice %arg10[%dma_start3A_280, %dma_start3A_281] : memref<10240x64xf32, #tpu.memory_space<vmem_shared>> -> memref<10240x64xf32, #tpu.memory_space<vmem_shared>>
      tpu.enqueue_indirect_dma source(%dma_start3A_276 : memref<125x64xf32, #tpu.memory_space<vmem>>) target(%dma_start3A_282 : memref<10240x64xf32, #tpu.memory_space<vmem_shared>>) offsets(%dma_start3A_279 : memref<125xi32, #tpu.memory_space<vmem>>) semaphore(%arg12 : memref<!tpu.dma_semaphore, #tpu.memory_space<semaphore_mem>>) {add = true}
      %add3A_283 = arith.constant 6 : i32
      %add3A_284 = arith.addi %mul3A_14, %add3A_283 : i32
      %dma_start3A_285 = arith.constant 6 : i32
      %dma_start3A_286 = arith.constant 0 : i32
      %dma_start3A_287 = arith.constant 0 : i32
      %dma_start3A_288 = tpu.memref_slice %arg9[%dma_start3A_285, %dma_start3A_286, %dma_start3A_287] : memref<8x125x64xf32, #tpu.memory_space<vmem>> -> memref<1x125x64xf32, #tpu.memory_space<vmem>>
      %dma_start3A_289 = tpu.memref_squeeze %dma_start3A_288 : memref<1x125x64xf32, #tpu.memory_space<vmem>> -> memref<125x64xf32, #tpu.memory_space<vmem>>
      %dma_start3A_290 = arith.constant 0 : i32
      %dma_start3A_291 = tpu.memref_slice %arg8[%add3A_284, %dma_start3A_290] : memref<80x125xi32, #tpu.memory_space<vmem>> -> memref<1x125xi32, #tpu.memory_space<vmem>>
      %dma_start3A_292 = tpu.memref_squeeze %dma_start3A_291 : memref<1x125xi32, #tpu.memory_space<vmem>> -> memref<125xi32, #tpu.memory_space<vmem>>
      %dma_start3A_293 = arith.constant 0 : i32
      %dma_start3A_294 = arith.constant 0 : i32
      %dma_start3A_295 = tpu.memref_slice %arg10[%dma_start3A_293, %dma_start3A_294] : memref<10240x64xf32, #tpu.memory_space<vmem_shared>> -> memref<10240x64xf32, #tpu.memory_space<vmem_shared>>
      tpu.enqueue_indirect_dma source(%dma_start3A_289 : memref<125x64xf32, #tpu.memory_space<vmem>>) target(%dma_start3A_295 : memref<10240x64xf32, #tpu.memory_space<vmem_shared>>) offsets(%dma_start3A_292 : memref<125xi32, #tpu.memory_space<vmem>>) semaphore(%arg12 : memref<!tpu.dma_semaphore, #tpu.memory_space<semaphore_mem>>) {add = true}
      %add3A_296 = arith.constant 7 : i32
      %add3A_297 = arith.addi %mul3A_14, %add3A_296 : i32
      %dma_start3A_298 = arith.constant 7 : i32
      %dma_start3A_299 = arith.constant 0 : i32
      %dma_start3A_300 = arith.constant 0 : i32
      %dma_start3A_301 = tpu.memref_slice %arg9[%dma_start3A_298, %dma_start3A_299, %dma_start3A_300] : memref<8x125x64xf32, #tpu.memory_space<vmem>> -> memref<1x125x64xf32, #tpu.memory_space<vmem>>
      %dma_start3A_302 = tpu.memref_squeeze %dma_start3A_301 : memref<1x125x64xf32, #tpu.memory_space<vmem>> -> memref<125x64xf32, #tpu.memory_space<vmem>>
      %dma_start3A_303 = arith.constant 0 : i32
      %dma_start3A_304 = tpu.memref_slice %arg8[%add3A_297, %dma_start3A_303] : memref<80x125xi32, #tpu.memory_space<vmem>> -> memref<1x125xi32, #tpu.memory_space<vmem>>
      %dma_start3A_305 = tpu.memref_squeeze %dma_start3A_304 : memref<1x125xi32, #tpu.memory_space<vmem>> -> memref<125xi32, #tpu.memory_space<vmem>>
      %dma_start3A_306 = arith.constant 0 : i32
      %dma_start3A_307 = arith.constant 0 : i32
      %dma_start3A_308 = tpu.memref_slice %arg10[%dma_start3A_306, %dma_start3A_307] : memref<10240x64xf32, #tpu.memory_space<vmem_shared>> -> memref<10240x64xf32, #tpu.memory_space<vmem_shared>>
      tpu.enqueue_indirect_dma source(%dma_start3A_302 : memref<125x64xf32, #tpu.memory_space<vmem>>) target(%dma_start3A_308 : memref<10240x64xf32, #tpu.memory_space<vmem_shared>>) offsets(%dma_start3A_305 : memref<125xi32, #tpu.memory_space<vmem>>) semaphore(%arg12 : memref<!tpu.dma_semaphore, #tpu.memory_space<semaphore_mem>>) {add = true}
      %dma_wait3A_309 = arith.constant 0 : i32
      %dma_wait3A_310 = arith.constant 0 : i32
      %dma_wait3A_311 = arith.constant 0 : i32
      %dma_wait3A_312 = tpu.memref_slice %arg9[%dma_wait3A_309, %dma_wait3A_310, %dma_wait3A_311] : memref<8x125x64xf32, #tpu.memory_space<vmem>> -> memref<1x125x64xf32, #tpu.memory_space<vmem>>
      %dma_wait3A_313 = tpu.memref_squeeze %dma_wait3A_312 : memref<1x125x64xf32, #tpu.memory_space<vmem>> -> memref<125x64xf32, #tpu.memory_space<vmem>>
      %dma_wait3A_314 = arith.constant 0 : i32
      %dma_wait3A_315 = tpu.memref_slice %arg8[%add3A_206, %dma_wait3A_314] : memref<80x125xi32, #tpu.memory_space<vmem>> -> memref<1x125xi32, #tpu.memory_space<vmem>>
      %dma_wait3A_316 = tpu.memref_squeeze %dma_wait3A_315 : memref<1x125xi32, #tpu.memory_space<vmem>> -> memref<125xi32, #tpu.memory_space<vmem>>
      %dma_wait3A_317 = arith.constant 0 : i32
      %dma_wait3A_318 = arith.constant 0 : i32
      %dma_wait3A_319 = tpu.memref_slice %arg10[%dma_wait3A_317, %dma_wait3A_318] : memref<10240x64xf32, #tpu.memory_space<vmem_shared>> -> memref<10240x64xf32, #tpu.memory_space<vmem_shared>>
      tpu.wait_indirect_dma semaphore(%arg12 : memref<!tpu.dma_semaphore, #tpu.memory_space<semaphore_mem>>) src(%dma_wait3A_313 : memref<125x64xf32, #tpu.memory_space<vmem>>) dst(%dma_wait3A_319 : memref<10240x64xf32, #tpu.memory_space<vmem_shared>>)
      %dma_wait3A_320 = arith.constant 1 : i32
      %dma_wait3A_321 = arith.constant 0 : i32
      %dma_wait3A_322 = arith.constant 0 : i32
      %dma_wait3A_323 = tpu.memref_slice %arg9[%dma_wait3A_320, %dma_wait3A_321, %dma_wait3A_322] : memref<8x125x64xf32, #tpu.memory_space<vmem>> -> memref<1x125x64xf32, #tpu.memory_space<vmem>>
      %dma_wait3A_324 = tpu.memref_squeeze %dma_wait3A_323 : memref<1x125x64xf32, #tpu.memory_space<vmem>> -> memref<125x64xf32, #tpu.memory_space<vmem>>
      %dma_wait3A_325 = arith.constant 0 : i32
      %dma_wait3A_326 = tpu.memref_slice %arg8[%add3A_219, %dma_wait3A_325] : memref<80x125xi32, #tpu.memory_space<vmem>> -> memref<1x125xi32, #tpu.memory_space<vmem>>
      %dma_wait3A_327 = tpu.memref_squeeze %dma_wait3A_326 : memref<1x125xi32, #tpu.memory_space<vmem>> -> memref<125xi32, #tpu.memory_space<vmem>>
      %dma_wait3A_328 = arith.constant 0 : i32
      %dma_wait3A_329 = arith.constant 0 : i32
      %dma_wait3A_330 = tpu.memref_slice %arg10[%dma_wait3A_328, %dma_wait3A_329] : memref<10240x64xf32, #tpu.memory_space<vmem_shared>> -> memref<10240x64xf32, #tpu.memory_space<vmem_shared>>
      tpu.wait_indirect_dma semaphore(%arg12 : memref<!tpu.dma_semaphore, #tpu.memory_space<semaphore_mem>>) src(%dma_wait3A_324 : memref<125x64xf32, #tpu.memory_space<vmem>>) dst(%dma_wait3A_330 : memref<10240x64xf32, #tpu.memory_space<vmem_shared>>)
      %dma_wait3A_331 = arith.constant 2 : i32
      %dma_wait3A_332 = arith.constant 0 : i32
      %dma_wait3A_333 = arith.constant 0 : i32
      %dma_wait3A_334 = tpu.memref_slice %arg9[%dma_wait3A_331, %dma_wait3A_332, %dma_wait3A_333] : memref<8x125x64xf32, #tpu.memory_space<vmem>> -> memref<1x125x64xf32, #tpu.memory_space<vmem>>
      %dma_wait3A_335 = tpu.memref_squeeze %dma_wait3A_334 : memref<1x125x64xf32, #tpu.memory_space<vmem>> -> memref<125x64xf32, #tpu.memory_space<vmem>>
      %dma_wait3A_336 = arith.constant 0 : i32
      %dma_wait3A_337 = tpu.memref_slice %arg8[%add3A_232, %dma_wait3A_336] : memref<80x125xi32, #tpu.memory_space<vmem>> -> memref<1x125xi32, #tpu.memory_space<vmem>>
      %dma_wait3A_338 = tpu.memref_squeeze %dma_wait3A_337 : memref<1x125xi32, #tpu.memory_space<vmem>> -> memref<125xi32, #tpu.memory_space<vmem>>
      %dma_wait3A_339 = arith.constant 0 : i32
      %dma_wait3A_340 = arith.constant 0 : i32
      %dma_wait3A_341 = tpu.memref_slice %arg10[%dma_wait3A_339, %dma_wait3A_340] : memref<10240x64xf32, #tpu.memory_space<vmem_shared>> -> memref<10240x64xf32, #tpu.memory_space<vmem_shared>>
      tpu.wait_indirect_dma semaphore(%arg12 : memref<!tpu.dma_semaphore, #tpu.memory_space<semaphore_mem>>) src(%dma_wait3A_335 : memref<125x64xf32, #tpu.memory_space<vmem>>) dst(%dma_wait3A_341 : memref<10240x64xf32, #tpu.memory_space<vmem_shared>>)
      %dma_wait3A_342 = arith.constant 3 : i32
      %dma_wait3A_343 = arith.constant 0 : i32
      %dma_wait3A_344 = arith.constant 0 : i32
      %dma_wait3A_345 = tpu.memref_slice %arg9[%dma_wait3A_342, %dma_wait3A_343, %dma_wait3A_344] : memref<8x125x64xf32, #tpu.memory_space<vmem>> -> memref<1x125x64xf32, #tpu.memory_space<vmem>>
      %dma_wait3A_346 = tpu.memref_squeeze %dma_wait3A_345 : memref<1x125x64xf32, #tpu.memory_space<vmem>> -> memref<125x64xf32, #tpu.memory_space<vmem>>
      %dma_wait3A_347 = arith.constant 0 : i32
      %dma_wait3A_348 = tpu.memref_slice %arg8[%add3A_245, %dma_wait3A_347] : memref<80x125xi32, #tpu.memory_space<vmem>> -> memref<1x125xi32, #tpu.memory_space<vmem>>
      %dma_wait3A_349 = tpu.memref_squeeze %dma_wait3A_348 : memref<1x125xi32, #tpu.memory_space<vmem>> -> memref<125xi32, #tpu.memory_space<vmem>>
      %dma_wait3A_350 = arith.constant 0 : i32
      %dma_wait3A_351 = arith.constant 0 : i32
      %dma_wait3A_352 = tpu.memref_slice %arg10[%dma_wait3A_350, %dma_wait3A_351] : memref<10240x64xf32, #tpu.memory_space<vmem_shared>> -> memref<10240x64xf32, #tpu.memory_space<vmem_shared>>
      tpu.wait_indirect_dma semaphore(%arg12 : memref<!tpu.dma_semaphore, #tpu.memory_space<semaphore_mem>>) src(%dma_wait3A_346 : memref<125x64xf32, #tpu.memory_space<vmem>>) dst(%dma_wait3A_352 : memref<10240x64xf32, #tpu.memory_space<vmem_shared>>)
      %dma_wait3A_353 = arith.constant 4 : i32
      %dma_wait3A_354 = arith.constant 0 : i32
      %dma_wait3A_355 = arith.constant 0 : i32
      %dma_wait3A_356 = tpu.memref_slice %arg9[%dma_wait3A_353, %dma_wait3A_354, %dma_wait3A_355] : memref<8x125x64xf32, #tpu.memory_space<vmem>> -> memref<1x125x64xf32, #tpu.memory_space<vmem>>
      %dma_wait3A_357 = tpu.memref_squeeze %dma_wait3A_356 : memref<1x125x64xf32, #tpu.memory_space<vmem>> -> memref<125x64xf32, #tpu.memory_space<vmem>>
      %dma_wait3A_358 = arith.constant 0 : i32
      %dma_wait3A_359 = tpu.memref_slice %arg8[%add3A_258, %dma_wait3A_358] : memref<80x125xi32, #tpu.memory_space<vmem>> -> memref<1x125xi32, #tpu.memory_space<vmem>>
      %dma_wait3A_360 = tpu.memref_squeeze %dma_wait3A_359 : memref<1x125xi32, #tpu.memory_space<vmem>> -> memref<125xi32, #tpu.memory_space<vmem>>
      %dma_wait3A_361 = arith.constant 0 : i32
      %dma_wait3A_362 = arith.constant 0 : i32
      %dma_wait3A_363 = tpu.memref_slice %arg10[%dma_wait3A_361, %dma_wait3A_362] : memref<10240x64xf32, #tpu.memory_space<vmem_shared>> -> memref<10240x64xf32, #tpu.memory_space<vmem_shared>>
      tpu.wait_indirect_dma semaphore(%arg12 : memref<!tpu.dma_semaphore, #tpu.memory_space<semaphore_mem>>) src(%dma_wait3A_357 : memref<125x64xf32, #tpu.memory_space<vmem>>) dst(%dma_wait3A_363 : memref<10240x64xf32, #tpu.memory_space<vmem_shared>>)
      %dma_wait3A_364 = arith.constant 5 : i32
      %dma_wait3A_365 = arith.constant 0 : i32
      %dma_wait3A_366 = arith.constant 0 : i32
      %dma_wait3A_367 = tpu.memref_slice %arg9[%dma_wait3A_364, %dma_wait3A_365, %dma_wait3A_366] : memref<8x125x64xf32, #tpu.memory_space<vmem>> -> memref<1x125x64xf32, #tpu.memory_space<vmem>>
      %dma_wait3A_368 = tpu.memref_squeeze %dma_wait3A_367 : memref<1x125x64xf32, #tpu.memory_space<vmem>> -> memref<125x64xf32, #tpu.memory_space<vmem>>
      %dma_wait3A_369 = arith.constant 0 : i32
      %dma_wait3A_370 = tpu.memref_slice %arg8[%add3A_271, %dma_wait3A_369] : memref<80x125xi32, #tpu.memory_space<vmem>> -> memref<1x125xi32, #tpu.memory_space<vmem>>
      %dma_wait3A_371 = tpu.memref_squeeze %dma_wait3A_370 : memref<1x125xi32, #tpu.memory_space<vmem>> -> memref<125xi32, #tpu.memory_space<vmem>>
      %dma_wait3A_372 = arith.constant 0 : i32
      %dma_wait3A_373 = arith.constant 0 : i32
      %dma_wait3A_374 = tpu.memref_slice %arg10[%dma_wait3A_372, %dma_wait3A_373] : memref<10240x64xf32, #tpu.memory_space<vmem_shared>> -> memref<10240x64xf32, #tpu.memory_space<vmem_shared>>
      tpu.wait_indirect_dma semaphore(%arg12 : memref<!tpu.dma_semaphore, #tpu.memory_space<semaphore_mem>>) src(%dma_wait3A_368 : memref<125x64xf32, #tpu.memory_space<vmem>>) dst(%dma_wait3A_374 : memref<10240x64xf32, #tpu.memory_space<vmem_shared>>)
      %dma_wait3A_375 = arith.constant 6 : i32
      %dma_wait3A_376 = arith.constant 0 : i32
      %dma_wait3A_377 = arith.constant 0 : i32
      %dma_wait3A_378 = tpu.memref_slice %arg9[%dma_wait3A_375, %dma_wait3A_376, %dma_wait3A_377] : memref<8x125x64xf32, #tpu.memory_space<vmem>> -> memref<1x125x64xf32, #tpu.memory_space<vmem>>
      %dma_wait3A_379 = tpu.memref_squeeze %dma_wait3A_378 : memref<1x125x64xf32, #tpu.memory_space<vmem>> -> memref<125x64xf32, #tpu.memory_space<vmem>>
      %dma_wait3A_380 = arith.constant 0 : i32
      %dma_wait3A_381 = tpu.memref_slice %arg8[%add3A_284, %dma_wait3A_380] : memref<80x125xi32, #tpu.memory_space<vmem>> -> memref<1x125xi32, #tpu.memory_space<vmem>>
      %dma_wait3A_382 = tpu.memref_squeeze %dma_wait3A_381 : memref<1x125xi32, #tpu.memory_space<vmem>> -> memref<125xi32, #tpu.memory_space<vmem>>
      %dma_wait3A_383 = arith.constant 0 : i32
      %dma_wait3A_384 = arith.constant 0 : i32
      %dma_wait3A_385 = tpu.memref_slice %arg10[%dma_wait3A_383, %dma_wait3A_384] : memref<10240x64xf32, #tpu.memory_space<vmem_shared>> -> memref<10240x64xf32, #tpu.memory_space<vmem_shared>>
      tpu.wait_indirect_dma semaphore(%arg12 : memref<!tpu.dma_semaphore, #tpu.memory_space<semaphore_mem>>) src(%dma_wait3A_379 : memref<125x64xf32, #tpu.memory_space<vmem>>) dst(%dma_wait3A_385 : memref<10240x64xf32, #tpu.memory_space<vmem_shared>>)
      %dma_wait3A_386 = arith.constant 7 : i32
      %dma_wait3A_387 = arith.constant 0 : i32
      %dma_wait3A_388 = arith.constant 0 : i32
      %dma_wait3A_389 = tpu.memref_slice %arg9[%dma_wait3A_386, %dma_wait3A_387, %dma_wait3A_388] : memref<8x125x64xf32, #tpu.memory_space<vmem>> -> memref<1x125x64xf32, #tpu.memory_space<vmem>>
      %dma_wait3A_390 = tpu.memref_squeeze %dma_wait3A_389 : memref<1x125x64xf32, #tpu.memory_space<vmem>> -> memref<125x64xf32, #tpu.memory_space<vmem>>
      %dma_wait3A_391 = arith.constant 0 : i32
      %dma_wait3A_392 = tpu.memref_slice %arg8[%add3A_297, %dma_wait3A_391] : memref<80x125xi32, #tpu.memory_space<vmem>> -> memref<1x125xi32, #tpu.memory_space<vmem>>
      %dma_wait3A_393 = tpu.memref_squeeze %dma_wait3A_392 : memref<1x125xi32, #tpu.memory_space<vmem>> -> memref<125xi32, #tpu.memory_space<vmem>>
      %dma_wait3A_394 = arith.constant 0 : i32
      %dma_wait3A_395 = arith.constant 0 : i32
      %dma_wait3A_396 = tpu.memref_slice %arg10[%dma_wait3A_394, %dma_wait3A_395] : memref<10240x64xf32, #tpu.memory_space<vmem_shared>> -> memref<10240x64xf32, #tpu.memory_space<vmem_shared>>
      tpu.wait_indirect_dma semaphore(%arg12 : memref<!tpu.dma_semaphore, #tpu.memory_space<semaphore_mem>>) src(%dma_wait3A_390 : memref<125x64xf32, #tpu.memory_space<vmem>>) dst(%dma_wait3A_396 : memref<10240x64xf32, #tpu.memory_space<vmem_shared>>)
    }
    %scan3A_6 = arith.constant 10 : i32
    %barrier3A_7 = arith.constant 0 : index
    tpu.barrier barrier_id(%barrier3A_7)
    "tpu.region"() ({
      %run_scoped3A = tpu.sem_alloc : memref<!tpu.dma_semaphore, #tpu.memory_space<semaphore_mem>>
      %dma_start3A = arith.constant 0 : i32
      %dma_start3A_8 = tpu.memref_slice %arg6[%arg0, %mul3A_2, %dma_start3A] : memref<2x10240x64xf32, #tpu.memory_space<hbm>> -> memref<1x640x64xf32, #tpu.memory_space<hbm>>
      %dma_start3A_9 = tpu.memref_squeeze %dma_start3A_8 : memref<1x640x64xf32, #tpu.memory_space<hbm>> -> memref<640x64xf32, #tpu.memory_space<hbm>>
      %dma_start3A_10 = arith.constant 0 : i32
      %dma_start3A_11 = tpu.memref_slice %arg10[%mul3A_2, %dma_start3A_10] : memref<10240x64xf32, #tpu.memory_space<vmem_shared>> -> memref<640x64xf32, #tpu.memory_space<vmem_shared>>
      tpu.enqueue_dma source(%dma_start3A_11 : memref<640x64xf32, #tpu.memory_space<vmem_shared>>) target(%dma_start3A_9 : memref<640x64xf32, #tpu.memory_space<hbm>>) target_semaphore(%run_scoped3A : memref<!tpu.dma_semaphore, #tpu.memory_space<semaphore_mem>>)
      %dma_wait3A = arith.constant 0 : i32
      %dma_wait3A_12 = tpu.memref_slice %arg6[%arg0, %mul3A_2, %dma_wait3A] : memref<2x10240x64xf32, #tpu.memory_space<hbm>> -> memref<1x640x64xf32, #tpu.memory_space<hbm>>
      %dma_wait3A_13 = tpu.memref_squeeze %dma_wait3A_12 : memref<1x640x64xf32, #tpu.memory_space<hbm>> -> memref<640x64xf32, #tpu.memory_space<hbm>>
      %dma_wait3A_14 = arith.constant 0 : i32
      %dma_wait3A_15 = tpu.memref_slice %arg10[%mul3A_2, %dma_wait3A_14] : memref<10240x64xf32, #tpu.memory_space<vmem_shared>> -> memref<640x64xf32, #tpu.memory_space<vmem_shared>>
      tpu.wait_dma2 semaphore(%run_scoped3A : memref<!tpu.dma_semaphore, #tpu.memory_space<semaphore_mem>>) src(%dma_wait3A_15 : memref<640x64xf32, #tpu.memory_space<vmem_shared>>) dst(%dma_wait3A_13 : memref<640x64xf32, #tpu.memory_space<hbm>>)
      tpu.yield
    }) : () -> ()
    return
  }
}

module attributes {stable_mosaic.version = 14 : i64} {
  func.func @body(%arg0: memref<6000x128xf32, #tpu.memory_space<vmem>>, %arg1: memref<4000x128xf32, #tpu.memory_space<vmem>>, %arg2: memref<128x128xf32, #tpu.memory_space<vmem>>, %arg3: memref<1x128xf32, #tpu.memory_space<vmem>>, %arg4: memref<128x128xf32, #tpu.memory_space<vmem>>, %arg5: memref<1x128xf32, #tpu.memory_space<vmem>>, %arg6: memref<128x64xf32, #tpu.memory_space<vmem>>, %arg7: memref<2x10240x16xf32, #tpu.memory_space<vmem>>, %arg8: memref<10000x64xf32, #tpu.memory_space<vmem>>, %arg9: memref<10000x1xf32, #tpu.memory_space<vmem>>) attributes {dimension_semantics = [], scalar_prefetch = 0 : i64, scratch_operands = 0 : i64, tpu.core_type = #tpu.core_type<tc>} {
    %get3A = arith.constant 0 : index
    %get3A_0 = arith.constant 0 : index
    %get3A_1 = vector.load %arg0[%get3A, %get3A_0] : memref<6000x128xf32, #tpu.memory_space<vmem>>, vector<6000x128xf32>
    %get3A_2 = arith.constant 0 : index
    %get3A_3 = arith.constant 0 : index
    %get3A_4 = vector.load %arg2[%get3A_2, %get3A_3] : memref<128x128xf32, #tpu.memory_space<vmem>>, vector<128x128xf32>
    %dot_general3A = arith.constant dense<0.000000e+00> : vector<6000x128xf32>
    %dot_general3A_5 = tpu.matmul %get3A_1, %get3A_4, %dot_general3A {dimension_numbers = #tpu.dot_dimension_numbers<[1], [0], [0], [1], [0, 0, 1, 1], [], []>, transpose_lhs_hint = false} : vector<6000x128xf32>, vector<128x128xf32>, vector<6000x128xf32> -> vector<6000x128xf32>
    %get3A_6 = arith.constant 0 : index
    %get3A_7 = arith.constant 0 : index
    %get3A_8 = vector.load %arg3[%get3A_6, %get3A_7] : memref<1x128xf32, #tpu.memory_space<vmem>>, vector<1x128xf32>
    %add3A = vector.broadcast %get3A_8 : vector<1x128xf32> to vector<6000x128xf32>
    %add3A_9 = arith.addf %dot_general3A_5, %add3A : vector<6000x128xf32>
    %get3A_10 = arith.constant 0 : index
    %get3A_11 = arith.constant 0 : index
    %get3A_12 = vector.load %arg1[%get3A_10, %get3A_11] : memref<4000x128xf32, #tpu.memory_space<vmem>>, vector<4000x128xf32>
    %get3A_13 = arith.constant 0 : index
    %get3A_14 = arith.constant 0 : index
    %get3A_15 = vector.load %arg4[%get3A_13, %get3A_14] : memref<128x128xf32, #tpu.memory_space<vmem>>, vector<128x128xf32>
    %dot_general3A_16 = arith.constant dense<0.000000e+00> : vector<4000x128xf32>
    %dot_general3A_17 = tpu.matmul %get3A_12, %get3A_15, %dot_general3A_16 {dimension_numbers = #tpu.dot_dimension_numbers<[1], [0], [0], [1], [0, 0, 1, 1], [], []>, transpose_lhs_hint = false} : vector<4000x128xf32>, vector<128x128xf32>, vector<4000x128xf32> -> vector<4000x128xf32>
    %get3A_18 = arith.constant 0 : index
    %get3A_19 = arith.constant 0 : index
    %get3A_20 = vector.load %arg5[%get3A_18, %get3A_19] : memref<1x128xf32, #tpu.memory_space<vmem>>, vector<1x128xf32>
    %add3A_21 = vector.broadcast %get3A_20 : vector<1x128xf32> to vector<4000x128xf32>
    %add3A_22 = arith.addf %dot_general3A_17, %add3A_21 : vector<4000x128xf32>
    %concatenate3A = tpu.concatenate %add3A_9, %add3A_22 in 0 : vector<6000x128xf32>, vector<4000x128xf32> -> vector<10000x128xf32>
    %get3A_23 = arith.constant 0 : index
    %get3A_24 = arith.constant 0 : index
    %get3A_25 = vector.load %arg6[%get3A_23, %get3A_24] : memref<128x64xf32, #tpu.memory_space<vmem>>, vector<128x64xf32>
    %dot_general3A_26 = arith.constant dense<0.000000e+00> : vector<10000x64xf32>
    %dot_general3A_27 = tpu.matmul %concatenate3A, %get3A_25, %dot_general3A_26 {dimension_numbers = #tpu.dot_dimension_numbers<[1], [0], [0], [1], [0, 0, 1, 1], [], []>, transpose_lhs_hint = false} : vector<10000x128xf32>, vector<128x64xf32>, vector<10000x64xf32> -> vector<10000x64xf32>
    %get3A_28 = arith.constant 0 : index
    %get3A_29 = arith.constant 0 : index
    %get3A_30 = arith.constant 0 : index
    %get3A_31 = vector.load %arg7[%get3A_28, %get3A_29, %get3A_30] : memref<2x10240x16xf32, #tpu.memory_space<vmem>>, vector<1x10000x1xf32>
    %get3A_32 = vector.shape_cast %get3A_31 : vector<1x10000x1xf32> to vector<10000x1xf32>
    %get3A_33 = arith.constant 1 : index
    %get3A_34 = arith.constant 0 : index
    %get3A_35 = arith.constant 0 : index
    %get3A_36 = vector.load %arg7[%get3A_33, %get3A_34, %get3A_35] : memref<2x10240x16xf32, #tpu.memory_space<vmem>>, vector<1x10000x1xf32>
    %get3A_37 = vector.shape_cast %get3A_36 : vector<1x10000x1xf32> to vector<10000x1xf32>
    %add3A_38 = arith.addf %get3A_32, %get3A_37 : vector<10000x1xf32>
    %add3A_39 = arith.constant 1.000000e+00 : f32
    %add3A_40 = vector.broadcast %add3A_39 : f32 to vector<10000x1xf32>
    %add3A_41 = arith.addf %add3A_38, %add3A_40 : vector<10000x1xf32>
    %rsqrt3A = math.rsqrt %add3A_41 : vector<10000x1xf32>
    %mul3A = vector.broadcast %rsqrt3A : vector<10000x1xf32> to vector<10000x64xf32>
    %mul3A_42 = arith.mulf %dot_general3A_27, %mul3A : vector<10000x64xf32>
    %swap3A = arith.constant 0 : index
    %swap3A_43 = arith.constant 0 : index
    %swap3A_44 = vector.load %arg8[%swap3A, %swap3A_43] : memref<10000x64xf32, #tpu.memory_space<vmem>>, vector<10000x64xf32>
    tpu.vector_store %arg8[%swap3A, %swap3A_43], %mul3A_42 {strides = array<i32>} : memref<10000x64xf32, #tpu.memory_space<vmem>>, vector<10000x64xf32>,
    %swap3A_45 = arith.constant 0 : index
    %swap3A_46 = arith.constant 0 : index
    %swap3A_47 = vector.load %arg9[%swap3A_45, %swap3A_46] : memref<10000x1xf32, #tpu.memory_space<vmem>>, vector<10000x1xf32>
    tpu.vector_store %arg9[%swap3A_45, %swap3A_46], %rsqrt3A {strides = array<i32>} : memref<10000x1xf32, #tpu.memory_space<vmem>>, vector<10000x1xf32>,
    return
  }
}

module attributes {stable_mosaic.version = 14 : i64} {
  func.func @body(%arg0: memref<2x10240x64xf32, #tpu.memory_space<vmem>>, %arg1: memref<10000x64xf32, #tpu.memory_space<vmem>>, %arg2: memref<10000x1xf32, #tpu.memory_space<vmem>>, %arg3: memref<1x64xf32, #tpu.memory_space<vmem>>, %arg4: memref<1x64xf32, #tpu.memory_space<vmem>>, %arg5: memref<1x64xf32, #tpu.memory_space<vmem>>, %arg6: memref<64x64xf32, #tpu.memory_space<vmem>>, %arg7: memref<10000x64xf32, #tpu.memory_space<vmem>>) attributes {dimension_semantics = [], scalar_prefetch = 0 : i64, scratch_operands = 0 : i64, tpu.core_type = #tpu.core_type<tc>} {
    %get3A = arith.constant 0 : index
    %get3A_0 = arith.constant 0 : index
    %get3A_1 = vector.load %arg2[%get3A, %get3A_0] : memref<10000x1xf32, #tpu.memory_space<vmem>>, vector<10000x1xf32>
    %get3A_2 = arith.constant 0 : index
    %get3A_3 = arith.constant 0 : index
    %get3A_4 = arith.constant 0 : index
    %get3A_5 = vector.load %arg0[%get3A_2, %get3A_3, %get3A_4] : memref<2x10240x64xf32, #tpu.memory_space<vmem>>, vector<1x10000x64xf32>
    %get3A_6 = vector.shape_cast %get3A_5 : vector<1x10000x64xf32> to vector<10000x64xf32>
    %get3A_7 = arith.constant 1 : index
    %get3A_8 = arith.constant 0 : index
    %get3A_9 = arith.constant 0 : index
    %get3A_10 = vector.load %arg0[%get3A_7, %get3A_8, %get3A_9] : memref<2x10240x64xf32, #tpu.memory_space<vmem>>, vector<1x10000x64xf32>
    %get3A_11 = vector.shape_cast %get3A_10 : vector<1x10000x64xf32> to vector<10000x64xf32>
    %add3A = arith.addf %get3A_6, %get3A_11 : vector<10000x64xf32>
    %get3A_12 = arith.constant 0 : index
    %get3A_13 = arith.constant 0 : index
    %get3A_14 = vector.load %arg1[%get3A_12, %get3A_13] : memref<10000x64xf32, #tpu.memory_space<vmem>>, vector<10000x64xf32>
    %add3A_15 = arith.addf %add3A, %get3A_14 : vector<10000x64xf32>
    %mul3A = vector.broadcast %get3A_1 : vector<10000x1xf32> to vector<10000x64xf32>
    %mul3A_16 = arith.mulf %add3A_15, %mul3A : vector<10000x64xf32>
    %get3A_17 = arith.constant 0 : index
    %get3A_18 = arith.constant 0 : index
    %get3A_19 = vector.load %arg3[%get3A_17, %get3A_18] : memref<1x64xf32, #tpu.memory_space<vmem>>, vector<1x64xf32>
    %add3A_20 = vector.broadcast %get3A_19 : vector<1x64xf32> to vector<10000x64xf32>
    %add3A_21 = arith.addf %mul3A_16, %add3A_20 : vector<10000x64xf32>
    %reduce_sum3A = arith.constant dense<0.000000e+00> : vector<64xf32>
    %reduce_sum3A_22 = vector.multi_reduction <add>, %add3A_21, %reduce_sum3A [0] : vector<10000x64xf32> to vector<64xf32>
    %broadcast_in_dim3A = vector.shape_cast %reduce_sum3A_22 : vector<64xf32> to vector<1x64xf32>
    %div3A = arith.constant 1.000000e+04 : f32
    %div3A_23 = vector.broadcast %div3A : f32 to vector<1x64xf32>
    %div3A_24 = arith.divf %broadcast_in_dim3A, %div3A_23 : vector<1x64xf32>
    %sub3A = vector.broadcast %div3A_24 : vector<1x64xf32> to vector<10000x64xf32>
    %sub3A_25 = arith.subf %add3A_21, %sub3A : vector<10000x64xf32>
    %integer_pow3A = arith.mulf %sub3A_25, %sub3A_25 : vector<10000x64xf32>
    %reduce_sum3A_26 = arith.constant dense<0.000000e+00> : vector<64xf32>
    %reduce_sum3A_27 = vector.multi_reduction <add>, %integer_pow3A, %reduce_sum3A_26 [0] : vector<10000x64xf32> to vector<64xf32>
    %broadcast_in_dim3A_28 = vector.shape_cast %reduce_sum3A_27 : vector<64xf32> to vector<1x64xf32>
    %div3A_29 = arith.constant 1.000000e+04 : f32
    %div3A_30 = vector.broadcast %div3A_29 : f32 to vector<1x64xf32>
    %div3A_31 = arith.divf %broadcast_in_dim3A_28, %div3A_30 : vector<1x64xf32>
    %sub3A_32 = vector.broadcast %div3A_24 : vector<1x64xf32> to vector<10000x64xf32>
    %sub3A_33 = arith.subf %add3A_21, %sub3A_32 : vector<10000x64xf32>
    %add3A_34 = arith.constant 9.99999974E-6 : f32
    %add3A_35 = vector.broadcast %add3A_34 : f32 to vector<1x64xf32>
    %add3A_36 = arith.addf %div3A_31, %add3A_35 : vector<1x64xf32>
    %rsqrt3A = math.rsqrt %add3A_36 : vector<1x64xf32>
    %mul3A_37 = vector.broadcast %rsqrt3A : vector<1x64xf32> to vector<10000x64xf32>
    %mul3A_38 = arith.mulf %sub3A_33, %mul3A_37 : vector<10000x64xf32>
    %get3A_39 = arith.constant 0 : index
    %get3A_40 = arith.constant 0 : index
    %get3A_41 = vector.load %arg4[%get3A_39, %get3A_40] : memref<1x64xf32, #tpu.memory_space<vmem>>, vector<1x64xf32>
    %mul3A_42 = vector.broadcast %get3A_41 : vector<1x64xf32> to vector<10000x64xf32>
    %mul3A_43 = arith.mulf %mul3A_38, %mul3A_42 : vector<10000x64xf32>
    %get3A_44 = arith.constant 0 : index
    %get3A_45 = arith.constant 0 : index
    %get3A_46 = vector.load %arg5[%get3A_44, %get3A_45] : memref<1x64xf32, #tpu.memory_space<vmem>>, vector<1x64xf32>
    %add3A_47 = vector.broadcast %get3A_46 : vector<1x64xf32> to vector<10000x64xf32>
    %add3A_48 = arith.addf %mul3A_43, %add3A_47 : vector<10000x64xf32>
    %max3A = arith.constant 0.000000e+00 : f32
    %max3A_49 = vector.broadcast %max3A : f32 to vector<10000x64xf32>
    %max3A_50 = arith.maximumf %add3A_48, %max3A_49 : vector<10000x64xf32>
    %get3A_51 = arith.constant 0 : index
    %get3A_52 = arith.constant 0 : index
    %get3A_53 = vector.load %arg6[%get3A_51, %get3A_52] : memref<64x64xf32, #tpu.memory_space<vmem>>, vector<64x64xf32>
    %dot_general3A = arith.constant dense<0.000000e+00> : vector<10000x64xf32>
    %dot_general3A_54 = tpu.matmul %max3A_50, %get3A_53, %dot_general3A {dimension_numbers = #tpu.dot_dimension_numbers<[1], [0], [0], [1], [0, 0, 1, 1], [], []>, transpose_lhs_hint = false} : vector<10000x64xf32>, vector<64x64xf32>, vector<10000x64xf32> -> vector<10000x64xf32>
    %mul3A_55 = vector.broadcast %get3A_1 : vector<10000x1xf32> to vector<10000x64xf32>
    %mul3A_56 = arith.mulf %dot_general3A_54, %mul3A_55 : vector<10000x64xf32>
    %swap3A = arith.constant 0 : index
    %swap3A_57 = arith.constant 0 : index
    %swap3A_58 = vector.load %arg7[%swap3A, %swap3A_57] : memref<10000x64xf32, #tpu.memory_space<vmem>>, vector<10000x64xf32>
    tpu.vector_store %arg7[%swap3A, %swap3A_57], %mul3A_56 {strides = array<i32>} : memref<10000x64xf32, #tpu.memory_space<vmem>>, vector<10000x64xf32>,
    return
  }
}

module attributes {stable_mosaic.version = 14 : i64} {
  func.func @body(%arg0: memref<2x10240x64xf32, #tpu.memory_space<vmem>>, %arg1: memref<10000x64xf32, #tpu.memory_space<vmem>>, %arg2: memref<10000x1xf32, #tpu.memory_space<vmem>>, %arg3: memref<1x64xf32, #tpu.memory_space<vmem>>, %arg4: memref<10000x64xf32, #tpu.memory_space<vmem>>) attributes {dimension_semantics = [], scalar_prefetch = 0 : i64, scratch_operands = 0 : i64, tpu.core_type = #tpu.core_type<tc>} {
    %get3A = arith.constant 0 : index
    %get3A_0 = arith.constant 0 : index
    %get3A_1 = arith.constant 0 : index
    %get3A_2 = vector.load %arg0[%get3A, %get3A_0, %get3A_1] : memref<2x10240x64xf32, #tpu.memory_space<vmem>>, vector<1x10000x64xf32>
    %get3A_3 = vector.shape_cast %get3A_2 : vector<1x10000x64xf32> to vector<10000x64xf32>
    %get3A_4 = arith.constant 1 : index
    %get3A_5 = arith.constant 0 : index
    %get3A_6 = arith.constant 0 : index
    %get3A_7 = vector.load %arg0[%get3A_4, %get3A_5, %get3A_6] : memref<2x10240x64xf32, #tpu.memory_space<vmem>>, vector<1x10000x64xf32>
    %get3A_8 = vector.shape_cast %get3A_7 : vector<1x10000x64xf32> to vector<10000x64xf32>
    %add3A = arith.addf %get3A_3, %get3A_8 : vector<10000x64xf32>
    %get3A_9 = arith.constant 0 : index
    %get3A_10 = arith.constant 0 : index
    %get3A_11 = vector.load %arg1[%get3A_9, %get3A_10] : memref<10000x64xf32, #tpu.memory_space<vmem>>, vector<10000x64xf32>
    %add3A_12 = arith.addf %add3A, %get3A_11 : vector<10000x64xf32>
    %get3A_13 = arith.constant 0 : index
    %get3A_14 = arith.constant 0 : index
    %get3A_15 = vector.load %arg2[%get3A_13, %get3A_14] : memref<10000x1xf32, #tpu.memory_space<vmem>>, vector<10000x1xf32>
    %mul3A = vector.broadcast %get3A_15 : vector<10000x1xf32> to vector<10000x64xf32>
    %mul3A_16 = arith.mulf %add3A_12, %mul3A : vector<10000x64xf32>
    %get3A_17 = arith.constant 0 : index
    %get3A_18 = arith.constant 0 : index
    %get3A_19 = vector.load %arg3[%get3A_17, %get3A_18] : memref<1x64xf32, #tpu.memory_space<vmem>>, vector<1x64xf32>
    %add3A_20 = vector.broadcast %get3A_19 : vector<1x64xf32> to vector<10000x64xf32>
    %add3A_21 = arith.addf %mul3A_16, %add3A_20 : vector<10000x64xf32>
    %swap3A = arith.constant 0 : index
    %swap3A_22 = arith.constant 0 : index
    %swap3A_23 = vector.load %arg4[%swap3A, %swap3A_22] : memref<10000x64xf32, #tpu.memory_space<vmem>>, vector<10000x64xf32>
    tpu.vector_store %arg4[%swap3A, %swap3A_22], %add3A_21 {strides = array<i32>} : memref<10000x64xf32, #tpu.memory_space<vmem>>, vector<10000x64xf32>,
    return
  }
}

</mosaic_0001>

<sc_bundles>
// kernel: kernel.11.cloned.1.call-start
scs
__scs_entry_jumppad:
0x0: {  	(pc) =	sbr.rel $0x88, $3  }
0x1: {  	(tag) =	ssettag $0x0;
	lr =	simm.s32 $0x1  }
0x2: {  	[smem:$0x3F94] =	sst lr;
	_ =	strace $0xD0000000  }
0x3: {  	_ = 	snop  }
0x4: {  	_ = 	snop  }
0x5: {  	_ = 	snop  }
0x6: {  	_ = 	snop  }
0x7: {  	_ = 	snop  }
__scs_overlays_trampoline_lowered:
0x8: {  	[smem:$0x3FA3] =	sst s0  }
0x9: {  	[smem:$0x3FA4] =	sst s1  }
0xa: {  	[smem:$0x3FA5] =	sst s2  }
0xb: {  	[smem:$0x3FA6] =	sst s3  }
0xc: {  	[smem:$0x3FA7] =	sst s4  }
0xd: {  	[smem:$0x3FA8] =	sst s5  }
0xe: {  	[smem:$0x3FA9] =	sst s6  }
0xf: {  	[smem:$0x3FAA] =	sst s7  }
0x10: {  	[smem:$0x3FAB] =	sst s8  }
0x11: {  	[smem:$0x3FAC] =	sst s9;
	s0 =	simm.s32 @!p0 $0x0  }
0x12: {  	s1 =	sld [smem:$0x3F92];
	s0 =	simm.s32 @p0 $0x1  }
0x13: {  	[smem:$0x3FAD] =	sst s0;
	s0 =	simm.s32 @!p1 $0x0  }
0x14: {  	s2 =	sld [smem:$0x3F91];
	s0 =	simm.s32 @p1 $0x1  }
0x15: {  	[smem:$0x3FAE] =	sst s0;
	s0 =	simm.s32 @!p2 $0x0  }
0x16: {  	s3 =	sld [smem:$0x3FDB];
	s0 =	simm.s32 @p2 $0x1  }
0x17: {  	s4 =	simm.s32 $0x1BF5;
	[smem:$0x3FB0] =	sst s0  }
0x18: {  	s0 =	sld [smem:$0x3F93];
	_ =	swait.ge [sflag:s4], $0x0  }
0x19: {  	s7 =	sld [smem:$0x3F94]  }
0x1a: {  	s8 =	sadd.s32 $0xFFFFE003, lr  }
0x1b: {  	s9 =	sadd.s32 $0xFFFFFEF7, lr;
	s5 =	simm.s32 $0xFFFFFFFF;
	p2 =	slt.u32 s8, $0xFFFFF086  }
0x1c: {  	p1 =	slt.u32 s9, $0xF7A;
	s5 =	simm.s32 @!p2 $0x0  }
0x1d: {  	s5 =	simm.s32 @p1 $0x1;
	p0 =	seq.s32 s7, s2  }
0x1e: {  	s7 =	smul.u32 @!p0 $0xF7A, s2;
	p2 =	seq.s32 @!p0 s5, $0x0  }
0x1f: {  	s9 =	smul.u32 $0xF7A, s1;
	s8 =	simm.s32 @!p0 $0x1BF5;
	p2 =	por !p2, p0  }
0x20: {  	[sflag:s8] =	ssyncset.s32 @!p0 $0xFFFFF086;
	s6 =	sadd.s32 @!p0 s3, s7;
	s7 =	simm.s32 @!p0 $0x108  }
0x21: {  	s3 =	sadd.s32 s3, s9;
	s6 =	sadd.s32 @!p0 $0x88, s6;
	s7 =	simm.s32 @p2 $0x1082  }
0x22: {  	[simem:s7], [sflag:s8] =	dma.local @!p0 [hbm:s6], $0xF7A  }
0x23: {  	s9 =	sor.u32 $0xD0000000, s2;
	s6 =	simm.s32 $0x108;
	_ =	swait.ge @!p0 [sflag:s8], $0x0  }
0x24: {  	s3 =	sadd.s32 $0x88, s3;
	s6 =	simm.s32 @!p1 $0x1082;
	[sflag:s4] =	ssyncset.s32 $0xFFFFF086  }
0x25: {  	[simem:s6], [sflag:s4] =	dma.local [hbm:s3], $0xF7A  }
0x26: {  	[smem:$0x3F94] =	sst s1;
	(tag) =	ssettag s2;
	_ =	strace s9  }
0x27: {  	s1 =	sld [smem:$0x3FA4]  }
0x28: {  	s2 =	sld [smem:$0x3FA5]  }
0x29: {  	s4 =	sld [smem:$0x3FA7]  }
0x2a: {  	p0 =	seq.s32 s5, $0x0;
	s5 =	sld [smem:$0x3FA8]  }
0x2b: {  	s6 =	sld [smem:$0x3FA9]  }
0x2c: {  	s7 =	sld [smem:$0x3FAA]  }
0x2d: {  	s3 =	simm.s32 $0x108;
	s8 =	sld [smem:$0x3FAB]  }
0x2e: {  	s3 =	simm.s32 @!p0 $0x1082;
	s9 =	sld [smem:$0x3FAC]  }
0x2f: {  	lr =	sadd.s32 s0, s3;
	s0 =	sld [smem:$0x3FA3]  }
0x30: {  	s3 =	sld [smem:$0x3FA6]  }
0x31: {  	[smem:$0x3FAF] =	sst s10  }
0x32: {  	s10 =	sld [smem:$0x3FAD];
	_ =	sdelay $0x3  }
0x33: {  	p0 =	seq.s32 s10, $0x1;
	s10 =	sld [smem:$0x3FAF];
	_ =	sdelay $0x3  }
0x34: {  	[smem:$0x3FAF] =	sst s10  }
0x35: {  	s10 =	sld [smem:$0x3FAE];
	_ =	sdelay $0x3  }
0x36: {  	p1 =	seq.s32 s10, $0x1;
	s10 =	sld [smem:$0x3FAF];
	_ =	sdelay $0x3  }
0x37: {  	[smem:$0x3FAF] =	sst s10  }
0x38: {  	s10 =	sld [smem:$0x3FB0]  }
0x39: {  	_ = 	snop;
	(pc) =	sbr.ind lr, $3  }
0x3a: {  	_ = 	snop  }
0x3b: {  	_ = 	snop  }
0x3c: {  	p2 =	seq.s32 s10, $0x1;
	s10 =	sld [smem:$0x3FAF]  }
0x3d: {  	_ =	shalt  }
0x3e: {  	_ =	shalt  }
0x3f: {  	_ =	shalt  }
0x40: {  	_ =	shalt  }
0x41: {  	_ =	shalt  }
0x42: {  	_ =	shalt  }
0x43: {  	_ =	shalt  }
0x44: {  	_ =	shalt  }
0x45: {  	_ =	shalt  }
0x46: {  	_ =	shalt  }
0x47: {  	_ =	shalt  }
0x48: {  	_ =	shalt  }
0x49: {  	_ =	shalt  }
0x4a: {  	_ =	shalt  }
0x4b: {  	_ =	shalt  }
0x4c: {  	_ =	shalt  }
0x4d: {  	_ =	shalt  }
0x4e: {  	_ =	shalt  }
0x4f: {  	_ =	shalt  }
0x50: {  	_ =	shalt  }
0x51: {  	_ =	shalt  }
0x52: {  	_ =	shalt  }
0x53: {  	_ =	shalt  }
0x54: {  	_ =	shalt  }
0x55: {  	_ =	shalt  }
0x56: {  	_ =	shalt  }
0x57: {  	_ =	shalt  }
0x58: {  	_ =	shalt  }
0x59: {  	_ =	shalt  }
0x5a: {  	_ =	shalt  }
0x5b: {  	_ =	shalt  }
0x5c: {  	_ =	shalt  }
0x5d: {  	_ =	shalt  }
0x5e: {  	_ =	shalt  }
0x5f: {  	_ =	shalt  }
0x60: {  	_ =	shalt  }
0x61: {  	_ =	shalt  }
0x62: {  	_ =	shalt  }
0x63: {  	_ =	shalt  }
0x64: {  	_ =	shalt  }
0x65: {  	_ =	shalt  }
0x66: {  	_ =	shalt  }
0x67: {  	_ =	shalt  }
0x68: {  	_ =	shalt  }
0x69: {  	_ =	shalt  }
0x6a: {  	_ =	shalt  }
0x6b: {  	_ =	shalt  }
0x6c: {  	_ =	shalt  }
0x6d: {  	_ =	shalt  }
0x6e: {  	_ =	shalt  }
0x6f: {  	_ =	shalt  }
0x70: {  	_ =	shalt  }
0x71: {  	_ =	shalt  }
0x72: {  	_ =	shalt  }
0x73: {  	_ =	shalt  }
0x74: {  	_ =	shalt  }
0x75: {  	_ =	shalt  }
0x76: {  	_ =	shalt  }
0x77: {  	_ =	shalt  }
0x78: {  	_ =	shalt  }
0x79: {  	_ =	shalt  }
0x7a: {  	_ =	shalt  }
0x7b: {  	_ =	shalt  }
0x7c: {  	_ =	shalt  }
0x7d: {  	_ =	shalt  }
0x7e: {  	_ =	shalt  }
0x7f: {  	_ =	shalt  }
0x80: {  	_ =	shalt  }
0x81: {  	_ =	shalt  }
0x82: {  	_ =	shalt  }
0x83: {  	_ =	shalt  }
0x84: {  	_ =	shalt  }
0x85: {  	_ =	shalt  }
0x86: {  	_ =	shalt  }
0x87: {  	_ =	shalt  }
.Lfunc_end0:
.L_simem_size_0:
called_computation.1_lowered:
.L_overlay_start_0:
0x88: {  	s2 =	sld [smem:$0x3FD9]  }
0x89: {  	s3 =	sld [smem:$0x3FFE];
	_ =	sdelay $0x1  }
0x8a: {  	s1 =	srdreg.scid  }
0x8b: {  	s0 =	sand.u32 $0x1, s1  }
0x8c: {  	s17 =	sshll.u32 s0, $0xA;
	s2 =	sadd.s32 s3, s2  }
0x8d: {  	s2 =	sadd.s32 s2, s17  }
0x8e: {  	[smem:$0x3FBB] =	sst s2  }
0x8f: {  	_ = 	snop  }
0x90: {  	s2 =	sld [smem:$0x3FD0];
	(tm) =	ssettm $0x1  }
0x91: {  	s18 =	sld [smem:$0x3FFB];
	_ =	sdelay $0x3  }
0x92: {  	_ =	strace s18  }
0x93: {  	s3 =	sld [smem:$0x3FFC];
	_ =	sdelay $0x3  }
0x94: {  	_ =	strace s3  }
0x95: {  	s3 =	sld [smem:$0x3FFD];
	_ =	sdelay $0x3  }
0x96: {  	_ =	strace s3  }
0x97: {  	_ =	strace $0x8FFFFFFF  }
0x98: {  	s19 =	sld [smem:$0x3FDB];
	_ =	sdelay $0x1  }
0x99: {  	s4 =	simm.s32 $_scs_section_size  }
0x9a: {  	s5 =	simm.s32 $_size__tile_overlayer_lowered;
	s6 =	simm.s32 $_tile_overlayer_lowered  }
0x9b: {  	s22 =	simm.s32 $0x1BFF;
	s21 =	sshll.u32 s6, $0x1;
	s3 =	sadd.s32 s4, s19  }
0x9c: {  	s7 =	simm.s32 $0x0;
	s20 =	sshll.u32 s5, $0x1;
	s5 =	sadd.s32 s21, s3  }
0x9d: {  	[timem:s7], [sflag:s22] =	dma.local [hbm:s5], s20  }
0x9e: {  	_ =	swait.ge [sflag:s22], s20  }
0x9f: {  	s4 =	ssub.s32 $0x0, s20;
	[sflag:s22] =	ssyncset.done $0x0  }
0xa0: {  	[sflag:s22] =	ssyncadd.s32 s4;
	_ =	sdelay $0x1  }
0xa1: {  	s23 =	simm.s32 $0x1B8B  }
0xa2: {  	_ =	swait.ge [sflag:s23], $0x1  }
0xa3: {  	[sflag:s23] =	ssyncset.done $0x0  }
0xa4: {  	s25 =	simm.s32 $0x1B8E;
	s24 =	sld [smem:$0x3FFE];
	[sflag:s23] =	ssyncadd.s32 $0xFFFFFFFF  }
0xa5: {  	s26 =	simm.s32 $execute0_lowered;
	[smem:$0x3FD2] =	sst s25  }
0xa6: {  	s5 =	sshll.u32 s26, $0x1;
	_ =	strace $0x80000049;
	[dreg:$0x1] =	wrdreg $0xFFFFFFFF  }
0xa7: {  	s28 =	simm.s32 $_size_execute0_lowered;
	s3 =	sadd.s32 s3, s5;
	[dreg:$0x0] =	wrdreg $0x0  }
0xa8: {  	s5 =	sshll.u32 s28, $0x1;
	[dreg:$0x2] =	wrdreg s3  }
0xa9: {  	[dreg:$0x3] =	wrdreg s5  }
0xaa: {  	[dreg:$0x4] =	wrdreg $0xC0  }
0xab: {  	_ =	task [dreg:s7], $0x5FFFF  }
0xac: {  	[dreg:$0x1] =	wrdreg $0xFFFFFFFF  }
0xad: {  	[dreg:$0x0] =	wrdreg $0x60  }
0xae: {  	[dreg:$0x2] =	wrdreg s2  }
0xaf: {  	[dreg:$0x3] =	wrdreg s24  }
0xb0: {  	[dreg:$0x4] =	wrdreg $0x14A000  }
0xb1: {  	[dreg:$0x5] =	wrdreg $0x9  }
0xb2: {  	_ =	task.clear_ibuf [dreg:s7], $0x6FFFF;
	_ =	strace $0x90000049  }
0xb3: {  	s29 =	simm.s32 $0x9;
	_ =	strace $0x8000004B  }
0xb4: {  	_ =	swait.ge [sflag:s29], $0x1  }
0xb5: {  	[sflag:s29] =	ssyncadd.s32 $0xFFFFFFFF  }
0xb6: {  	_ =	strace $0x9000004B  }
0xb7: {  	_ =	sfence  }
0xb8: {  	s30 =	sld [smem:$0x0];
	_ =	sdelay $0x2  }
0xb9: {  	s31 =	sshll.u32 s1, $0xD;
	s1 =	sshrl.u32 s1, $0x2  }
0xba: {  	s3 =	sand.u32 $0x4000, s31;
	s1 =	sadd.s32 s1, s30  }
0xbb: {  	s0 =	sor.u32 s3, s0;
	s1 =	sshll.u32 s1, $0x11  }
0xbc: {  	s0 =	sor.u32 s1, s0  }
0xbd: {  	s0 =	sadd.s32 $0x8F2B, s0  }
0xbe: {  	[sflag:s0] =	ssyncadd.remote.s32 $0x1  }
0xbf: {  	_ =	sfence.sel $0xFFFF  }
0xc0: {  	[dreg:$0x0] =	wrdreg $0xFFFFFFFF;
	(pc) =	sbr.abs _section_cstart, $3  }
0xc1: {  	[dreg:$0x1] =	wrdreg $0xFFFFFFFF  }
0xc2: {  	_ =	task.clear_ibuf [dreg:s7], $0x2FFFF;
	_ =	strace $0x9FFFFFFF  }
0xc3: {  	(tm) =	ssettm $0x7FFFFFFF  }
tec
execute0_lowered:
.L_overlay_start_1:
0x0: {  	(tag) =	ssettag $0x1  }
0x1: {  	s2 =	rddreg [dreg:$0x0]  }
0x2: {  	s1 =	srdreg.scid;
	s6 =	rddreg [dreg:$0x1]  }
0x3: {  	s0 =	stileid.u32;
	s3 =	rddreg [dreg:$0x2]  }
0x4: {  	s4 =	simm.s32 $0x0;
	s14 =	simm.s32 $0x7D;
	s15 =	simm.s32 $0x5000  }
0x5: {  	s16 =	simm.s32 $0x6F40;
	s17 =	simm.s32 $0x8E80;
	s18 =	simm.s32 $0xADC0  }
0x6: {  	s19 =	simm.s32 $0xCD00;
	s20 =	simm.s32 $0xEC40;
	s21 =	simm.s32 $0x10B80  }
0x7: {  	s22 =	simm.s32 $0x12AC0;
	s23 =	simm.s32 $0x1;
	s24 =	simm.s32 $0x2  }
0x8: {  	s25 =	simm.s32 $0x0;
	s5 =	sand.u32 $0x1, s1;
	s26 =	sshll.u32 s0, $0x1  }
0x9: {  	s8 =	smul.u32 $0xA000, s0;
	[smem:$0x7FF] =	sst s4;
	s31 =	sshll.u32 s0, $0x6  }
0xa: {  	s1 =	sor.u32 s5, s26;
	s9 =	smul.u32 $0xA0000, s5;
	s5 =	ssub.s32 $0x2, s5  }
0xb: {  	s7 =	smul.u32 $0x500, s1;
	s1 =	rddreg [dreg:$0x3];
	_ =	strace $0x8000004A  }
0xc: {  	s29 =	sshrl.u32 s8, $0x3;
	s30 =	sshrl.u32 s5, $0x1;
	s13 =	sadd.s32 s8, s3  }
0xd: {  	s28 =	sadd.s32 s8, s9;
	s9 =	sadd.s32 s29, s6;
	s12 =	ssub.s32 s5, s30  }
0xe: {  	s10 =	sadd.s32 s7, s6;
	s7 =	sshrl.u32 s28, $0x3;
	s5 =	sadd.s32 $0x1B000, s9  }
0xf: {  	s11 =	sadd.s32 s7, s6;
	s6 =	sor.u32 $0x1C03, s31;
	s7 =	sadd.s32 $0x11000, s10  }
0x10: {  	s8 =	sadd.s32 $0x1E00, s10;
	s10 =	smax.u32 s12, $0x1;
	s12 =	simm.s32 $0x3  }
0x11: {  	s9 =	sadd.s32 $0x2F000, s11;
	s11 =	sshrl.u32 s13, $0x3;
	s13 =	simm.s32 $0x2800  }
.LBB2_1:
0x12: {  	[spmem:s11], [sflag:s6] =	dma.local [hbm:s5], $0x1400  }
0x13: {  	_ =	swait.ge [sflag:s12], $0x1400  }
0x14: {  	[sflag:s12] =	ssyncset.done $0x0  }
0x15: {  	[sflag:s12] =	ssyncadd.s32 $0xFFFFEC00  }
0x16: {  	[tilespmem:s4], [sflag:$0x3] =	stream.linear.gather [hbm4b:s7+s4], $0x2800, $0x38;
	[tilespmem:$0x1EA00] =	vst v63  }
0x17: {  	_ =	swait.ge [sflag:s12], $0x2800  }
0x18: {  	[sflag:s12] =	ssyncset.done $0x0  }
0x19: {  	[sflag:s12] =	ssyncadd.s32 $0xFFFFD800  }
0x1a: {  	[tilespmem:s13], [sflag:$0x3] =	stream.linear.gather [hbm4b:s8+s4], $0x2800, $0x38;
	[tilespmem:$0x1EA00] =	vst v63  }
0x1b: {  	_ =	swait.ge [sflag:s12], $0x2800  }
0x1c: {  	[sflag:s12] =	ssyncset.done $0x0  }
0x1d: {  	[sflag:s12] =	ssyncadd.s32 $0xFFFFD800  }
0x1e: {  	s26 =	simm.s32 $0x0;
	[bflag:$0x0] =	sbarrier.arrive $0xFFFF  }
0x1f: {  	[tilespmem:s15], [sflag:$0x1] =	stream.indirect.gather [hbm4b:s2+s14], $0x40, s26, s14, $0xb8;
	[tilespmem:$0x1EA00] =	vst v63  }
0x20: {  	s28 =	simm.s32 $0x80  }
0x21: {  	[tilespmem:s16], [sflag:$0x1] =	stream.indirect.gather [hbm4b:s2+s14], $0x40, s28, s14, $0xb8;
	[tilespmem:$0x1EA00] =	vst v63  }
0x22: {  	s29 =	simm.s32 $0x100  }
0x23: {  	[tilespmem:s17], [sflag:$0x1] =	stream.indirect.gather [hbm4b:s2+s14], $0x40, s29, s14, $0xb8;
	[tilespmem:$0x1EA00] =	vst v63  }
0x24: {  	s31 =	simm.s32 $0x180  }
0x25: {  	[tilespmem:s18], [sflag:$0x1] =	stream.indirect.gather [hbm4b:s2+s14], $0x40, s31, s14, $0xb8;
	[tilespmem:$0x1EA00] =	vst v63  }
0x26: {  	s28 =	simm.s32 $0x200  }
0x27: {  	[tilespmem:s19], [sflag:$0x1] =	stream.indirect.gather [hbm4b:s2+s14], $0x40, s28, s14, $0xb8;
	[tilespmem:$0x1EA00] =	vst v63  }
0x28: {  	s29 =	simm.s32 $0x280  }
0x29: {  	[tilespmem:s20], [sflag:$0x1] =	stream.indirect.gather [hbm4b:s2+s14], $0x40, s29, s14, $0xb8;
	[tilespmem:$0x1EA00] =	vst v63  }
0x2a: {  	s31 =	simm.s32 $0x300  }
0x2b: {  	[tilespmem:s21], [sflag:$0x1] =	stream.indirect.gather [hbm4b:s2+s14], $0x40, s31, s14, $0xb8;
	[tilespmem:$0x1EA00] =	vst v63  }
0x2c: {  	s28 =	simm.s32 $0x380  }
0x2d: {  	[tilespmem:s22], [sflag:$0x1] =	stream.indirect.gather [hbm4b:s2+s14], $0x40, s28, s14, $0xb8;
	[tilespmem:$0x1EA00] =	vst v63  }
0x2e: {  	_ =	swait.ge [sflag:s23], $0x1F40  }
0x2f: {  	[sflag:s23] =	ssyncset.done $0x0  }
0x30: {  	[sflag:s23] =	ssyncadd.s32 $0xFFFFE0C0  }
0x31: {  	_ =	swait.ge [sflag:s23], $0x1F40  }
0x32: {  	[sflag:s23] =	ssyncset.done $0x0  }
0x33: {  	[sflag:s23] =	ssyncadd.s32 $0xFFFFE0C0  }
0x34: {  	_ =	swait.ge [sflag:s23], $0x1F40  }
0x35: {  	[sflag:s23] =	ssyncset.done $0x0  }
0x36: {  	[sflag:s23] =	ssyncadd.s32 $0xFFFFE0C0  }
0x37: {  	_ =	swait.ge [sflag:s23], $0x1F40  }
0x38: {  	[sflag:s23] =	ssyncset.done $0x0  }
0x39: {  	[sflag:s23] =	ssyncadd.s32 $0xFFFFE0C0  }
0x3a: {  	_ =	swait.ge [sflag:s23], $0x1F40  }
0x3b: {  	[sflag:s23] =	ssyncset.done $0x0  }
0x3c: {  	[sflag:s23] =	ssyncadd.s32 $0xFFFFE0C0  }
0x3d: {  	_ =	swait.ge [sflag:s23], $0x1F40  }
0x3e: {  	[sflag:s23] =	ssyncset.done $0x0  }
0x3f: {  	[sflag:s23] =	ssyncadd.s32 $0xFFFFE0C0  }
0x40: {  	_ =	swait.ge [sflag:s23], $0x1F40  }
0x41: {  	[sflag:s23] =	ssyncset.done $0x0  }
0x42: {  	[sflag:s23] =	ssyncadd.s32 $0xFFFFE0C0  }
0x43: {  	_ =	swait.ge [sflag:s23], $0x1F40  }
0x44: {  	[sflag:s23] =	ssyncset.done $0x0  }
0x45: {  	s29 =	simm.s32 $0x2800;
	[sflag:s23] =	ssyncadd.s32 $0xFFFFE0C0  }
0x46: {  	[spmem:s3] =	stream.indirect.scatter.add.f32 [tilespmem:s15], [sflag:$0x2], $0x40, s29, s14, $0xb8;
	[tilespmem:$0x1EA00] =	vst v63  }
0x47: {  	s31 =	simm.s32 $0x2880  }
0x48: {  	[spmem:s3] =	stream.indirect.scatter.add.f32 [tilespmem:s16], [sflag:$0x2], $0x40, s31, s14, $0xb8;
	[tilespmem:$0x1EA00] =	vst v63  }
0x49: {  	s28 =	simm.s32 $0x2900  }
0x4a: {  	[spmem:s3] =	stream.indirect.scatter.add.f32 [tilespmem:s17], [sflag:$0x2], $0x40, s28, s14, $0xb8;
	[tilespmem:$0x1EA00] =	vst v63  }
0x4b: {  	s29 =	simm.s32 $0x2980  }
0x4c: {  	[spmem:s3] =	stream.indirect.scatter.add.f32 [tilespmem:s18], [sflag:$0x2], $0x40, s29, s14, $0xb8;
	[tilespmem:$0x1EA00] =	vst v63  }
0x4d: {  	s31 =	simm.s32 $0x2A00  }
0x4e: {  	[spmem:s3] =	stream.indirect.scatter.add.f32 [tilespmem:s19], [sflag:$0x2], $0x40, s31, s14, $0xb8;
	[tilespmem:$0x1EA00] =	vst v63  }
0x4f: {  	s28 =	simm.s32 $0x2A80  }
0x50: {  	[spmem:s3] =	stream.indirect.scatter.add.f32 [tilespmem:s20], [sflag:$0x2], $0x40, s28, s14, $0xb8;
	[tilespmem:$0x1EA00] =	vst v63  }
0x51: {  	s29 =	simm.s32 $0x2B00  }
0x52: {  	[spmem:s3] =	stream.indirect.scatter.add.f32 [tilespmem:s21], [sflag:$0x2], $0x40, s29, s14, $0xb8;
	[tilespmem:$0x1EA00] =	vst v63  }
0x53: {  	s31 =	simm.s32 $0x2B80  }
0x54: {  	[spmem:s3] =	stream.indirect.scatter.add.f32 [tilespmem:s22], [sflag:$0x2], $0x40, s31, s14, $0xb8;
	[tilespmem:$0x1EA00] =	vst v63  }
0x55: {  	_ =	swait.ge [sflag:s24], $0x1F40  }
0x56: {  	[sflag:s24] =	ssyncset.done $0x0  }
0x57: {  	[sflag:s24] =	ssyncadd.s32 $0xFFFFE0C0  }
0x58: {  	_ =	swait.ge [sflag:s24], $0x1F40  }
0x59: {  	[sflag:s24] =	ssyncset.done $0x0  }
0x5a: {  	[sflag:s24] =	ssyncadd.s32 $0xFFFFE0C0  }
0x5b: {  	_ =	swait.ge [sflag:s24], $0x1F40  }
0x5c: {  	[sflag:s24] =	ssyncset.done $0x0  }
0x5d: {  	[sflag:s24] =	ssyncadd.s32 $0xFFFFE0C0  }
0x5e: {  	_ =	swait.ge [sflag:s24], $0x1F40  }
0x5f: {  	[sflag:s24] =	ssyncset.done $0x0  }
0x60: {  	[sflag:s24] =	ssyncadd.s32 $0xFFFFE0C0  }
0x61: {  	_ =	swait.ge [sflag:s24], $0x1F40  }
0x62: {  	[sflag:s24] =	ssyncset.done $0x0  }
0x63: {  	[sflag:s24] =	ssyncadd.s32 $0xFFFFE0C0  }
0x64: {  	_ =	swait.ge [sflag:s24], $0x1F40  }
0x65: {  	[sflag:s24] =	ssyncset.done $0x0  }
0x66: {  	[sflag:s24] =	ssyncadd.s32 $0xFFFFE0C0  }
0x67: {  	_ =	swait.ge [sflag:s24], $0x1F40  }
0x68: {  	[sflag:s24] =	ssyncset.done $0x0  }
0x69: {  	[sflag:s24] =	ssyncadd.s32 $0xFFFFE0C0  }
0x6a: {  	_ =	swait.ge [sflag:s24], $0x1F40  }
0x6b: {  	s30 =	simm.s32 $0x2000;
	s26 =	simm.s32 $0x1000;
	[sflag:s24] =	ssyncset.done $0x0  }
.LBB2_2:
0x6c: {  	s29 =	sshra.s32 s26, $0x2  }
0x6d: {  	[sflag:s24] =	ssyncadd.s32 $0xFFFFE0C0;
	s26 =	smov.u32 s30;
	s28 =	sadd.s32 $0x1000, s30  }
0x6e: {  	[tilespmem:s15], [sflag:$0x1] =	stream.indirect.gather [hbm4b:s2+s14], $0x40, s29, s14, $0xb8;
	[tilespmem:$0x1EA00] =	vst v63  }
0x6f: {  	p0 =	sne.s32 s30, $0x9000;
	s30 =	sadd.s32 $0x80, s29  }
0x70: {  	[tilespmem:s16], [sflag:$0x1] =	stream.indirect.gather [hbm4b:s2+s14], $0x40, s30, s14, $0xb8;
	[tilespmem:$0x1EA00] =	vst v63  }
0x71: {  	s30 =	sadd.s32 $0x100, s29  }
0x72: {  	[tilespmem:s17], [sflag:$0x1] =	stream.indirect.gather [hbm4b:s2+s14], $0x40, s30, s14, $0xb8;
	[tilespmem:$0x1EA00] =	vst v63  }
0x73: {  	s30 =	sadd.s32 $0x180, s29  }
0x74: {  	[tilespmem:s18], [sflag:$0x1] =	stream.indirect.gather [hbm4b:s2+s14], $0x40, s30, s14, $0xb8;
	[tilespmem:$0x1EA00] =	vst v63  }
0x75: {  	s30 =	sadd.s32 $0x200, s29  }
0x76: {  	[tilespmem:s19], [sflag:$0x1] =	stream.indirect.gather [hbm4b:s2+s14], $0x40, s30, s14, $0xb8;
	[tilespmem:$0x1EA00] =	vst v63  }
0x77: {  	s30 =	sadd.s32 $0x280, s29  }
0x78: {  	[tilespmem:s20], [sflag:$0x1] =	stream.indirect.gather [hbm4b:s2+s14], $0x40, s30, s14, $0xb8;
	[tilespmem:$0x1EA00] =	vst v63  }
0x79: {  	s30 =	sadd.s32 $0x300, s29  }
0x7a: {  	[tilespmem:s21], [sflag:$0x1] =	stream.indirect.gather [hbm4b:s2+s14], $0x40, s30, s14, $0xb8;
	[tilespmem:$0x1EA00] =	vst v63  }
0x7b: {  	s30 =	sadd.s32 $0x380, s29  }
0x7c: {  	[tilespmem:s22], [sflag:$0x1] =	stream.indirect.gather [hbm4b:s2+s14], $0x40, s30, s14, $0xb8;
	[tilespmem:$0x1EA00] =	vst v63  }
0x7d: {  	_ =	swait.ge [sflag:s23], $0x1F40  }
0x7e: {  	[sflag:s23] =	ssyncset.done $0x0  }
0x7f: {  	[sflag:s23] =	ssyncadd.s32 $0xFFFFE0C0  }
0x80: {  	_ =	swait.ge [sflag:s23], $0x1F40  }
0x81: {  	[sflag:s23] =	ssyncset.done $0x0  }
0x82: {  	[sflag:s23] =	ssyncadd.s32 $0xFFFFE0C0  }
0x83: {  	_ =	swait.ge [sflag:s23], $0x1F40  }
0x84: {  	[sflag:s23] =	ssyncset.done $0x0  }
0x85: {  	[sflag:s23] =	ssyncadd.s32 $0xFFFFE0C0  }
0x86: {  	_ =	swait.ge [sflag:s23], $0x1F40  }
0x87: {  	[sflag:s23] =	ssyncset.done $0x0  }
0x88: {  	[sflag:s23] =	ssyncadd.s32 $0xFFFFE0C0  }
0x89: {  	_ =	swait.ge [sflag:s23], $0x1F40  }
0x8a: {  	[sflag:s23] =	ssyncset.done $0x0  }
0x8b: {  	[sflag:s23] =	ssyncadd.s32 $0xFFFFE0C0  }
0x8c: {  	_ =	swait.ge [sflag:s23], $0x1F40  }
0x8d: {  	[sflag:s23] =	ssyncset.done $0x0  }
0x8e: {  	[sflag:s23] =	ssyncadd.s32 $0xFFFFE0C0  }
0x8f: {  	_ =	swait.ge [sflag:s23], $0x1F40  }
0x90: {  	[sflag:s23] =	ssyncset.done $0x0  }
0x91: {  	[sflag:s23] =	ssyncadd.s32 $0xFFFFE0C0  }
0x92: {  	_ =	swait.ge [sflag:s23], $0x1F40  }
0x93: {  	[sflag:s23] =	ssyncset.done $0x0  }
0x94: {  	s30 =	sadd.s32 $0x2800, s29;
	[sflag:s23] =	ssyncadd.s32 $0xFFFFE0C0  }
0x95: {  	[spmem:s3] =	stream.indirect.scatter.add.f32 [tilespmem:s15], [sflag:$0x2], $0x40, s30, s14, $0xb8;
	[tilespmem:$0x1EA00] =	vst v63  }
0x96: {  	s30 =	sadd.s32 $0x2880, s29  }
0x97: {  	[spmem:s3] =	stream.indirect.scatter.add.f32 [tilespmem:s16], [sflag:$0x2], $0x40, s30, s14, $0xb8;
	[tilespmem:$0x1EA00] =	vst v63  }
0x98: {  	s30 =	sadd.s32 $0x2900, s29  }
0x99: {  	[spmem:s3] =	stream.indirect.scatter.add.f32 [tilespmem:s17], [sflag:$0x2], $0x40, s30, s14, $0xb8;
	[tilespmem:$0x1EA00] =	vst v63  }
0x9a: {  	s30 =	sadd.s32 $0x2980, s29  }
0x9b: {  	[spmem:s3] =	stream.indirect.scatter.add.f32 [tilespmem:s18], [sflag:$0x2], $0x40, s30, s14, $0xb8;
	[tilespmem:$0x1EA00] =	vst v63  }
0x9c: {  	s30 =	sadd.s32 $0x2A00, s29  }
0x9d: {  	[spmem:s3] =	stream.indirect.scatter.add.f32 [tilespmem:s19], [sflag:$0x2], $0x40, s30, s14, $0xb8;
	[tilespmem:$0x1EA00] =	vst v63  }
0x9e: {  	s30 =	sadd.s32 $0x2A80, s29  }
0x9f: {  	[spmem:s3] =	stream.indirect.scatter.add.f32 [tilespmem:s20], [sflag:$0x2], $0x40, s30, s14, $0xb8;
	[tilespmem:$0x1EA00] =	vst v63  }
0xa0: {  	s30 =	sadd.s32 $0x2B00, s29  }
0xa1: {  	[spmem:s3] =	stream.indirect.scatter.add.f32 [tilespmem:s21], [sflag:$0x2], $0x40, s30, s14, $0xb8;
	[tilespmem:$0x1EA00] =	vst v63  }
0xa2: {  	s29 =	sadd.s32 $0x2B80, s29  }
0xa3: {  	[spmem:s3] =	stream.indirect.scatter.add.f32 [tilespmem:s22], [sflag:$0x2], $0x40, s29, s14, $0xb8;
	[tilespmem:$0x1EA00] =	vst v63  }
0xa4: {  	_ =	swait.ge [sflag:s24], $0x1F40  }
0xa5: {  	[sflag:s24] =	ssyncset.done $0x0  }
0xa6: {  	[sflag:s24] =	ssyncadd.s32 $0xFFFFE0C0  }
0xa7: {  	_ =	swait.ge [sflag:s24], $0x1F40  }
0xa8: {  	[sflag:s24] =	ssyncset.done $0x0  }
0xa9: {  	[sflag:s24] =	ssyncadd.s32 $0xFFFFE0C0  }
0xaa: {  	_ =	swait.ge [sflag:s24], $0x1F40  }
0xab: {  	[sflag:s24] =	ssyncset.done $0x0  }
0xac: {  	[sflag:s24] =	ssyncadd.s32 $0xFFFFE0C0  }
0xad: {  	_ =	swait.ge [sflag:s24], $0x1F40  }
0xae: {  	[sflag:s24] =	ssyncset.done $0x0  }
0xaf: {  	[sflag:s24] =	ssyncadd.s32 $0xFFFFE0C0  }
0xb0: {  	_ =	swait.ge [sflag:s24], $0x1F40  }
0xb1: {  	[sflag:s24] =	ssyncset.done $0x0  }
0xb2: {  	[sflag:s24] =	ssyncadd.s32 $0xFFFFE0C0  }
0xb3: {  	_ =	swait.ge [sflag:s24], $0x1F40  }
0xb4: {  	[sflag:s24] =	ssyncset.done $0x0  }
0xb5: {  	[sflag:s24] =	ssyncadd.s32 $0xFFFFE0C0  }
.Ltmp0:
0xb6: {  	_ =	swait.ge [sflag:s24], $0x1F40;
	(pc) =	sbr.rel @p0 .LBB2_2-.Ltmp0, $4  }
0xb7: {  	[sflag:s24] =	ssyncset.done $0x0  }
0xb8: {  	[sflag:s24] =	ssyncadd.s32 $0xFFFFE0C0  }
0xb9: {  	_ =	swait.ge [sflag:s24], $0x1F40  }
0xba: {  	s30 =	smov.u32 s28;
	[sflag:s24] =	ssyncset.done $0x0  }
0xbb: {  	s26 =	sshra.s32 s26, $0x2;
	[sflag:s24] =	ssyncadd.s32 $0xFFFFE0C0  }
0xbc: {  	[tilespmem:s15], [sflag:$0x1] =	stream.indirect.gather [hbm4b:s2+s14], $0x40, s26, s14, $0xb8;
	[tilespmem:$0x1EA00] =	vst v63  }
0xbd: {  	s28 =	sadd.s32 $0x80, s26  }
0xbe: {  	[tilespmem:s16], [sflag:$0x1] =	stream.indirect.gather [hbm4b:s2+s14], $0x40, s28, s14, $0xb8;
	[tilespmem:$0x1EA00] =	vst v63  }
0xbf: {  	s31 =	sadd.s32 $0x100, s26  }
0xc0: {  	[tilespmem:s17], [sflag:$0x1] =	stream.indirect.gather [hbm4b:s2+s14], $0x40, s31, s14, $0xb8;
	[tilespmem:$0x1EA00] =	vst v63  }
0xc1: {  	s29 =	sadd.s32 $0x180, s26  }
0xc2: {  	[tilespmem:s18], [sflag:$0x1] =	stream.indirect.gather [hbm4b:s2+s14], $0x40, s29, s14, $0xb8;
	[tilespmem:$0x1EA00] =	vst v63  }
0xc3: {  	s30 =	sadd.s32 $0x200, s26  }
0xc4: {  	[tilespmem:s19], [sflag:$0x1] =	stream.indirect.gather [hbm4b:s2+s14], $0x40, s30, s14, $0xb8;
	[tilespmem:$0x1EA00] =	vst v63  }
0xc5: {  	s31 =	sadd.s32 $0x280, s26  }
0xc6: {  	[tilespmem:s20], [sflag:$0x1] =	stream.indirect.gather [hbm4b:s2+s14], $0x40, s31, s14, $0xb8;
	[tilespmem:$0x1EA00] =	vst v63  }
0xc7: {  	s29 =	sadd.s32 $0x300, s26  }
0xc8: {  	[tilespmem:s21], [sflag:$0x1] =	stream.indirect.gather [hbm4b:s2+s14], $0x40, s29, s14, $0xb8;
	[tilespmem:$0x1EA00] =	vst v63  }
0xc9: {  	s30 =	sadd.s32 $0x380, s26  }
0xca: {  	[tilespmem:s22], [sflag:$0x1] =	stream.indirect.gather [hbm4b:s2+s14], $0x40, s30, s14, $0xb8;
	[tilespmem:$0x1EA00] =	vst v63  }
0xcb: {  	_ =	swait.ge [sflag:s23], $0x1F40  }
0xcc: {  	[sflag:s23] =	ssyncset.done $0x0  }
0xcd: {  	[sflag:s23] =	ssyncadd.s32 $0xFFFFE0C0  }
0xce: {  	_ =	swait.ge [sflag:s23], $0x1F40  }
0xcf: {  	[sflag:s23] =	ssyncset.done $0x0  }
0xd0: {  	[sflag:s23] =	ssyncadd.s32 $0xFFFFE0C0  }
0xd1: {  	_ =	swait.ge [sflag:s23], $0x1F40  }
0xd2: {  	[sflag:s23] =	ssyncset.done $0x0  }
0xd3: {  	[sflag:s23] =	ssyncadd.s32 $0xFFFFE0C0  }
0xd4: {  	_ =	swait.ge [sflag:s23], $0x1F40  }
0xd5: {  	[sflag:s23] =	ssyncset.done $0x0  }
0xd6: {  	[sflag:s23] =	ssyncadd.s32 $0xFFFFE0C0  }
0xd7: {  	_ =	swait.ge [sflag:s23], $0x1F40  }
0xd8: {  	[sflag:s23] =	ssyncset.done $0x0  }
0xd9: {  	[sflag:s23] =	ssyncadd.s32 $0xFFFFE0C0  }
0xda: {  	_ =	swait.ge [sflag:s23], $0x1F40  }
0xdb: {  	[sflag:s23] =	ssyncset.done $0x0  }
0xdc: {  	[sflag:s23] =	ssyncadd.s32 $0xFFFFE0C0  }
0xdd: {  	_ =	swait.ge [sflag:s23], $0x1F40  }
0xde: {  	[sflag:s23] =	ssyncset.done $0x0  }
0xdf: {  	[sflag:s23] =	ssyncadd.s32 $0xFFFFE0C0  }
0xe0: {  	_ =	swait.ge [sflag:s23], $0x1F40  }
0xe1: {  	[sflag:s23] =	ssyncset.done $0x0  }
0xe2: {  	s31 =	sadd.s32 $0x2800, s26;
	[sflag:s23] =	ssyncadd.s32 $0xFFFFE0C0  }
0xe3: {  	[spmem:s3] =	stream.indirect.scatter.add.f32 [tilespmem:s15], [sflag:$0x2], $0x40, s31, s14, $0xb8;
	[tilespmem:$0x1EA00] =	vst v63  }
0xe4: {  	s29 =	sadd.s32 $0x2880, s26  }
0xe5: {  	[spmem:s3] =	stream.indirect.scatter.add.f32 [tilespmem:s16], [sflag:$0x2], $0x40, s29, s14, $0xb8;
	[tilespmem:$0x1EA00] =	vst v63  }
0xe6: {  	s30 =	sadd.s32 $0x2900, s26  }
0xe7: {  	[spmem:s3] =	stream.indirect.scatter.add.f32 [tilespmem:s17], [sflag:$0x2], $0x40, s30, s14, $0xb8;
	[tilespmem:$0x1EA00] =	vst v63  }
0xe8: {  	s31 =	sadd.s32 $0x2980, s26  }
0xe9: {  	[spmem:s3] =	stream.indirect.scatter.add.f32 [tilespmem:s18], [sflag:$0x2], $0x40, s31, s14, $0xb8;
	[tilespmem:$0x1EA00] =	vst v63  }
0xea: {  	s29 =	sadd.s32 $0x2A00, s26  }
0xeb: {  	[spmem:s3] =	stream.indirect.scatter.add.f32 [tilespmem:s19], [sflag:$0x2], $0x40, s29, s14, $0xb8;
	[tilespmem:$0x1EA00] =	vst v63  }
0xec: {  	s30 =	sadd.s32 $0x2A80, s26  }
0xed: {  	[spmem:s3] =	stream.indirect.scatter.add.f32 [tilespmem:s20], [sflag:$0x2], $0x40, s30, s14, $0xb8;
	[tilespmem:$0x1EA00] =	vst v63  }
0xee: {  	s31 =	sadd.s32 $0x2B00, s26  }
0xef: {  	[spmem:s3] =	stream.indirect.scatter.add.f32 [tilespmem:s21], [sflag:$0x2], $0x40, s31, s14, $0xb8;
	[tilespmem:$0x1EA00] =	vst v63  }
0xf0: {  	s26 =	sadd.s32 $0x2B80, s26  }
0xf1: {  	[spmem:s3] =	stream.indirect.scatter.add.f32 [tilespmem:s22], [sflag:$0x2], $0x40, s26, s14, $0xb8;
	[tilespmem:$0x1EA00] =	vst v63  }
0xf2: {  	_ =	swait.ge [sflag:s24], $0x1F40  }
0xf3: {  	[sflag:s24] =	ssyncset.done $0x0  }
0xf4: {  	[sflag:s24] =	ssyncadd.s32 $0xFFFFE0C0  }
0xf5: {  	_ =	swait.ge [sflag:s24], $0x1F40  }
0xf6: {  	[sflag:s24] =	ssyncset.done $0x0  }
0xf7: {  	[sflag:s24] =	ssyncadd.s32 $0xFFFFE0C0  }
0xf8: {  	_ =	swait.ge [sflag:s24], $0x1F40  }
0xf9: {  	[sflag:s24] =	ssyncset.done $0x0  }
0xfa: {  	[sflag:s24] =	ssyncadd.s32 $0xFFFFE0C0  }
0xfb: {  	_ =	swait.ge [sflag:s24], $0x1F40  }
0xfc: {  	[sflag:s24] =	ssyncset.done $0x0  }
0xfd: {  	[sflag:s24] =	ssyncadd.s32 $0xFFFFE0C0  }
0xfe: {  	_ =	swait.ge [sflag:s24], $0x1F40  }
0xff: {  	[sflag:s24] =	ssyncset.done $0x0  }
0x100: {  	[sflag:s24] =	ssyncadd.s32 $0xFFFFE0C0  }
0x101: {  	_ =	swait.ge [sflag:s24], $0x1F40  }
0x102: {  	[sflag:s24] =	ssyncset.done $0x0  }
0x103: {  	[sflag:s24] =	ssyncadd.s32 $0xFFFFE0C0  }
0x104: {  	_ =	swait.ge [sflag:s24], $0x1F40  }
0x105: {  	[sflag:s24] =	ssyncset.done $0x0  }
0x106: {  	[sflag:s24] =	ssyncadd.s32 $0xFFFFE0C0  }
0x107: {  	_ =	swait.ge [sflag:s24], $0x1F40  }
0x108: {  	s25 =	sadd.s32 $0x1, s25;
	[sflag:s24] =	ssyncset.done $0x0  }
0x109: {  	p0 =	sne.s32 s25, s10;
	[sflag:s24] =	ssyncadd.s32 $0xFFFFE0C0  }
.Ltmp1:
0x10a: {  	[bflag:$0x0] =	sbarrier.arrive $0xFFFF;
	(pc) =	sbr.rel @p0 .LBB2_1-.Ltmp1, $4  }
0x10b: {  	[hbm:s9], [sflag:s6] =	dma.local [spmem:s11], $0x1400  }
0x10c: {  	_ =	swait.ge [sflag:s12], $0x1400  }
0x10d: {  	[sflag:s12] =	ssyncset.done $0x0  }
0x10e: {  	[sflag:s12] =	ssyncadd.s32 $0xFFFFEC00  }
0x10f: {  	_ =	sfence.sel $0x180000  }
0x110: {  	[bflag:$0x0] =	sbarrier.arrive $0xFFFF  }
0x111: {  	p0 =	sne.s32 s0, $0x0;
	_ =	strace $0x9000004A  }
0x112: {  	s0 =	sadd.s32 @!p0 $0x100000, s1;
	[bflag:$0x2] =	sbarrier.arrive $0xFFFF  }
0x113: {  	[sflag:s0] =	ssyncadd.tile.s32 @!p0 $0x1;
	_ =	shalt  }
.Lfunc_end2:
_tile_overlayer_lowered:
.L_overlay_start_2:
0x114: {  	(tag) =	ssettag $0x2  }
0x115: {  	s0 =	rddreg [dreg:$0x0];
	s2 =	stileid.u32  }
0x116: {  	s1 =	rddreg [dreg:$0x1];
	p0 =	sne.s32 s2, $0x0  }
0x117: {  	s3 =	rddreg [dreg:$0x2];
	[bflag:$0x3] =	sbarrier.arrive $0xFFFF;
	s2 =	simm.s32 @!p0 $0x1C03  }
0x118: {  	[timem:s3], [sflag:s2] =	dma.local @!p0 [hbm:s0], s1  }
0x119: {  	s0 =	simm.s32 @!p0 $0x3  }
0x11a: {  	_ =	swait.ge @!p0 [sflag:s0], s1  }
0x11b: {  	s1 =	ssub.s32 @!p0 $0x0, s1;
	[sflag:s0] =	ssyncset.done @!p0 $0x0  }
0x11c: {  	[sflag:s0] =	ssyncadd.s32 @!p0 s1  }
0x11d: {  	[bflag:$0x3] =	sbarrier.arrive $0xFFFF  }
0x11e: {  	_ =	shalt  }

// kernel: kernel.14.cloned.1.call-start
scs
__scs_entry_jumppad:
0x0: {  	(pc) =	sbr.rel $0x88, $3  }
0x1: {  	(tag) =	ssettag $0x0;
	lr =	simm.s32 $0x1  }
0x2: {  	[smem:$0x3F94] =	sst lr;
	_ =	strace $0xD0000000  }
0x3: {  	_ = 	snop  }
0x4: {  	_ = 	snop  }
0x5: {  	_ = 	snop  }
0x6: {  	_ = 	snop  }
0x7: {  	_ = 	snop  }
__scs_overlays_trampoline_lowered:
0x8: {  	[smem:$0x3FA3] =	sst s0  }
0x9: {  	[smem:$0x3FA4] =	sst s1  }
0xa: {  	[smem:$0x3FA5] =	sst s2  }
0xb: {  	[smem:$0x3FA6] =	sst s3  }
0xc: {  	[smem:$0x3FA7] =	sst s4  }
0xd: {  	[smem:$0x3FA8] =	sst s5  }
0xe: {  	[smem:$0x3FA9] =	sst s6  }
0xf: {  	[smem:$0x3FAA] =	sst s7  }
0x10: {  	[smem:$0x3FAB] =	sst s8  }
0x11: {  	[smem:$0x3FAC] =	sst s9;
	s0 =	simm.s32 @!p0 $0x0  }
0x12: {  	s1 =	sld [smem:$0x3F92];
	s0 =	simm.s32 @p0 $0x1  }
0x13: {  	[smem:$0x3FAD] =	sst s0;
	s0 =	simm.s32 @!p1 $0x0  }
0x14: {  	s2 =	sld [smem:$0x3F91];
	s0 =	simm.s32 @p1 $0x1  }
0x15: {  	[smem:$0x3FAE] =	sst s0;
	s0 =	simm.s32 @!p2 $0x0  }
0x16: {  	s3 =	sld [smem:$0x3FDB];
	s0 =	simm.s32 @p2 $0x1  }
0x17: {  	s4 =	simm.s32 $0x1BF5;
	[smem:$0x3FB0] =	sst s0  }
0x18: {  	s0 =	sld [smem:$0x3F93];
	_ =	swait.ge [sflag:s4], $0x0  }
0x19: {  	s7 =	sld [smem:$0x3F94]  }
0x1a: {  	s8 =	sadd.s32 $0xFFFFE003, lr  }
0x1b: {  	s9 =	sadd.s32 $0xFFFFFEF7, lr;
	s5 =	simm.s32 $0xFFFFFFFF;
	p2 =	slt.u32 s8, $0xFFFFF086  }
0x1c: {  	p1 =	slt.u32 s9, $0xF7A;
	s5 =	simm.s32 @!p2 $0x0  }
0x1d: {  	s5 =	simm.s32 @p1 $0x1;
	p0 =	seq.s32 s7, s2  }
0x1e: {  	s7 =	smul.u32 @!p0 $0xF7A, s2;
	p2 =	seq.s32 @!p0 s5, $0x0  }
0x1f: {  	s9 =	smul.u32 $0xF7A, s1;
	s8 =	simm.s32 @!p0 $0x1BF5;
	p2 =	por !p2, p0  }
0x20: {  	[sflag:s8] =	ssyncset.s32 @!p0 $0xFFFFF086;
	s6 =	sadd.s32 @!p0 s3, s7;
	s7 =	simm.s32 @!p0 $0x108  }
0x21: {  	s3 =	sadd.s32 s3, s9;
	s6 =	sadd.s32 @!p0 $0x88, s6;
	s7 =	simm.s32 @p2 $0x1082  }
0x22: {  	[simem:s7], [sflag:s8] =	dma.local @!p0 [hbm:s6], $0xF7A  }
0x23: {  	s9 =	sor.u32 $0xD0000000, s2;
	s6 =	simm.s32 $0x108;
	_ =	swait.ge @!p0 [sflag:s8], $0x0  }
0x24: {  	s3 =	sadd.s32 $0x88, s3;
	s6 =	simm.s32 @!p1 $0x1082;
	[sflag:s4] =	ssyncset.s32 $0xFFFFF086  }
0x25: {  	[simem:s6], [sflag:s4] =	dma.local [hbm:s3], $0xF7A  }
0x26: {  	[smem:$0x3F94] =	sst s1;
	(tag) =	ssettag s2;
	_ =	strace s9  }
0x27: {  	s1 =	sld [smem:$0x3FA4]  }
0x28: {  	s2 =	sld [smem:$0x3FA5]  }
0x29: {  	s4 =	sld [smem:$0x3FA7]  }
0x2a: {  	p0 =	seq.s32 s5, $0x0;
	s5 =	sld [smem:$0x3FA8]  }
0x2b: {  	s6 =	sld [smem:$0x3FA9]  }
0x2c: {  	s7 =	sld [smem:$0x3FAA]  }
0x2d: {  	s3 =	simm.s32 $0x108;
	s8 =	sld [smem:$0x3FAB]  }
0x2e: {  	s3 =	simm.s32 @!p0 $0x1082;
	s9 =	sld [smem:$0x3FAC]  }
0x2f: {  	lr =	sadd.s32 s0, s3;
	s0 =	sld [smem:$0x3FA3]  }
0x30: {  	s3 =	sld [smem:$0x3FA6]  }
0x31: {  	[smem:$0x3FAF] =	sst s10  }
0x32: {  	s10 =	sld [smem:$0x3FAD];
	_ =	sdelay $0x3  }
0x33: {  	p0 =	seq.s32 s10, $0x1;
	s10 =	sld [smem:$0x3FAF];
	_ =	sdelay $0x3  }
0x34: {  	[smem:$0x3FAF] =	sst s10  }
0x35: {  	s10 =	sld [smem:$0x3FAE];
	_ =	sdelay $0x3  }
0x36: {  	p1 =	seq.s32 s10, $0x1;
	s10 =	sld [smem:$0x3FAF];
	_ =	sdelay $0x3  }
0x37: {  	[smem:$0x3FAF] =	sst s10  }
0x38: {  	s10 =	sld [smem:$0x3FB0]  }
0x39: {  	_ = 	snop;
	(pc) =	sbr.ind lr, $3  }
0x3a: {  	_ = 	snop  }
0x3b: {  	_ = 	snop  }
0x3c: {  	p2 =	seq.s32 s10, $0x1;
	s10 =	sld [smem:$0x3FAF]  }
0x3d: {  	_ =	shalt  }
0x3e: {  	_ =	shalt  }
0x3f: {  	_ =	shalt  }
0x40: {  	_ =	shalt  }
0x41: {  	_ =	shalt  }
0x42: {  	_ =	shalt  }
0x43: {  	_ =	shalt  }
0x44: {  	_ =	shalt  }
0x45: {  	_ =	shalt  }
0x46: {  	_ =	shalt  }
0x47: {  	_ =	shalt  }
0x48: {  	_ =	shalt  }
0x49: {  	_ =	shalt  }
0x4a: {  	_ =	shalt  }
0x4b: {  	_ =	shalt  }
0x4c: {  	_ =	shalt  }
0x4d: {  	_ =	shalt  }
0x4e: {  	_ =	shalt  }
0x4f: {  	_ =	shalt  }
0x50: {  	_ =	shalt  }
0x51: {  	_ =	shalt  }
0x52: {  	_ =	shalt  }
0x53: {  	_ =	shalt  }
0x54: {  	_ =	shalt  }
0x55: {  	_ =	shalt  }
0x56: {  	_ =	shalt  }
0x57: {  	_ =	shalt  }
0x58: {  	_ =	shalt  }
0x59: {  	_ =	shalt  }
0x5a: {  	_ =	shalt  }
0x5b: {  	_ =	shalt  }
0x5c: {  	_ =	shalt  }
0x5d: {  	_ =	shalt  }
0x5e: {  	_ =	shalt  }
0x5f: {  	_ =	shalt  }
0x60: {  	_ =	shalt  }
0x61: {  	_ =	shalt  }
0x62: {  	_ =	shalt  }
0x63: {  	_ =	shalt  }
0x64: {  	_ =	shalt  }
0x65: {  	_ =	shalt  }
0x66: {  	_ =	shalt  }
0x67: {  	_ =	shalt  }
0x68: {  	_ =	shalt  }
0x69: {  	_ =	shalt  }
0x6a: {  	_ =	shalt  }
0x6b: {  	_ =	shalt  }
0x6c: {  	_ =	shalt  }
0x6d: {  	_ =	shalt  }
0x6e: {  	_ =	shalt  }
0x6f: {  	_ =	shalt  }
0x70: {  	_ =	shalt  }
0x71: {  	_ =	shalt  }
0x72: {  	_ =	shalt  }
0x73: {  	_ =	shalt  }
0x74: {  	_ =	shalt  }
0x75: {  	_ =	shalt  }
0x76: {  	_ =	shalt  }
0x77: {  	_ =	shalt  }
0x78: {  	_ =	shalt  }
0x79: {  	_ =	shalt  }
0x7a: {  	_ =	shalt  }
0x7b: {  	_ =	shalt  }
0x7c: {  	_ =	shalt  }
0x7d: {  	_ =	shalt  }
0x7e: {  	_ =	shalt  }
0x7f: {  	_ =	shalt  }
0x80: {  	_ =	shalt  }
0x81: {  	_ =	shalt  }
0x82: {  	_ =	shalt  }
0x83: {  	_ =	shalt  }
0x84: {  	_ =	shalt  }
0x85: {  	_ =	shalt  }
0x86: {  	_ =	shalt  }
0x87: {  	_ =	shalt  }
.Lfunc_end0:
.L_simem_size_0:
called_computation.2_lowered:
.L_overlay_start_0:
0x88: {  	s2 =	sld [smem:$0x3FD9]  }
0x89: {  	s3 =	sld [smem:$0x3FFE];
	_ =	sdelay $0x1  }
0x8a: {  	s1 =	srdreg.scid  }
0x8b: {  	s0 =	sand.u32 $0x1, s1  }
0x8c: {  	s17 =	sshll.u32 s0, $0xA;
	s2 =	sadd.s32 s3, s2  }
0x8d: {  	s2 =	sadd.s32 s2, s17  }
0x8e: {  	[smem:$0x3FBB] =	sst s2  }
0x8f: {  	_ = 	snop  }
0x90: {  	s2 =	sld [smem:$0x3FD0];
	(tm) =	ssettm $0x1  }
0x91: {  	s18 =	sld [smem:$0x3FFB];
	_ =	sdelay $0x3  }
0x92: {  	_ =	strace s18  }
0x93: {  	s3 =	sld [smem:$0x3FFC];
	_ =	sdelay $0x3  }
0x94: {  	_ =	strace s3  }
0x95: {  	s3 =	sld [smem:$0x3FFD];
	_ =	sdelay $0x3  }
0x96: {  	_ =	strace s3  }
0x97: {  	_ =	strace $0x8FFFFFFF  }
0x98: {  	s19 =	sld [smem:$0x3FDB];
	_ =	sdelay $0x1  }
0x99: {  	s4 =	simm.s32 $_scs_section_size  }
0x9a: {  	s5 =	simm.s32 $_size__tile_overlayer_lowered;
	s6 =	simm.s32 $_tile_overlayer_lowered  }
0x9b: {  	s22 =	simm.s32 $0x1BFF;
	s21 =	sshll.u32 s6, $0x1;
	s3 =	sadd.s32 s4, s19  }
0x9c: {  	s7 =	simm.s32 $0x0;
	s20 =	sshll.u32 s5, $0x1;
	s5 =	sadd.s32 s21, s3  }
0x9d: {  	[timem:s7], [sflag:s22] =	dma.local [hbm:s5], s20  }
0x9e: {  	_ =	swait.ge [sflag:s22], s20  }
0x9f: {  	s4 =	ssub.s32 $0x0, s20;
	[sflag:s22] =	ssyncset.done $0x0  }
0xa0: {  	[sflag:s22] =	ssyncadd.s32 s4;
	_ =	sdelay $0x1  }
0xa1: {  	s23 =	simm.s32 $0x1B8B  }
0xa2: {  	_ =	swait.ge [sflag:s23], $0x1  }
0xa3: {  	[sflag:s23] =	ssyncset.done $0x0  }
0xa4: {  	s25 =	simm.s32 $0x1B8E;
	s24 =	sld [smem:$0x3FFE];
	[sflag:s23] =	ssyncadd.s32 $0xFFFFFFFF  }
0xa5: {  	s26 =	simm.s32 $execute0_lowered;
	[smem:$0x3FD2] =	sst s25  }
0xa6: {  	s5 =	sshll.u32 s26, $0x1;
	_ =	strace $0x8000004C;
	[dreg:$0x1] =	wrdreg $0xFFFFFFFF  }
0xa7: {  	s28 =	simm.s32 $_size_execute0_lowered;
	s3 =	sadd.s32 s3, s5;
	[dreg:$0x0] =	wrdreg $0x0  }
0xa8: {  	s5 =	sshll.u32 s28, $0x1;
	[dreg:$0x2] =	wrdreg s3  }
0xa9: {  	[dreg:$0x3] =	wrdreg s5  }
0xaa: {  	[dreg:$0x4] =	wrdreg $0xC0  }
0xab: {  	_ =	task [dreg:s7], $0x5FFFF  }
0xac: {  	[dreg:$0x1] =	wrdreg $0xFFFFFFFF  }
0xad: {  	[dreg:$0x0] =	wrdreg $0x60  }
0xae: {  	[dreg:$0x2] =	wrdreg s2  }
0xaf: {  	[dreg:$0x3] =	wrdreg s24  }
0xb0: {  	[dreg:$0x4] =	wrdreg $0x14A000  }
0xb1: {  	[dreg:$0x5] =	wrdreg $0x9  }
0xb2: {  	_ =	task.clear_ibuf [dreg:s7], $0x6FFFF;
	_ =	strace $0x9000004C  }
0xb3: {  	s29 =	simm.s32 $0x9;
	_ =	strace $0x8000004E  }
0xb4: {  	_ =	swait.ge [sflag:s29], $0x1  }
0xb5: {  	[sflag:s29] =	ssyncadd.s32 $0xFFFFFFFF  }
0xb6: {  	_ =	strace $0x9000004E  }
0xb7: {  	_ =	sfence  }
0xb8: {  	s30 =	sld [smem:$0x0];
	_ =	sdelay $0x2  }
0xb9: {  	s31 =	sshll.u32 s1, $0xD;
	s1 =	sshrl.u32 s1, $0x2  }
0xba: {  	s3 =	sand.u32 $0x4000, s31;
	s1 =	sadd.s32 s1, s30  }
0xbb: {  	s0 =	sor.u32 s3, s0;
	s1 =	sshll.u32 s1, $0x11  }
0xbc: {  	s0 =	sor.u32 s1, s0  }
0xbd: {  	s0 =	sadd.s32 $0x8F2B, s0  }
0xbe: {  	[sflag:s0] =	ssyncadd.remote.s32 $0x1  }
0xbf: {  	_ =	sfence.sel $0xFFFF  }
0xc0: {  	[dreg:$0x0] =	wrdreg $0xFFFFFFFF;
	(pc) =	sbr.abs _section_cstart, $3  }
0xc1: {  	[dreg:$0x1] =	wrdreg $0xFFFFFFFF  }
0xc2: {  	_ =	task.clear_ibuf [dreg:s7], $0x2FFFF;
	_ =	strace $0x9FFFFFFF  }
0xc3: {  	(tm) =	ssettm $0x7FFFFFFF  }
tec
execute0_lowered:
.L_overlay_start_1:
0x0: {  	(tag) =	ssettag $0x1  }
0x1: {  	s2 =	rddreg [dreg:$0x0]  }
0x2: {  	s1 =	srdreg.scid;
	s6 =	rddreg [dreg:$0x1]  }
0x3: {  	s0 =	stileid.u32;
	s3 =	rddreg [dreg:$0x2]  }
0x4: {  	s4 =	simm.s32 $0x0;
	s14 =	simm.s32 $0x7D;
	s15 =	simm.s32 $0x5000  }
0x5: {  	s16 =	simm.s32 $0x6F40;
	s17 =	simm.s32 $0x8E80;
	s18 =	simm.s32 $0xADC0  }
0x6: {  	s19 =	simm.s32 $0xCD00;
	s20 =	simm.s32 $0xEC40;
	s21 =	simm.s32 $0x10B80  }
0x7: {  	s22 =	simm.s32 $0x12AC0;
	s23 =	simm.s32 $0x1;
	s24 =	simm.s32 $0x2  }
0x8: {  	s25 =	simm.s32 $0x0;
	s5 =	sand.u32 $0x1, s1;
	s26 =	sshll.u32 s0, $0x1  }
0x9: {  	s8 =	smul.u32 $0xA000, s0;
	[smem:$0x7FF] =	sst s4;
	s31 =	sshll.u32 s0, $0x6  }
0xa: {  	s1 =	sor.u32 s5, s26;
	s9 =	smul.u32 $0xA0000, s5;
	s5 =	ssub.s32 $0x2, s5  }
0xb: {  	s7 =	smul.u32 $0x500, s1;
	s1 =	rddreg [dreg:$0x3];
	_ =	strace $0x8000004D  }
0xc: {  	s29 =	sshrl.u32 s8, $0x3;
	s30 =	sshrl.u32 s5, $0x1;
	s13 =	sadd.s32 s8, s3  }
0xd: {  	s28 =	sadd.s32 s8, s9;
	s9 =	sadd.s32 s29, s6;
	s12 =	ssub.s32 s5, s30  }
0xe: {  	s10 =	sadd.s32 s7, s6;
	s7 =	sshrl.u32 s28, $0x3;
	s5 =	sadd.s32 $0x1B000, s9  }
0xf: {  	s11 =	sadd.s32 s7, s6;
	s6 =	sor.u32 $0x1C03, s31;
	s7 =	sadd.s32 $0x11000, s10  }
0x10: {  	s8 =	sadd.s32 $0x1E00, s10;
	s10 =	smax.u32 s12, $0x1;
	s12 =	simm.s32 $0x3  }
0x11: {  	s9 =	sadd.s32 $0x2F000, s11;
	s11 =	sshrl.u32 s13, $0x3;
	s13 =	simm.s32 $0x2800  }
.LBB2_1:
0x12: {  	[spmem:s11], [sflag:s6] =	dma.local [hbm:s5], $0x1400  }
0x13: {  	_ =	swait.ge [sflag:s12], $0x1400  }
0x14: {  	[sflag:s12] =	ssyncset.done $0x0  }
0x15: {  	[sflag:s12] =	ssyncadd.s32 $0xFFFFEC00  }
0x16: {  	[tilespmem:s4], [sflag:$0x3] =	stream.linear.gather [hbm4b:s7+s4], $0x2800, $0x38;
	[tilespmem:$0x1EA00] =	vst v63  }
0x17: {  	_ =	swait.ge [sflag:s12], $0x2800  }
0x18: {  	[sflag:s12] =	ssyncset.done $0x0  }
0x19: {  	[sflag:s12] =	ssyncadd.s32 $0xFFFFD800  }
0x1a: {  	[tilespmem:s13], [sflag:$0x3] =	stream.linear.gather [hbm4b:s8+s4], $0x2800, $0x38;
	[tilespmem:$0x1EA00] =	vst v63  }
0x1b: {  	_ =	swait.ge [sflag:s12], $0x2800  }
0x1c: {  	[sflag:s12] =	ssyncset.done $0x0  }
0x1d: {  	[sflag:s12] =	ssyncadd.s32 $0xFFFFD800  }
0x1e: {  	s26 =	simm.s32 $0x0;
	[bflag:$0x0] =	sbarrier.arrive $0xFFFF  }
0x1f: {  	[tilespmem:s15], [sflag:$0x1] =	stream.indirect.gather [hbm4b:s2+s14], $0x40, s26, s14, $0xb8;
	[tilespmem:$0x1EA00] =	vst v63  }
0x20: {  	s28 =	simm.s32 $0x80  }
0x21: {  	[tilespmem:s16], [sflag:$0x1] =	stream.indirect.gather [hbm4b:s2+s14], $0x40, s28, s14, $0xb8;
	[tilespmem:$0x1EA00] =	vst v63  }
0x22: {  	s29 =	simm.s32 $0x100  }
0x23: {  	[tilespmem:s17], [sflag:$0x1] =	stream.indirect.gather [hbm4b:s2+s14], $0x40, s29, s14, $0xb8;
	[tilespmem:$0x1EA00] =	vst v63  }
0x24: {  	s31 =	simm.s32 $0x180  }
0x25: {  	[tilespmem:s18], [sflag:$0x1] =	stream.indirect.gather [hbm4b:s2+s14], $0x40, s31, s14, $0xb8;
	[tilespmem:$0x1EA00] =	vst v63  }
0x26: {  	s28 =	simm.s32 $0x200  }
0x27: {  	[tilespmem:s19], [sflag:$0x1] =	stream.indirect.gather [hbm4b:s2+s14], $0x40, s28, s14, $0xb8;
	[tilespmem:$0x1EA00] =	vst v63  }
0x28: {  	s29 =	simm.s32 $0x280  }
0x29: {  	[tilespmem:s20], [sflag:$0x1] =	stream.indirect.gather [hbm4b:s2+s14], $0x40, s29, s14, $0xb8;
	[tilespmem:$0x1EA00] =	vst v63  }
0x2a: {  	s31 =	simm.s32 $0x300  }
0x2b: {  	[tilespmem:s21], [sflag:$0x1] =	stream.indirect.gather [hbm4b:s2+s14], $0x40, s31, s14, $0xb8;
	[tilespmem:$0x1EA00] =	vst v63  }
0x2c: {  	s28 =	simm.s32 $0x380  }
0x2d: {  	[tilespmem:s22], [sflag:$0x1] =	stream.indirect.gather [hbm4b:s2+s14], $0x40, s28, s14, $0xb8;
	[tilespmem:$0x1EA00] =	vst v63  }
0x2e: {  	_ =	swait.ge [sflag:s23], $0x1F40  }
0x2f: {  	[sflag:s23] =	ssyncset.done $0x0  }
0x30: {  	[sflag:s23] =	ssyncadd.s32 $0xFFFFE0C0  }
0x31: {  	_ =	swait.ge [sflag:s23], $0x1F40  }
0x32: {  	[sflag:s23] =	ssyncset.done $0x0  }
0x33: {  	[sflag:s23] =	ssyncadd.s32 $0xFFFFE0C0  }
0x34: {  	_ =	swait.ge [sflag:s23], $0x1F40  }
0x35: {  	[sflag:s23] =	ssyncset.done $0x0  }
0x36: {  	[sflag:s23] =	ssyncadd.s32 $0xFFFFE0C0  }
0x37: {  	_ =	swait.ge [sflag:s23], $0x1F40  }
0x38: {  	[sflag:s23] =	ssyncset.done $0x0  }
0x39: {  	[sflag:s23] =	ssyncadd.s32 $0xFFFFE0C0  }
0x3a: {  	_ =	swait.ge [sflag:s23], $0x1F40  }
0x3b: {  	[sflag:s23] =	ssyncset.done $0x0  }
0x3c: {  	[sflag:s23] =	ssyncadd.s32 $0xFFFFE0C0  }
0x3d: {  	_ =	swait.ge [sflag:s23], $0x1F40  }
0x3e: {  	[sflag:s23] =	ssyncset.done $0x0  }
0x3f: {  	[sflag:s23] =	ssyncadd.s32 $0xFFFFE0C0  }
0x40: {  	_ =	swait.ge [sflag:s23], $0x1F40  }
0x41: {  	[sflag:s23] =	ssyncset.done $0x0  }
0x42: {  	[sflag:s23] =	ssyncadd.s32 $0xFFFFE0C0  }
0x43: {  	_ =	swait.ge [sflag:s23], $0x1F40  }
0x44: {  	[sflag:s23] =	ssyncset.done $0x0  }
0x45: {  	s29 =	simm.s32 $0x2800;
	[sflag:s23] =	ssyncadd.s32 $0xFFFFE0C0  }
0x46: {  	[spmem:s3] =	stream.indirect.scatter.add.f32 [tilespmem:s15], [sflag:$0x2], $0x40, s29, s14, $0xb8;
	[tilespmem:$0x1EA00] =	vst v63  }
0x47: {  	s31 =	simm.s32 $0x2880  }
0x48: {  	[spmem:s3] =	stream.indirect.scatter.add.f32 [tilespmem:s16], [sflag:$0x2], $0x40, s31, s14, $0xb8;
	[tilespmem:$0x1EA00] =	vst v63  }
0x49: {  	s28 =	simm.s32 $0x2900  }
0x4a: {  	[spmem:s3] =	stream.indirect.scatter.add.f32 [tilespmem:s17], [sflag:$0x2], $0x40, s28, s14, $0xb8;
	[tilespmem:$0x1EA00] =	vst v63  }
0x4b: {  	s29 =	simm.s32 $0x2980  }
0x4c: {  	[spmem:s3] =	stream.indirect.scatter.add.f32 [tilespmem:s18], [sflag:$0x2], $0x40, s29, s14, $0xb8;
	[tilespmem:$0x1EA00] =	vst v63  }
0x4d: {  	s31 =	simm.s32 $0x2A00  }
0x4e: {  	[spmem:s3] =	stream.indirect.scatter.add.f32 [tilespmem:s19], [sflag:$0x2], $0x40, s31, s14, $0xb8;
	[tilespmem:$0x1EA00] =	vst v63  }
0x4f: {  	s28 =	simm.s32 $0x2A80  }
0x50: {  	[spmem:s3] =	stream.indirect.scatter.add.f32 [tilespmem:s20], [sflag:$0x2], $0x40, s28, s14, $0xb8;
	[tilespmem:$0x1EA00] =	vst v63  }
0x51: {  	s29 =	simm.s32 $0x2B00  }
0x52: {  	[spmem:s3] =	stream.indirect.scatter.add.f32 [tilespmem:s21], [sflag:$0x2], $0x40, s29, s14, $0xb8;
	[tilespmem:$0x1EA00] =	vst v63  }
0x53: {  	s31 =	simm.s32 $0x2B80  }
0x54: {  	[spmem:s3] =	stream.indirect.scatter.add.f32 [tilespmem:s22], [sflag:$0x2], $0x40, s31, s14, $0xb8;
	[tilespmem:$0x1EA00] =	vst v63  }
0x55: {  	_ =	swait.ge [sflag:s24], $0x1F40  }
0x56: {  	[sflag:s24] =	ssyncset.done $0x0  }
0x57: {  	[sflag:s24] =	ssyncadd.s32 $0xFFFFE0C0  }
0x58: {  	_ =	swait.ge [sflag:s24], $0x1F40  }
0x59: {  	[sflag:s24] =	ssyncset.done $0x0  }
0x5a: {  	[sflag:s24] =	ssyncadd.s32 $0xFFFFE0C0  }
0x5b: {  	_ =	swait.ge [sflag:s24], $0x1F40  }
0x5c: {  	[sflag:s24] =	ssyncset.done $0x0  }
0x5d: {  	[sflag:s24] =	ssyncadd.s32 $0xFFFFE0C0  }
0x5e: {  	_ =	swait.ge [sflag:s24], $0x1F40  }
0x5f: {  	[sflag:s24] =	ssyncset.done $0x0  }
0x60: {  	[sflag:s24] =	ssyncadd.s32 $0xFFFFE0C0  }
0x61: {  	_ =	swait.ge [sflag:s24], $0x1F40  }
0x62: {  	[sflag:s24] =	ssyncset.done $0x0  }
0x63: {  	[sflag:s24] =	ssyncadd.s32 $0xFFFFE0C0  }
0x64: {  	_ =	swait.ge [sflag:s24], $0x1F40  }
0x65: {  	[sflag:s24] =	ssyncset.done $0x0  }
0x66: {  	[sflag:s24] =	ssyncadd.s32 $0xFFFFE0C0  }
0x67: {  	_ =	swait.ge [sflag:s24], $0x1F40  }
0x68: {  	[sflag:s24] =	ssyncset.done $0x0  }
0x69: {  	[sflag:s24] =	ssyncadd.s32 $0xFFFFE0C0  }
0x6a: {  	_ =	swait.ge [sflag:s24], $0x1F40  }
0x6b: {  	s30 =	simm.s32 $0x2000;
	s26 =	simm.s32 $0x1000;
	[sflag:s24] =	ssyncset.done $0x0  }
.LBB2_2:
0x6c: {  	s29 =	sshra.s32 s26, $0x2  }
0x6d: {  	[sflag:s24] =	ssyncadd.s32 $0xFFFFE0C0;
	s26 =	smov.u32 s30;
	s28 =	sadd.s32 $0x1000, s30  }
0x6e: {  	[tilespmem:s15], [sflag:$0x1] =	stream.indirect.gather [hbm4b:s2+s14], $0x40, s29, s14, $0xb8;
	[tilespmem:$0x1EA00] =	vst v63  }
0x6f: {  	p0 =	sne.s32 s30, $0x9000;
	s30 =	sadd.s32 $0x80, s29  }
0x70: {  	[tilespmem:s16], [sflag:$0x1] =	stream.indirect.gather [hbm4b:s2+s14], $0x40, s30, s14, $0xb8;
	[tilespmem:$0x1EA00] =	vst v63  }
0x71: {  	s30 =	sadd.s32 $0x100, s29  }
0x72: {  	[tilespmem:s17], [sflag:$0x1] =	stream.indirect.gather [hbm4b:s2+s14], $0x40, s30, s14, $0xb8;
	[tilespmem:$0x1EA00] =	vst v63  }
0x73: {  	s30 =	sadd.s32 $0x180, s29  }
0x74: {  	[tilespmem:s18], [sflag:$0x1] =	stream.indirect.gather [hbm4b:s2+s14], $0x40, s30, s14, $0xb8;
	[tilespmem:$0x1EA00] =	vst v63  }
0x75: {  	s30 =	sadd.s32 $0x200, s29  }
0x76: {  	[tilespmem:s19], [sflag:$0x1] =	stream.indirect.gather [hbm4b:s2+s14], $0x40, s30, s14, $0xb8;
	[tilespmem:$0x1EA00] =	vst v63  }
0x77: {  	s30 =	sadd.s32 $0x280, s29  }
0x78: {  	[tilespmem:s20], [sflag:$0x1] =	stream.indirect.gather [hbm4b:s2+s14], $0x40, s30, s14, $0xb8;
	[tilespmem:$0x1EA00] =	vst v63  }
0x79: {  	s30 =	sadd.s32 $0x300, s29  }
0x7a: {  	[tilespmem:s21], [sflag:$0x1] =	stream.indirect.gather [hbm4b:s2+s14], $0x40, s30, s14, $0xb8;
	[tilespmem:$0x1EA00] =	vst v63  }
0x7b: {  	s30 =	sadd.s32 $0x380, s29  }
0x7c: {  	[tilespmem:s22], [sflag:$0x1] =	stream.indirect.gather [hbm4b:s2+s14], $0x40, s30, s14, $0xb8;
	[tilespmem:$0x1EA00] =	vst v63  }
0x7d: {  	_ =	swait.ge [sflag:s23], $0x1F40  }
0x7e: {  	[sflag:s23] =	ssyncset.done $0x0  }
0x7f: {  	[sflag:s23] =	ssyncadd.s32 $0xFFFFE0C0  }
0x80: {  	_ =	swait.ge [sflag:s23], $0x1F40  }
0x81: {  	[sflag:s23] =	ssyncset.done $0x0  }
0x82: {  	[sflag:s23] =	ssyncadd.s32 $0xFFFFE0C0  }
0x83: {  	_ =	swait.ge [sflag:s23], $0x1F40  }
0x84: {  	[sflag:s23] =	ssyncset.done $0x0  }
0x85: {  	[sflag:s23] =	ssyncadd.s32 $0xFFFFE0C0  }
0x86: {  	_ =	swait.ge [sflag:s23], $0x1F40  }
0x87: {  	[sflag:s23] =	ssyncset.done $0x0  }
0x88: {  	[sflag:s23] =	ssyncadd.s32 $0xFFFFE0C0  }
0x89: {  	_ =	swait.ge [sflag:s23], $0x1F40  }
0x8a: {  	[sflag:s23] =	ssyncset.done $0x0  }
0x8b: {  	[sflag:s23] =	ssyncadd.s32 $0xFFFFE0C0  }
0x8c: {  	_ =	swait.ge [sflag:s23], $0x1F40  }
0x8d: {  	[sflag:s23] =	ssyncset.done $0x0  }
0x8e: {  	[sflag:s23] =	ssyncadd.s32 $0xFFFFE0C0  }
0x8f: {  	_ =	swait.ge [sflag:s23], $0x1F40  }
0x90: {  	[sflag:s23] =	ssyncset.done $0x0  }
0x91: {  	[sflag:s23] =	ssyncadd.s32 $0xFFFFE0C0  }
0x92: {  	_ =	swait.ge [sflag:s23], $0x1F40  }
0x93: {  	[sflag:s23] =	ssyncset.done $0x0  }
0x94: {  	s30 =	sadd.s32 $0x2800, s29;
	[sflag:s23] =	ssyncadd.s32 $0xFFFFE0C0  }
0x95: {  	[spmem:s3] =	stream.indirect.scatter.add.f32 [tilespmem:s15], [sflag:$0x2], $0x40, s30, s14, $0xb8;
	[tilespmem:$0x1EA00] =	vst v63  }
0x96: {  	s30 =	sadd.s32 $0x2880, s29  }
0x97: {  	[spmem:s3] =	stream.indirect.scatter.add.f32 [tilespmem:s16], [sflag:$0x2], $0x40, s30, s14, $0xb8;
	[tilespmem:$0x1EA00] =	vst v63  }
0x98: {  	s30 =	sadd.s32 $0x2900, s29  }
0x99: {  	[spmem:s3] =	stream.indirect.scatter.add.f32 [tilespmem:s17], [sflag:$0x2], $0x40, s30, s14, $0xb8;
	[tilespmem:$0x1EA00] =	vst v63  }
0x9a: {  	s30 =	sadd.s32 $0x2980, s29  }
0x9b: {  	[spmem:s3] =	stream.indirect.scatter.add.f32 [tilespmem:s18], [sflag:$0x2], $0x40, s30, s14, $0xb8;
	[tilespmem:$0x1EA00] =	vst v63  }
0x9c: {  	s30 =	sadd.s32 $0x2A00, s29  }
0x9d: {  	[spmem:s3] =	stream.indirect.scatter.add.f32 [tilespmem:s19], [sflag:$0x2], $0x40, s30, s14, $0xb8;
	[tilespmem:$0x1EA00] =	vst v63  }
0x9e: {  	s30 =	sadd.s32 $0x2A80, s29  }
0x9f: {  	[spmem:s3] =	stream.indirect.scatter.add.f32 [tilespmem:s20], [sflag:$0x2], $0x40, s30, s14, $0xb8;
	[tilespmem:$0x1EA00] =	vst v63  }
0xa0: {  	s30 =	sadd.s32 $0x2B00, s29  }
0xa1: {  	[spmem:s3] =	stream.indirect.scatter.add.f32 [tilespmem:s21], [sflag:$0x2], $0x40, s30, s14, $0xb8;
	[tilespmem:$0x1EA00] =	vst v63  }
0xa2: {  	s29 =	sadd.s32 $0x2B80, s29  }
0xa3: {  	[spmem:s3] =	stream.indirect.scatter.add.f32 [tilespmem:s22], [sflag:$0x2], $0x40, s29, s14, $0xb8;
	[tilespmem:$0x1EA00] =	vst v63  }
0xa4: {  	_ =	swait.ge [sflag:s24], $0x1F40  }
0xa5: {  	[sflag:s24] =	ssyncset.done $0x0  }
0xa6: {  	[sflag:s24] =	ssyncadd.s32 $0xFFFFE0C0  }
0xa7: {  	_ =	swait.ge [sflag:s24], $0x1F40  }
0xa8: {  	[sflag:s24] =	ssyncset.done $0x0  }
0xa9: {  	[sflag:s24] =	ssyncadd.s32 $0xFFFFE0C0  }
0xaa: {  	_ =	swait.ge [sflag:s24], $0x1F40  }
0xab: {  	[sflag:s24] =	ssyncset.done $0x0  }
0xac: {  	[sflag:s24] =	ssyncadd.s32 $0xFFFFE0C0  }
0xad: {  	_ =	swait.ge [sflag:s24], $0x1F40  }
0xae: {  	[sflag:s24] =	ssyncset.done $0x0  }
0xaf: {  	[sflag:s24] =	ssyncadd.s32 $0xFFFFE0C0  }
0xb0: {  	_ =	swait.ge [sflag:s24], $0x1F40  }
0xb1: {  	[sflag:s24] =	ssyncset.done $0x0  }
0xb2: {  	[sflag:s24] =	ssyncadd.s32 $0xFFFFE0C0  }
0xb3: {  	_ =	swait.ge [sflag:s24], $0x1F40  }
0xb4: {  	[sflag:s24] =	ssyncset.done $0x0  }
0xb5: {  	[sflag:s24] =	ssyncadd.s32 $0xFFFFE0C0  }
.Ltmp0:
0xb6: {  	_ =	swait.ge [sflag:s24], $0x1F40;
	(pc) =	sbr.rel @p0 .LBB2_2-.Ltmp0, $4  }
0xb7: {  	[sflag:s24] =	ssyncset.done $0x0  }
0xb8: {  	[sflag:s24] =	ssyncadd.s32 $0xFFFFE0C0  }
0xb9: {  	_ =	swait.ge [sflag:s24], $0x1F40  }
0xba: {  	s30 =	smov.u32 s28;
	[sflag:s24] =	ssyncset.done $0x0  }
0xbb: {  	s26 =	sshra.s32 s26, $0x2;
	[sflag:s24] =	ssyncadd.s32 $0xFFFFE0C0  }
0xbc: {  	[tilespmem:s15], [sflag:$0x1] =	stream.indirect.gather [hbm4b:s2+s14], $0x40, s26, s14, $0xb8;
	[tilespmem:$0x1EA00] =	vst v63  }
0xbd: {  	s28 =	sadd.s32 $0x80, s26  }
0xbe: {  	[tilespmem:s16], [sflag:$0x1] =	stream.indirect.gather [hbm4b:s2+s14], $0x40, s28, s14, $0xb8;
	[tilespmem:$0x1EA00] =	vst v63  }
0xbf: {  	s31 =	sadd.s32 $0x100, s26  }
0xc0: {  	[tilespmem:s17], [sflag:$0x1] =	stream.indirect.gather [hbm4b:s2+s14], $0x40, s31, s14, $0xb8;
	[tilespmem:$0x1EA00] =	vst v63  }
0xc1: {  	s29 =	sadd.s32 $0x180, s26  }
0xc2: {  	[tilespmem:s18], [sflag:$0x1] =	stream.indirect.gather [hbm4b:s2+s14], $0x40, s29, s14, $0xb8;
	[tilespmem:$0x1EA00] =	vst v63  }
0xc3: {  	s30 =	sadd.s32 $0x200, s26  }
0xc4: {  	[tilespmem:s19], [sflag:$0x1] =	stream.indirect.gather [hbm4b:s2+s14], $0x40, s30, s14, $0xb8;
	[tilespmem:$0x1EA00] =	vst v63  }
0xc5: {  	s31 =	sadd.s32 $0x280, s26  }
0xc6: {  	[tilespmem:s20], [sflag:$0x1] =	stream.indirect.gather [hbm4b:s2+s14], $0x40, s31, s14, $0xb8;
	[tilespmem:$0x1EA00] =	vst v63  }
0xc7: {  	s29 =	sadd.s32 $0x300, s26  }
0xc8: {  	[tilespmem:s21], [sflag:$0x1] =	stream.indirect.gather [hbm4b:s2+s14], $0x40, s29, s14, $0xb8;
	[tilespmem:$0x1EA00] =	vst v63  }
0xc9: {  	s30 =	sadd.s32 $0x380, s26  }
0xca: {  	[tilespmem:s22], [sflag:$0x1] =	stream.indirect.gather [hbm4b:s2+s14], $0x40, s30, s14, $0xb8;
	[tilespmem:$0x1EA00] =	vst v63  }
0xcb: {  	_ =	swait.ge [sflag:s23], $0x1F40  }
0xcc: {  	[sflag:s23] =	ssyncset.done $0x0  }
0xcd: {  	[sflag:s23] =	ssyncadd.s32 $0xFFFFE0C0  }
0xce: {  	_ =	swait.ge [sflag:s23], $0x1F40  }
0xcf: {  	[sflag:s23] =	ssyncset.done $0x0  }
0xd0: {  	[sflag:s23] =	ssyncadd.s32 $0xFFFFE0C0  }
0xd1: {  	_ =	swait.ge [sflag:s23], $0x1F40  }
0xd2: {  	[sflag:s23] =	ssyncset.done $0x0  }
0xd3: {  	[sflag:s23] =	ssyncadd.s32 $0xFFFFE0C0  }
0xd4: {  	_ =	swait.ge [sflag:s23], $0x1F40  }
0xd5: {  	[sflag:s23] =	ssyncset.done $0x0  }
0xd6: {  	[sflag:s23] =	ssyncadd.s32 $0xFFFFE0C0  }
0xd7: {  	_ =	swait.ge [sflag:s23], $0x1F40  }
0xd8: {  	[sflag:s23] =	ssyncset.done $0x0  }
0xd9: {  	[sflag:s23] =	ssyncadd.s32 $0xFFFFE0C0  }
0xda: {  	_ =	swait.ge [sflag:s23], $0x1F40  }
0xdb: {  	[sflag:s23] =	ssyncset.done $0x0  }
0xdc: {  	[sflag:s23] =	ssyncadd.s32 $0xFFFFE0C0  }
0xdd: {  	_ =	swait.ge [sflag:s23], $0x1F40  }
0xde: {  	[sflag:s23] =	ssyncset.done $0x0  }
0xdf: {  	[sflag:s23] =	ssyncadd.s32 $0xFFFFE0C0  }
0xe0: {  	_ =	swait.ge [sflag:s23], $0x1F40  }
0xe1: {  	[sflag:s23] =	ssyncset.done $0x0  }
0xe2: {  	s31 =	sadd.s32 $0x2800, s26;
	[sflag:s23] =	ssyncadd.s32 $0xFFFFE0C0  }
0xe3: {  	[spmem:s3] =	stream.indirect.scatter.add.f32 [tilespmem:s15], [sflag:$0x2], $0x40, s31, s14, $0xb8;
	[tilespmem:$0x1EA00] =	vst v63  }
0xe4: {  	s29 =	sadd.s32 $0x2880, s26  }
0xe5: {  	[spmem:s3] =	stream.indirect.scatter.add.f32 [tilespmem:s16], [sflag:$0x2], $0x40, s29, s14, $0xb8;
	[tilespmem:$0x1EA00] =	vst v63  }
0xe6: {  	s30 =	sadd.s32 $0x2900, s26  }
0xe7: {  	[spmem:s3] =	stream.indirect.scatter.add.f32 [tilespmem:s17], [sflag:$0x2], $0x40, s30, s14, $0xb8;
	[tilespmem:$0x1EA00] =	vst v63  }
0xe8: {  	s31 =	sadd.s32 $0x2980, s26  }
0xe9: {  	[spmem:s3] =	stream.indirect.scatter.add.f32 [tilespmem:s18], [sflag:$0x2], $0x40, s31, s14, $0xb8;
	[tilespmem:$0x1EA00] =	vst v63  }
0xea: {  	s29 =	sadd.s32 $0x2A00, s26  }
0xeb: {  	[spmem:s3] =	stream.indirect.scatter.add.f32 [tilespmem:s19], [sflag:$0x2], $0x40, s29, s14, $0xb8;
	[tilespmem:$0x1EA00] =	vst v63  }
0xec: {  	s30 =	sadd.s32 $0x2A80, s26  }
0xed: {  	[spmem:s3] =	stream.indirect.scatter.add.f32 [tilespmem:s20], [sflag:$0x2], $0x40, s30, s14, $0xb8;
	[tilespmem:$0x1EA00] =	vst v63  }
0xee: {  	s31 =	sadd.s32 $0x2B00, s26  }
0xef: {  	[spmem:s3] =	stream.indirect.scatter.add.f32 [tilespmem:s21], [sflag:$0x2], $0x40, s31, s14, $0xb8;
	[tilespmem:$0x1EA00] =	vst v63  }
0xf0: {  	s26 =	sadd.s32 $0x2B80, s26  }
0xf1: {  	[spmem:s3] =	stream.indirect.scatter.add.f32 [tilespmem:s22], [sflag:$0x2], $0x40, s26, s14, $0xb8;
	[tilespmem:$0x1EA00] =	vst v63  }
0xf2: {  	_ =	swait.ge [sflag:s24], $0x1F40  }
0xf3: {  	[sflag:s24] =	ssyncset.done $0x0  }
0xf4: {  	[sflag:s24] =	ssyncadd.s32 $0xFFFFE0C0  }
0xf5: {  	_ =	swait.ge [sflag:s24], $0x1F40  }
0xf6: {  	[sflag:s24] =	ssyncset.done $0x0  }
0xf7: {  	[sflag:s24] =	ssyncadd.s32 $0xFFFFE0C0  }
0xf8: {  	_ =	swait.ge [sflag:s24], $0x1F40  }
0xf9: {  	[sflag:s24] =	ssyncset.done $0x0  }
0xfa: {  	[sflag:s24] =	ssyncadd.s32 $0xFFFFE0C0  }
0xfb: {  	_ =	swait.ge [sflag:s24], $0x1F40  }
0xfc: {  	[sflag:s24] =	ssyncset.done $0x0  }
0xfd: {  	[sflag:s24] =	ssyncadd.s32 $0xFFFFE0C0  }
0xfe: {  	_ =	swait.ge [sflag:s24], $0x1F40  }
0xff: {  	[sflag:s24] =	ssyncset.done $0x0  }
0x100: {  	[sflag:s24] =	ssyncadd.s32 $0xFFFFE0C0  }
0x101: {  	_ =	swait.ge [sflag:s24], $0x1F40  }
0x102: {  	[sflag:s24] =	ssyncset.done $0x0  }
0x103: {  	[sflag:s24] =	ssyncadd.s32 $0xFFFFE0C0  }
0x104: {  	_ =	swait.ge [sflag:s24], $0x1F40  }
0x105: {  	[sflag:s24] =	ssyncset.done $0x0  }
0x106: {  	[sflag:s24] =	ssyncadd.s32 $0xFFFFE0C0  }
0x107: {  	_ =	swait.ge [sflag:s24], $0x1F40  }
0x108: {  	s25 =	sadd.s32 $0x1, s25;
	[sflag:s24] =	ssyncset.done $0x0  }
0x109: {  	p0 =	sne.s32 s25, s10;
	[sflag:s24] =	ssyncadd.s32 $0xFFFFE0C0  }
.Ltmp1:
0x10a: {  	[bflag:$0x0] =	sbarrier.arrive $0xFFFF;
	(pc) =	sbr.rel @p0 .LBB2_1-.Ltmp1, $4  }
0x10b: {  	[hbm:s9], [sflag:s6] =	dma.local [spmem:s11], $0x1400  }
0x10c: {  	_ =	swait.ge [sflag:s12], $0x1400  }
0x10d: {  	[sflag:s12] =	ssyncset.done $0x0  }
0x10e: {  	[sflag:s12] =	ssyncadd.s32 $0xFFFFEC00  }
0x10f: {  	_ =	sfence.sel $0x180000  }
0x110: {  	[bflag:$0x0] =	sbarrier.arrive $0xFFFF  }
0x111: {  	p0 =	sne.s32 s0, $0x0;
	_ =	strace $0x9000004D  }
0x112: {  	s0 =	sadd.s32 @!p0 $0x100000, s1;
	[bflag:$0x2] =	sbarrier.arrive $0xFFFF  }
0x113: {  	[sflag:s0] =	ssyncadd.tile.s32 @!p0 $0x1;
	_ =	shalt  }
.Lfunc_end2:
_tile_overlayer_lowered:
.L_overlay_start_2:
0x114: {  	(tag) =	ssettag $0x2  }
0x115: {  	s0 =	rddreg [dreg:$0x0];
	s2 =	stileid.u32  }
0x116: {  	s1 =	rddreg [dreg:$0x1];
	p0 =	sne.s32 s2, $0x0  }
0x117: {  	s3 =	rddreg [dreg:$0x2];
	[bflag:$0x3] =	sbarrier.arrive $0xFFFF;
	s2 =	simm.s32 @!p0 $0x1C03  }
0x118: {  	[timem:s3], [sflag:s2] =	dma.local @!p0 [hbm:s0], s1  }
0x119: {  	s0 =	simm.s32 @!p0 $0x3  }
0x11a: {  	_ =	swait.ge @!p0 [sflag:s0], s1  }
0x11b: {  	s1 =	ssub.s32 @!p0 $0x0, s1;
	[sflag:s0] =	ssyncset.done @!p0 $0x0  }
0x11c: {  	[sflag:s0] =	ssyncadd.s32 @!p0 s1  }
0x11d: {  	[bflag:$0x3] =	sbarrier.arrive $0xFFFF  }
0x11e: {  	_ =	shalt  }

// kernel: kernel.8.cloned.1.call-start
scs
__scs_entry_jumppad:
0x0: {  	(pc) =	sbr.rel $0x88, $3  }
0x1: {  	(tag) =	ssettag $0x0;
	lr =	simm.s32 $0x1  }
0x2: {  	[smem:$0x3F94] =	sst lr;
	_ =	strace $0xD0000000  }
0x3: {  	_ = 	snop  }
0x4: {  	_ = 	snop  }
0x5: {  	_ = 	snop  }
0x6: {  	_ = 	snop  }
0x7: {  	_ = 	snop  }
__scs_overlays_trampoline_lowered:
0x8: {  	[smem:$0x3FA3] =	sst s0  }
0x9: {  	[smem:$0x3FA4] =	sst s1  }
0xa: {  	[smem:$0x3FA5] =	sst s2  }
0xb: {  	[smem:$0x3FA6] =	sst s3  }
0xc: {  	[smem:$0x3FA7] =	sst s4  }
0xd: {  	[smem:$0x3FA8] =	sst s5  }
0xe: {  	[smem:$0x3FA9] =	sst s6  }
0xf: {  	[smem:$0x3FAA] =	sst s7  }
0x10: {  	[smem:$0x3FAB] =	sst s8  }
0x11: {  	[smem:$0x3FAC] =	sst s9;
	s0 =	simm.s32 @!p0 $0x0  }
0x12: {  	s1 =	sld [smem:$0x3F92];
	s0 =	simm.s32 @p0 $0x1  }
0x13: {  	[smem:$0x3FAD] =	sst s0;
	s0 =	simm.s32 @!p1 $0x0  }
0x14: {  	s2 =	sld [smem:$0x3F91];
	s0 =	simm.s32 @p1 $0x1  }
0x15: {  	[smem:$0x3FAE] =	sst s0;
	s0 =	simm.s32 @!p2 $0x0  }
0x16: {  	s3 =	sld [smem:$0x3FDB];
	s0 =	simm.s32 @p2 $0x1  }
0x17: {  	s4 =	simm.s32 $0x1BF5;
	[smem:$0x3FB0] =	sst s0  }
0x18: {  	s0 =	sld [smem:$0x3F93];
	_ =	swait.ge [sflag:s4], $0x0  }
0x19: {  	s7 =	sld [smem:$0x3F94]  }
0x1a: {  	s8 =	sadd.s32 $0xFFFFE003, lr  }
0x1b: {  	s9 =	sadd.s32 $0xFFFFFEF7, lr;
	s5 =	simm.s32 $0xFFFFFFFF;
	p2 =	slt.u32 s8, $0xFFFFF086  }
0x1c: {  	p1 =	slt.u32 s9, $0xF7A;
	s5 =	simm.s32 @!p2 $0x0  }
0x1d: {  	s5 =	simm.s32 @p1 $0x1;
	p0 =	seq.s32 s7, s2  }
0x1e: {  	s7 =	smul.u32 @!p0 $0xF7A, s2;
	p2 =	seq.s32 @!p0 s5, $0x0  }
0x1f: {  	s9 =	smul.u32 $0xF7A, s1;
	s8 =	simm.s32 @!p0 $0x1BF5;
	p2 =	por !p2, p0  }
0x20: {  	[sflag:s8] =	ssyncset.s32 @!p0 $0xFFFFF086;
	s6 =	sadd.s32 @!p0 s3, s7;
	s7 =	simm.s32 @!p0 $0x108  }
0x21: {  	s3 =	sadd.s32 s3, s9;
	s6 =	sadd.s32 @!p0 $0x88, s6;
	s7 =	simm.s32 @p2 $0x1082  }
0x22: {  	[simem:s7], [sflag:s8] =	dma.local @!p0 [hbm:s6], $0xF7A  }
0x23: {  	s9 =	sor.u32 $0xD0000000, s2;
	s6 =	simm.s32 $0x108;
	_ =	swait.ge @!p0 [sflag:s8], $0x0  }
0x24: {  	s3 =	sadd.s32 $0x88, s3;
	s6 =	simm.s32 @!p1 $0x1082;
	[sflag:s4] =	ssyncset.s32 $0xFFFFF086  }
0x25: {  	[simem:s6], [sflag:s4] =	dma.local [hbm:s3], $0xF7A  }
0x26: {  	[smem:$0x3F94] =	sst s1;
	(tag) =	ssettag s2;
	_ =	strace s9  }
0x27: {  	s1 =	sld [smem:$0x3FA4]  }
0x28: {  	s2 =	sld [smem:$0x3FA5]  }
0x29: {  	s4 =	sld [smem:$0x3FA7]  }
0x2a: {  	p0 =	seq.s32 s5, $0x0;
	s5 =	sld [smem:$0x3FA8]  }
0x2b: {  	s6 =	sld [smem:$0x3FA9]  }
0x2c: {  	s7 =	sld [smem:$0x3FAA]  }
0x2d: {  	s3 =	simm.s32 $0x108;
	s8 =	sld [smem:$0x3FAB]  }
0x2e: {  	s3 =	simm.s32 @!p0 $0x1082;
	s9 =	sld [smem:$0x3FAC]  }
0x2f: {  	lr =	sadd.s32 s0, s3;
	s0 =	sld [smem:$0x3FA3]  }
0x30: {  	s3 =	sld [smem:$0x3FA6]  }
0x31: {  	[smem:$0x3FAF] =	sst s10  }
0x32: {  	s10 =	sld [smem:$0x3FAD];
	_ =	sdelay $0x3  }
0x33: {  	p0 =	seq.s32 s10, $0x1;
	s10 =	sld [smem:$0x3FAF];
	_ =	sdelay $0x3  }
0x34: {  	[smem:$0x3FAF] =	sst s10  }
0x35: {  	s10 =	sld [smem:$0x3FAE];
	_ =	sdelay $0x3  }
0x36: {  	p1 =	seq.s32 s10, $0x1;
	s10 =	sld [smem:$0x3FAF];
	_ =	sdelay $0x3  }
0x37: {  	[smem:$0x3FAF] =	sst s10  }
0x38: {  	s10 =	sld [smem:$0x3FB0]  }
0x39: {  	_ = 	snop;
	(pc) =	sbr.ind lr, $3  }
0x3a: {  	_ = 	snop  }
0x3b: {  	_ = 	snop  }
0x3c: {  	p2 =	seq.s32 s10, $0x1;
	s10 =	sld [smem:$0x3FAF]  }
0x3d: {  	_ =	shalt  }
0x3e: {  	_ =	shalt  }
0x3f: {  	_ =	shalt  }
0x40: {  	_ =	shalt  }
0x41: {  	_ =	shalt  }
0x42: {  	_ =	shalt  }
0x43: {  	_ =	shalt  }
0x44: {  	_ =	shalt  }
0x45: {  	_ =	shalt  }
0x46: {  	_ =	shalt  }
0x47: {  	_ =	shalt  }
0x48: {  	_ =	shalt  }
0x49: {  	_ =	shalt  }
0x4a: {  	_ =	shalt  }
0x4b: {  	_ =	shalt  }
0x4c: {  	_ =	shalt  }
0x4d: {  	_ =	shalt  }
0x4e: {  	_ =	shalt  }
0x4f: {  	_ =	shalt  }
0x50: {  	_ =	shalt  }
0x51: {  	_ =	shalt  }
0x52: {  	_ =	shalt  }
0x53: {  	_ =	shalt  }
0x54: {  	_ =	shalt  }
0x55: {  	_ =	shalt  }
0x56: {  	_ =	shalt  }
0x57: {  	_ =	shalt  }
0x58: {  	_ =	shalt  }
0x59: {  	_ =	shalt  }
0x5a: {  	_ =	shalt  }
0x5b: {  	_ =	shalt  }
0x5c: {  	_ =	shalt  }
0x5d: {  	_ =	shalt  }
0x5e: {  	_ =	shalt  }
0x5f: {  	_ =	shalt  }
0x60: {  	_ =	shalt  }
0x61: {  	_ =	shalt  }
0x62: {  	_ =	shalt  }
0x63: {  	_ =	shalt  }
0x64: {  	_ =	shalt  }
0x65: {  	_ =	shalt  }
0x66: {  	_ =	shalt  }
0x67: {  	_ =	shalt  }
0x68: {  	_ =	shalt  }
0x69: {  	_ =	shalt  }
0x6a: {  	_ =	shalt  }
0x6b: {  	_ =	shalt  }
0x6c: {  	_ =	shalt  }
0x6d: {  	_ =	shalt  }
0x6e: {  	_ =	shalt  }
0x6f: {  	_ =	shalt  }
0x70: {  	_ =	shalt  }
0x71: {  	_ =	shalt  }
0x72: {  	_ =	shalt  }
0x73: {  	_ =	shalt  }
0x74: {  	_ =	shalt  }
0x75: {  	_ =	shalt  }
0x76: {  	_ =	shalt  }
0x77: {  	_ =	shalt  }
0x78: {  	_ =	shalt  }
0x79: {  	_ =	shalt  }
0x7a: {  	_ =	shalt  }
0x7b: {  	_ =	shalt  }
0x7c: {  	_ =	shalt  }
0x7d: {  	_ =	shalt  }
0x7e: {  	_ =	shalt  }
0x7f: {  	_ =	shalt  }
0x80: {  	_ =	shalt  }
0x81: {  	_ =	shalt  }
0x82: {  	_ =	shalt  }
0x83: {  	_ =	shalt  }
0x84: {  	_ =	shalt  }
0x85: {  	_ =	shalt  }
0x86: {  	_ =	shalt  }
0x87: {  	_ =	shalt  }
.Lfunc_end0:
.L_simem_size_0:
called_computation_lowered:
.L_overlay_start_0:
0x88: {  	s2 =	sld [smem:$0x3FD9]  }
0x89: {  	s3 =	sld [smem:$0x3FFE];
	_ =	sdelay $0x1  }
0x8a: {  	s1 =	srdreg.scid  }
0x8b: {  	s0 =	sand.u32 $0x1, s1  }
0x8c: {  	s17 =	sshll.u32 s0, $0xA;
	s2 =	sadd.s32 s3, s2  }
0x8d: {  	s2 =	sadd.s32 s2, s17  }
0x8e: {  	[smem:$0x3FBB] =	sst s2  }
0x8f: {  	_ = 	snop  }
0x90: {  	s2 =	sld [smem:$0x3FD0];
	(tm) =	ssettm $0x1  }
0x91: {  	s18 =	sld [smem:$0x3FFB];
	_ =	sdelay $0x3  }
0x92: {  	_ =	strace s18  }
0x93: {  	s3 =	sld [smem:$0x3FFC];
	_ =	sdelay $0x3  }
0x94: {  	_ =	strace s3  }
0x95: {  	s3 =	sld [smem:$0x3FFD];
	_ =	sdelay $0x3  }
0x96: {  	_ =	strace s3  }
0x97: {  	_ =	strace $0x8FFFFFFF  }
0x98: {  	s19 =	sld [smem:$0x3FDB];
	_ =	sdelay $0x1  }
0x99: {  	s4 =	simm.s32 $_scs_section_size  }
0x9a: {  	s5 =	simm.s32 $_size__tile_overlayer_lowered;
	s6 =	simm.s32 $_tile_overlayer_lowered  }
0x9b: {  	s22 =	simm.s32 $0x1BFF;
	s21 =	sshll.u32 s6, $0x1;
	s3 =	sadd.s32 s4, s19  }
0x9c: {  	s7 =	simm.s32 $0x0;
	s20 =	sshll.u32 s5, $0x1;
	s5 =	sadd.s32 s21, s3  }
0x9d: {  	[timem:s7], [sflag:s22] =	dma.local [hbm:s5], s20  }
0x9e: {  	_ =	swait.ge [sflag:s22], s20  }
0x9f: {  	s4 =	ssub.s32 $0x0, s20;
	[sflag:s22] =	ssyncset.done $0x0  }
0xa0: {  	[sflag:s22] =	ssyncadd.s32 s4;
	_ =	sdelay $0x1  }
0xa1: {  	s23 =	simm.s32 $0x1B8B  }
0xa2: {  	_ =	swait.ge [sflag:s23], $0x1  }
0xa3: {  	[sflag:s23] =	ssyncset.done $0x0  }
0xa4: {  	s25 =	simm.s32 $0x1B8E;
	s24 =	sld [smem:$0x3FFE];
	[sflag:s23] =	ssyncadd.s32 $0xFFFFFFFF  }
0xa5: {  	s26 =	simm.s32 $execute0_lowered;
	[smem:$0x3FD2] =	sst s25  }
0xa6: {  	s5 =	sshll.u32 s26, $0x1;
	_ =	strace $0x80000046;
	[dreg:$0x1] =	wrdreg $0xFFFFFFFF  }
0xa7: {  	s28 =	simm.s32 $_size_execute0_lowered;
	s3 =	sadd.s32 s3, s5;
	[dreg:$0x0] =	wrdreg $0x0  }
0xa8: {  	s5 =	sshll.u32 s28, $0x1;
	[dreg:$0x2] =	wrdreg s3  }
0xa9: {  	[dreg:$0x3] =	wrdreg s5  }
0xaa: {  	[dreg:$0x4] =	wrdreg $0xC0  }
0xab: {  	_ =	task [dreg:s7], $0x5FFFF  }
0xac: {  	[dreg:$0x1] =	wrdreg $0xFFFFFFFF  }
0xad: {  	[dreg:$0x0] =	wrdreg $0x60  }
0xae: {  	[dreg:$0x2] =	wrdreg s24  }
0xaf: {  	[dreg:$0x3] =	wrdreg s2  }
0xb0: {  	[dreg:$0x4] =	wrdreg $0x2FD00  }
0xb1: {  	[dreg:$0x5] =	wrdreg $0x9  }
0xb2: {  	_ =	task.clear_ibuf [dreg:s7], $0x6FFFF;
	_ =	strace $0x90000046  }
0xb3: {  	s29 =	simm.s32 $0x9;
	_ =	strace $0x80000048  }
0xb4: {  	_ =	swait.ge [sflag:s29], $0x1  }
0xb5: {  	[sflag:s29] =	ssyncadd.s32 $0xFFFFFFFF  }
0xb6: {  	_ =	strace $0x90000048  }
0xb7: {  	_ =	sfence  }
0xb8: {  	s30 =	sld [smem:$0x0];
	_ =	sdelay $0x2  }
0xb9: {  	s31 =	sshll.u32 s1, $0xD;
	s1 =	sshrl.u32 s1, $0x2  }
0xba: {  	s3 =	sand.u32 $0x4000, s31;
	s1 =	sadd.s32 s1, s30  }
0xbb: {  	s0 =	sor.u32 s3, s0;
	s1 =	sshll.u32 s1, $0x11  }
0xbc: {  	s0 =	sor.u32 s1, s0  }
0xbd: {  	s0 =	sadd.s32 $0x8F2B, s0  }
0xbe: {  	[sflag:s0] =	ssyncadd.remote.s32 $0x1  }
0xbf: {  	_ =	sfence.sel $0xFFFF  }
0xc0: {  	[dreg:$0x0] =	wrdreg $0xFFFFFFFF;
	(pc) =	sbr.abs _section_cstart, $3  }
0xc1: {  	[dreg:$0x1] =	wrdreg $0xFFFFFFFF  }
0xc2: {  	_ =	task.clear_ibuf [dreg:s7], $0x2FFFF;
	_ =	strace $0x9FFFFFFF  }
0xc3: {  	(tm) =	ssettm $0x7FFFFFFF  }
tec
execute0_lowered:
.L_overlay_start_1:
0x0: {  	(tag) =	ssettag $0x1  }
0x1: {  	s4 =	rddreg [dreg:$0x0];
	s1 =	srdreg.scid  }
0x2: {  	s0 =	stileid.u32;
	s8 =	rddreg [dreg:$0x1]  }
0x3: {  	s2 =	rddreg [dreg:$0x2];
	s3 =	simm.s32 $0x0;
	s13 =	simm.s32 $0x7D  }
0x4: {  	s14 =	simm.s32 $0x1;
	s5 =	sand.u32 $0x1, s1;
	s1 =	rddreg [dreg:$0x3]  }
0x5: {  	s15 =	simm.s32 $0x0;
	s28 =	sshll.u32 s0, $0x1;
	[smem:$0x7FF] =	sst s3  }
0x6: {  	s7 =	smul.u32 $0x2800, s0;
	s30 =	sshll.u32 s0, $0x6;
	s6 =	sor.u32 s5, s28  }
0x7: {  	_ =	strace $0x80000047;
	s29 =	ssub.s32 $0x2, s5;
	s5 =	smul.u32 $0x28000, s5  }
0x8: {  	s6 =	smul.u32 $0x500, s6;
	s10 =	sshrl.u32 s7, $0x3;
	s11 =	sshrl.u32 s29, $0x1  }
0x9: {  	s12 =	sadd.s32 s7, s2;
	s10 =	sadd.s32 s10, s4;
	s11 =	ssub.s32 s29, s11  }
0xa: {  	s7 =	sadd.s32 s7, s5;
	s9 =	sadd.s32 s6, s4;
	s4 =	sadd.s32 $0xBE00, s4  }
0xb: {  	s5 =	sadd.s32 $0xC000, s10;
	s6 =	sor.u32 $0x1C02, s30;
	s31 =	sshrl.u32 s7, $0x3  }
0xc: {  	s10 =	sshrl.u32 s12, $0x3;
	s12 =	simm.s32 $0x2800;
	s7 =	sadd.s32 $0x1E00, s9  }
0xd: {  	s8 =	sadd.s32 s8, s31;
	s9 =	smax.u32 s11, $0x1;
	s11 =	simm.s32 $0x2  }
.LBB2_1:
0xe: {  	[spmem:s10], [sflag:s6] =	dma.local [hbm:s5], $0x500  }
0xf: {  	_ =	swait.ge [sflag:s11], $0x500  }
0x10: {  	[sflag:s11] =	ssyncset.done $0x0  }
0x11: {  	[sflag:s11] =	ssyncadd.s32 $0xFFFFFB00  }
0x12: {  	[tilespmem:s3], [sflag:$0x2] =	stream.linear.gather [hbm4b:s7+s3], $0x2800, $0x38;
	[tilespmem:$0x57D0] =	vst v63  }
0x13: {  	_ =	swait.ge [sflag:s11], $0x2800  }
0x14: {  	[sflag:s11] =	ssyncset.done $0x0  }
0x15: {  	[sflag:s11] =	ssyncadd.s32 $0xFFFFD800  }
0x16: {  	[tilespmem:s12], [sflag:$0x2] =	stream.linear.gather [hbm4b:s4+s3], $0x7D0, $0x38;
	[tilespmem:$0x57D0] =	vst v63  }
0x17: {  	_ =	swait.ge [sflag:s11], $0x7D0  }
0x18: {  	[sflag:s11] =	ssyncset.done $0x0  }
0x19: {  	[sflag:s11] =	ssyncadd.s32 $0xFFFFF830  }
0x1a: {  	s16 =	simm.s32 $0x0;
	[bflag:$0x0] =	sbarrier.arrive $0xFFFF  }
0x1b: {  	[spmem:s2] =	stream.indirect.scatter.add.f32 [tilespmem:s12], [sflag:$0x1], $0x10, s16, s13, $0xb8;
	[tilespmem:$0x57D0] =	vst v63  }
0x1c: {  	s24 =	simm.s32 $0x80  }
0x1d: {  	[spmem:s2] =	stream.indirect.scatter.add.f32 [tilespmem:s12], [sflag:$0x1], $0x10, s24, s13, $0xb8;
	[tilespmem:$0x57D0] =	vst v63  }
0x1e: {  	s25 =	simm.s32 $0x100  }
0x1f: {  	[spmem:s2] =	stream.indirect.scatter.add.f32 [tilespmem:s12], [sflag:$0x1], $0x10, s25, s13, $0xb8;
	[tilespmem:$0x57D0] =	vst v63  }
0x20: {  	s26 =	simm.s32 $0x180  }
0x21: {  	[spmem:s2] =	stream.indirect.scatter.add.f32 [tilespmem:s12], [sflag:$0x1], $0x10, s26, s13, $0xb8;
	[tilespmem:$0x57D0] =	vst v63  }
0x22: {  	s28 =	simm.s32 $0x200  }
0x23: {  	[spmem:s2] =	stream.indirect.scatter.add.f32 [tilespmem:s12], [sflag:$0x1], $0x10, s28, s13, $0xb8;
	[tilespmem:$0x57D0] =	vst v63  }
0x24: {  	s29 =	simm.s32 $0x280  }
0x25: {  	[spmem:s2] =	stream.indirect.scatter.add.f32 [tilespmem:s12], [sflag:$0x1], $0x10, s29, s13, $0xb8;
	[tilespmem:$0x57D0] =	vst v63  }
0x26: {  	s30 =	simm.s32 $0x300  }
0x27: {  	[spmem:s2] =	stream.indirect.scatter.add.f32 [tilespmem:s12], [sflag:$0x1], $0x10, s30, s13, $0xb8;
	[tilespmem:$0x57D0] =	vst v63  }
0x28: {  	s31 =	simm.s32 $0x380  }
0x29: {  	[spmem:s2] =	stream.indirect.scatter.add.f32 [tilespmem:s12], [sflag:$0x1], $0x10, s31, s13, $0xb8;
	[tilespmem:$0x57D0] =	vst v63  }
0x2a: {  	_ =	swait.ge [sflag:s14], $0x7D0  }
0x2b: {  	[sflag:s14] =	ssyncset.done $0x0  }
0x2c: {  	[sflag:s14] =	ssyncadd.s32 $0xFFFFF830  }
0x2d: {  	_ =	swait.ge [sflag:s14], $0x7D0  }
0x2e: {  	[sflag:s14] =	ssyncset.done $0x0  }
0x2f: {  	[sflag:s14] =	ssyncadd.s32 $0xFFFFF830  }
0x30: {  	_ =	swait.ge [sflag:s14], $0x7D0  }
0x31: {  	[sflag:s14] =	ssyncset.done $0x0  }
0x32: {  	[sflag:s14] =	ssyncadd.s32 $0xFFFFF830  }
0x33: {  	_ =	swait.ge [sflag:s14], $0x7D0  }
0x34: {  	[sflag:s14] =	ssyncset.done $0x0  }
0x35: {  	[sflag:s14] =	ssyncadd.s32 $0xFFFFF830  }
0x36: {  	_ =	swait.ge [sflag:s14], $0x7D0  }
0x37: {  	[sflag:s14] =	ssyncset.done $0x0  }
0x38: {  	[sflag:s14] =	ssyncadd.s32 $0xFFFFF830  }
0x39: {  	_ =	swait.ge [sflag:s14], $0x7D0  }
0x3a: {  	[sflag:s14] =	ssyncset.done $0x0  }
0x3b: {  	[sflag:s14] =	ssyncadd.s32 $0xFFFFF830  }
0x3c: {  	_ =	swait.ge [sflag:s14], $0x7D0  }
0x3d: {  	[sflag:s14] =	ssyncset.done $0x0  }
0x3e: {  	[sflag:s14] =	ssyncadd.s32 $0xFFFFF830  }
0x3f: {  	_ =	swait.ge [sflag:s14], $0x7D0  }
0x40: {  	s18 =	simm.s32 $0x2000;
	s16 =	simm.s32 $0x1000;
	[sflag:s14] =	ssyncset.done $0x0  }
.LBB2_2:
0x41: {  	s19 =	sshra.s32 s16, $0x2  }
0x42: {  	[sflag:s14] =	ssyncadd.s32 $0xFFFFF830;
	s16 =	smov.u32 s18;
	s17 =	sadd.s32 $0x1000, s18  }
0x43: {  	[spmem:s2] =	stream.indirect.scatter.add.f32 [tilespmem:s12], [sflag:$0x1], $0x10, s19, s13, $0xb8;
	[tilespmem:$0x57D0] =	vst v63  }
0x44: {  	p0 =	sne.s32 s18, $0x9000;
	s18 =	sadd.s32 $0x80, s19  }
0x45: {  	[spmem:s2] =	stream.indirect.scatter.add.f32 [tilespmem:s12], [sflag:$0x1], $0x10, s18, s13, $0xb8;
	[tilespmem:$0x57D0] =	vst v63  }
0x46: {  	s18 =	sadd.s32 $0x100, s19  }
0x47: {  	[spmem:s2] =	stream.indirect.scatter.add.f32 [tilespmem:s12], [sflag:$0x1], $0x10, s18, s13, $0xb8;
	[tilespmem:$0x57D0] =	vst v63  }
0x48: {  	s18 =	sadd.s32 $0x180, s19  }
0x49: {  	[spmem:s2] =	stream.indirect.scatter.add.f32 [tilespmem:s12], [sflag:$0x1], $0x10, s18, s13, $0xb8;
	[tilespmem:$0x57D0] =	vst v63  }
0x4a: {  	s18 =	sadd.s32 $0x200, s19  }
0x4b: {  	[spmem:s2] =	stream.indirect.scatter.add.f32 [tilespmem:s12], [sflag:$0x1], $0x10, s18, s13, $0xb8;
	[tilespmem:$0x57D0] =	vst v63  }
0x4c: {  	s18 =	sadd.s32 $0x280, s19  }
0x4d: {  	[spmem:s2] =	stream.indirect.scatter.add.f32 [tilespmem:s12], [sflag:$0x1], $0x10, s18, s13, $0xb8;
	[tilespmem:$0x57D0] =	vst v63  }
0x4e: {  	s18 =	sadd.s32 $0x300, s19  }
0x4f: {  	[spmem:s2] =	stream.indirect.scatter.add.f32 [tilespmem:s12], [sflag:$0x1], $0x10, s18, s13, $0xb8;
	[tilespmem:$0x57D0] =	vst v63  }
0x50: {  	s18 =	sadd.s32 $0x380, s19  }
0x51: {  	[spmem:s2] =	stream.indirect.scatter.add.f32 [tilespmem:s12], [sflag:$0x1], $0x10, s18, s13, $0xb8;
	[tilespmem:$0x57D0] =	vst v63  }
0x52: {  	_ =	swait.ge [sflag:s14], $0x7D0  }
0x53: {  	[sflag:s14] =	ssyncset.done $0x0  }
0x54: {  	[sflag:s14] =	ssyncadd.s32 $0xFFFFF830  }
0x55: {  	_ =	swait.ge [sflag:s14], $0x7D0  }
0x56: {  	[sflag:s14] =	ssyncset.done $0x0  }
0x57: {  	[sflag:s14] =	ssyncadd.s32 $0xFFFFF830  }
0x58: {  	_ =	swait.ge [sflag:s14], $0x7D0  }
0x59: {  	[sflag:s14] =	ssyncset.done $0x0  }
0x5a: {  	[sflag:s14] =	ssyncadd.s32 $0xFFFFF830  }
0x5b: {  	_ =	swait.ge [sflag:s14], $0x7D0  }
0x5c: {  	[sflag:s14] =	ssyncset.done $0x0  }
0x5d: {  	[sflag:s14] =	ssyncadd.s32 $0xFFFFF830  }
0x5e: {  	_ =	swait.ge [sflag:s14], $0x7D0  }
0x5f: {  	[sflag:s14] =	ssyncset.done $0x0  }
0x60: {  	[sflag:s14] =	ssyncadd.s32 $0xFFFFF830  }
0x61: {  	_ =	swait.ge [sflag:s14], $0x7D0  }
0x62: {  	[sflag:s14] =	ssyncset.done $0x0  }
0x63: {  	[sflag:s14] =	ssyncadd.s32 $0xFFFFF830  }
.Ltmp0:
0x64: {  	_ =	swait.ge [sflag:s14], $0x7D0;
	(pc) =	sbr.rel @p0 .LBB2_2-.Ltmp0, $4  }
0x65: {  	[sflag:s14] =	ssyncset.done $0x0  }
0x66: {  	[sflag:s14] =	ssyncadd.s32 $0xFFFFF830  }
0x67: {  	_ =	swait.ge [sflag:s14], $0x7D0  }
0x68: {  	s18 =	smov.u32 s17;
	[sflag:s14] =	ssyncset.done $0x0  }
0x69: {  	s16 =	sshra.s32 s16, $0x2;
	[sflag:s14] =	ssyncadd.s32 $0xFFFFF830  }
0x6a: {  	[spmem:s2] =	stream.indirect.scatter.add.f32 [tilespmem:s12], [sflag:$0x1], $0x10, s16, s13, $0xb8;
	[tilespmem:$0x57D0] =	vst v63  }
0x6b: {  	s17 =	sadd.s32 $0x80, s16  }
0x6c: {  	[spmem:s2] =	stream.indirect.scatter.add.f32 [tilespmem:s12], [sflag:$0x1], $0x10, s17, s13, $0xb8;
	[tilespmem:$0x57D0] =	vst v63  }
0x6d: {  	s26 =	sadd.s32 $0x100, s16  }
0x6e: {  	[spmem:s2] =	stream.indirect.scatter.add.f32 [tilespmem:s12], [sflag:$0x1], $0x10, s26, s13, $0xb8;
	[tilespmem:$0x57D0] =	vst v63  }
0x6f: {  	s28 =	sadd.s32 $0x180, s16  }
0x70: {  	[spmem:s2] =	stream.indirect.scatter.add.f32 [tilespmem:s12], [sflag:$0x1], $0x10, s28, s13, $0xb8;
	[tilespmem:$0x57D0] =	vst v63  }
0x71: {  	s29 =	sadd.s32 $0x200, s16  }
0x72: {  	[spmem:s2] =	stream.indirect.scatter.add.f32 [tilespmem:s12], [sflag:$0x1], $0x10, s29, s13, $0xb8;
	[tilespmem:$0x57D0] =	vst v63  }
0x73: {  	s30 =	sadd.s32 $0x280, s16  }
0x74: {  	[spmem:s2] =	stream.indirect.scatter.add.f32 [tilespmem:s12], [sflag:$0x1], $0x10, s30, s13, $0xb8;
	[tilespmem:$0x57D0] =	vst v63  }
0x75: {  	s31 =	sadd.s32 $0x300, s16  }
0x76: {  	[spmem:s2] =	stream.indirect.scatter.add.f32 [tilespmem:s12], [sflag:$0x1], $0x10, s31, s13, $0xb8;
	[tilespmem:$0x57D0] =	vst v63  }
0x77: {  	s16 =	sadd.s32 $0x380, s16  }
0x78: {  	[spmem:s2] =	stream.indirect.scatter.add.f32 [tilespmem:s12], [sflag:$0x1], $0x10, s16, s13, $0xb8;
	[tilespmem:$0x57D0] =	vst v63  }
0x79: {  	_ =	swait.ge [sflag:s14], $0x7D0  }
0x7a: {  	[sflag:s14] =	ssyncset.done $0x0  }
0x7b: {  	[sflag:s14] =	ssyncadd.s32 $0xFFFFF830  }
0x7c: {  	_ =	swait.ge [sflag:s14], $0x7D0  }
0x7d: {  	[sflag:s14] =	ssyncset.done $0x0  }
0x7e: {  	[sflag:s14] =	ssyncadd.s32 $0xFFFFF830  }
0x7f: {  	_ =	swait.ge [sflag:s14], $0x7D0  }
0x80: {  	[sflag:s14] =	ssyncset.done $0x0  }
0x81: {  	[sflag:s14] =	ssyncadd.s32 $0xFFFFF830  }
0x82: {  	_ =	swait.ge [sflag:s14], $0x7D0  }
0x83: {  	[sflag:s14] =	ssyncset.done $0x0  }
0x84: {  	[sflag:s14] =	ssyncadd.s32 $0xFFFFF830  }
0x85: {  	_ =	swait.ge [sflag:s14], $0x7D0  }
0x86: {  	[sflag:s14] =	ssyncset.done $0x0  }
0x87: {  	[sflag:s14] =	ssyncadd.s32 $0xFFFFF830  }
0x88: {  	_ =	swait.ge [sflag:s14], $0x7D0  }
0x89: {  	[sflag:s14] =	ssyncset.done $0x0  }
0x8a: {  	[sflag:s14] =	ssyncadd.s32 $0xFFFFF830  }
0x8b: {  	_ =	swait.ge [sflag:s14], $0x7D0  }
0x8c: {  	[sflag:s14] =	ssyncset.done $0x0  }
0x8d: {  	[sflag:s14] =	ssyncadd.s32 $0xFFFFF830  }
0x8e: {  	_ =	swait.ge [sflag:s14], $0x7D0  }
0x8f: {  	s15 =	sadd.s32 $0x1, s15;
	[sflag:s14] =	ssyncset.done $0x0  }
0x90: {  	p0 =	sne.s32 s15, s9;
	[sflag:s14] =	ssyncadd.s32 $0xFFFFF830  }
.Ltmp1:
0x91: {  	[bflag:$0x0] =	sbarrier.arrive $0xFFFF;
	(pc) =	sbr.rel @p0 .LBB2_1-.Ltmp1, $4  }
0x92: {  	[hbm:s8], [sflag:s6] =	dma.local [spmem:s10], $0x500  }
0x93: {  	_ =	swait.ge [sflag:s11], $0x500  }
0x94: {  	[sflag:s11] =	ssyncset.done $0x0  }
0x95: {  	[sflag:s11] =	ssyncadd.s32 $0xFFFFFB00  }
0x96: {  	_ =	sfence.sel $0x180000  }
0x97: {  	[bflag:$0x0] =	sbarrier.arrive $0xFFFF  }
0x98: {  	p0 =	sne.s32 s0, $0x0;
	_ =	strace $0x90000047  }
0x99: {  	s0 =	sadd.s32 @!p0 $0x100000, s1;
	[bflag:$0x2] =	sbarrier.arrive $0xFFFF  }
0x9a: {  	[sflag:s0] =	ssyncadd.tile.s32 @!p0 $0x1;
	_ =	shalt  }
.Lfunc_end2:
_tile_overlayer_lowered:
.L_overlay_start_2:
0x9b: {  	(tag) =	ssettag $0x2  }
0x9c: {  	s0 =	rddreg [dreg:$0x0];
	s2 =	stileid.u32  }
0x9d: {  	s1 =	rddreg [dreg:$0x1];
	p0 =	sne.s32 s2, $0x0  }
0x9e: {  	s3 =	rddreg [dreg:$0x2];
	[bflag:$0x3] =	sbarrier.arrive $0xFFFF;
	s2 =	simm.s32 @!p0 $0x1C02  }
0x9f: {  	[timem:s3], [sflag:s2] =	dma.local @!p0 [hbm:s0], s1  }
0xa0: {  	s0 =	simm.s32 @!p0 $0x2  }
0xa1: {  	_ =	swait.ge @!p0 [sflag:s0], s1  }
0xa2: {  	s1 =	ssub.s32 @!p0 $0x0, s1;
	[sflag:s0] =	ssyncset.done @!p0 $0x0  }
0xa3: {  	[sflag:s0] =	ssyncadd.s32 @!p0 s1  }
0xa4: {  	[bflag:$0x3] =	sbarrier.arrive $0xFFFF  }
0xa5: {  	_ =	shalt  }

</sc_bundles>
